<compile_context>
chip_gen: v7x
topology: tpu7x:2x2x1
jax: 0.10.2.dev20260603
libtpu: 0.0.44.dev20260713+nightly
codegen_flags: <defaults>
</compile_context>

<pallas_src>
import functools

import jax
import jax.numpy as jnp
from jax import lax
from jax.experimental import pallas as pl
from jax.experimental.pallas import tpu as pltpu
from jax.experimental.pallas import tpu_sc as plsc

NC = 2
NS = 16
CH = 128
NBUF = 5




@functools.lru_cache(maxsize=None)
def _make_agg(n_pad, h, nchunk, with_deg):
    hc = h // NC
    rows_pt = n_pad // NS
    ndrain = rows_pt // CH
    hcb = hc // 16

    mesh = plsc.VectorSubcoreMesh(
        core_axis_name="c", subcore_axis_name="s",
        num_cores=NC, num_subcores=NS)

    outs = [jax.ShapeDtypeStruct((NC, n_pad, hc), jnp.float32)]
    if with_deg:
        outs.append(jax.ShapeDtypeStruct((n_pad,), jnp.float32))

    scratch = [
        pltpu.VMEM((nchunk, CH), jnp.int32),
        pltpu.VMEM((nchunk, CH), jnp.int32),
        pltpu.VMEM((CH,), jnp.float32),
        pltpu.VMEM((rows_pt,), jnp.float32),
        pltpu.VMEM_SHARED((n_pad, hc), jnp.float32),
        pltpu.VMEM_SHARED((n_pad,), jnp.float32),
    ] + [pltpu.VMEM((CH, hc), jnp.float32) for _ in range(NBUF)] \
      + [pltpu.SemaphoreType.DMA for _ in range(NBUF + 1)]

    def body(p_hbm, src_hbm, dst_hbm, *rest):
        if with_deg:
            out_hbm, invd_hbm = rest[0], rest[1]
            scr = rest[2:]
        else:
            out_hbm = rest[0]
            scr = rest[1:]
        srcv, dstv, onesv, dbuf, acc_sh, deg_sh = scr[:6]
        bufs = list(scr[6:6 + NBUF])
        gsems = list(scr[6 + NBUF:6 + 2 * NBUF])
        dsem = scr[6 + 2 * NBUF]
        buf = bufs[0]

        c = lax.axis_index("c")
        s = lax.axis_index("s")
        base = s * rows_pt
        ptab = p_hbm.at[c]

        pltpu.sync_copy(src_hbm.at[s], srcv)
        pltpu.sync_copy(dst_hbm.at[s], dstv)
        for b in range(1, NBUF):
            pltpu.async_copy(ptab.at[srcv.at[b]], bufs[b], gsems[b])

        zero16 = jnp.zeros((16,), jnp.float32)

        def zfill(r, carry):
            for cb in range(hcb):
                buf[r, pl.ds(cb * 16, 16)] = zero16
            return carry
        lax.fori_loop(0, CH, zfill, 0)

        if with_deg:
            one16 = jnp.ones((16,), jnp.float32)

            def ofill(i, carry):
                onesv[pl.ds(i * 16, 16)] = one16
                return carry
            lax.fori_loop(0, CH // 16, ofill, 0)

        def zcopy(i, carry):
            pltpu.sync_copy(buf, acc_sh.at[pl.ds(base + i * CH, CH)])
            return carry
        lax.fori_loop(0, ndrain, zcopy, 0)
        if with_deg:
            def zdeg(i, carry):
                pltpu.sync_copy(buf.at[0], deg_sh.at[pl.ds(base + i * hc, hc)])
                return carry
            lax.fori_loop(0, rows_pt // hc, zdeg, 0)
        plsc.subcore_barrier()

        pltpu.async_copy(ptab.at[srcv.at[0]], bufs[0], gsems[0])

        def group(g, carry):
            for b in range(NBUF):
                j = g * NBUF + b
                pltpu.make_async_copy(
                    ptab.at[srcv.at[j]], bufs[b], gsems[b]).wait()
                pltpu.sync_copy(bufs[b], acc_sh.at[dstv.at[j]], add=True)
                if with_deg:
                    @pl.when(c == 0)
                    def _():
                        pltpu.async_copy(onesv, deg_sh.at[dstv.at[j]],
                                         dsem, add=True)
                nj = j + NBUF

                @pl.when(nj < nchunk)
                def _():
                    pltpu.async_copy(ptab.at[srcv.at[nj]], bufs[b], gsems[b])
            return carry
        lax.fori_loop(0, nchunk // NBUF, group, 0)
        if with_deg:
            @pl.when(c == 0)
            def _():
                def ddrain(j, carry):
                    pltpu.make_async_copy(
                        onesv, deg_sh.at[dstv.at[j]], dsem).wait()
                    return carry
                lax.fori_loop(0, nchunk, ddrain, 0)
        plsc.subcore_barrier()

        if with_deg:
            pltpu.sync_copy(deg_sh.at[pl.ds(base, rows_pt)], dbuf)

            def iv(i, carry):
                d = dbuf[pl.ds(i * 16, 16)]
                dbuf[pl.ds(i * 16, 16)] = 1.0 / jnp.maximum(d, 1.0)
                return carry
            lax.fori_loop(0, rows_pt // 16, iv, 0)

            @pl.when(c == 0)
            def _():
                pltpu.sync_copy(dbuf, invd_hbm.at[pl.ds(base, rows_pt)])

        for i in range(ndrain):
            pltpu.async_copy(acc_sh.at[pl.ds(base + i * CH, CH)],
                             out_hbm.at[c].at[pl.ds(base + i * CH, CH)],
                             gsems[i % NBUF])
        for i in range(ndrain):
            pltpu.make_async_copy(
                acc_sh.at[pl.ds(base + i * CH, CH)],
                out_hbm.at[c].at[pl.ds(base + i * CH, CH)],
                gsems[i % NBUF]).wait()

    return pl.kernel(body, out_type=tuple(outs), mesh=mesh,
                     scratch_types=tuple(scratch),
                     compiler_params=pltpu.CompilerParams(
                         use_tc_tiling_on_sc=False))




def _pack_p(p, p_ref):
    rb, h = p.shape
    hc = h // NC
    p3 = p.reshape(rb // 2, 2, h)
    for c in range(NC):
        p_ref[c] = jnp.concatenate(
            [p3[:, 0, c * hc:(c + 1) * hc], p3[:, 1, c * hc:(c + 1) * hc]],
            axis=1)


def _unpack_s(sp_ref, invd_ref):
    spp = sp_ref[...]
    _, rb2, h = spp.shape
    hc = h // 2
    a = jnp.concatenate([spp[0][:, :hc], spp[1][:, :hc]], axis=1)
    b = jnp.concatenate([spp[0][:, hc:], spp[1][:, hc:]], axis=1)
    sm = jnp.stack([a, b], axis=1).reshape(rb2 * 2, h)
    return sm * invd_ref[...]


def _mm2_body(x_ref, wn_ref, ws_ref, b_ref, p_ref, q_ref):
    x = x_ref[...]
    _pack_p(jnp.dot(x, wn_ref[...], preferred_element_type=jnp.float32),
            p_ref)
    q_ref[...] = (jnp.dot(x, ws_ref[...], preferred_element_type=jnp.float32)
                  + b_ref[...])


def _layer_body(q_ref, sp_ref, invd_ref, wn_ref, ws_ref, b_ref,
                p_ref, q2_ref):
    sm = _unpack_s(sp_ref, invd_ref)
    hcur = jnp.maximum(q_ref[...] + sm, 0.0)
    _pack_p(jnp.dot(hcur, wn_ref[...], preferred_element_type=jnp.float32),
            p_ref)
    q2_ref[...] = (jnp.dot(hcur, ws_ref[...],
                           preferred_element_type=jnp.float32) + b_ref[...])


def _make_final_body(n_real, rblk):
    def _final_body(q_ref, sp_ref, invd_ref, out_ref):
        i = pl.program_id(0)
        sm = _unpack_s(sp_ref, invd_ref)
        h2 = jnp.maximum(q_ref[...] + sm, 0.0)
        rows = i * rblk + lax.broadcasted_iota(jnp.int32, (rblk, 1), 0)
        h2 = jnp.where(rows < n_real, h2, 0.0)
        part = jnp.sum(h2, axis=0, keepdims=True) * (1.0 / n_real)

        @pl.when(i == 0)
        def _():
            out_ref[...] = jnp.zeros_like(out_ref)
        out_ref[...] += part
    return _final_body


def _tc1(feat, wn, ws, b, rblk, npad):
    n, d = feat.shape
    h = wn.shape[1]
    return pl.pallas_call(
        _mm2_body,
        grid=(n // rblk,),
        in_specs=[pl.BlockSpec((rblk, d), lambda i: (i, 0)),
                  pl.BlockSpec((d, h), lambda i: (0, 0)),
                  pl.BlockSpec((d, h), lambda i: (0, 0)),
                  pl.BlockSpec((1, h), lambda i: (0, 0))],
        out_specs=[pl.BlockSpec((NC, rblk // 2, h), lambda i: (0, i, 0)),
                   pl.BlockSpec((rblk, h), lambda i: (i, 0))],
        out_shape=[jax.ShapeDtypeStruct((NC, npad // 2, h), jnp.float32),
                   jax.ShapeDtypeStruct((npad, h), jnp.float32)],
    )(feat, wn, ws, b)


def _tc2(q, sp, invd, wn, ws, b, rblk):
    npad, h = q.shape
    return pl.pallas_call(
        _layer_body,
        grid=(npad // rblk,),
        in_specs=[pl.BlockSpec((rblk, h), lambda i: (i, 0)),
                  pl.BlockSpec((NC, rblk // 2, h), lambda i: (0, i, 0)),
                  pl.BlockSpec((rblk, 1), lambda i: (i, 0)),
                  pl.BlockSpec((h, h), lambda i: (0, 0)),
                  pl.BlockSpec((h, h), lambda i: (0, 0)),
                  pl.BlockSpec((1, h), lambda i: (0, 0))],
        out_specs=[pl.BlockSpec((NC, rblk // 2, h), lambda i: (0, i, 0)),
                   pl.BlockSpec((rblk, h), lambda i: (i, 0))],
        out_shape=[jax.ShapeDtypeStruct((NC, npad // 2, h), jnp.float32),
                   jax.ShapeDtypeStruct((npad, h), jnp.float32)],
    )(q, sp, invd, wn, ws, b)


def _tc3(q, sp, invd, n_real, rblk):
    npad, h = q.shape
    return pl.pallas_call(
        _make_final_body(n_real, rblk),
        grid=(npad // rblk,),
        in_specs=[pl.BlockSpec((rblk, h), lambda i: (i, 0)),
                  pl.BlockSpec((NC, rblk // 2, h), lambda i: (0, i, 0)),
                  pl.BlockSpec((rblk, 1), lambda i: (i, 0))],
        out_specs=pl.BlockSpec((1, h), lambda i: (0, 0)),
        out_shape=jax.ShapeDtypeStruct((1, h), jnp.float32),
    )(q, sp, invd)




def kernel(feat, edge_index, W_self1, W_neigh1, b1, W_self2, W_neigh2, b2):
    n, d = feat.shape
    e = edge_index.shape[1]
    h = W_self1.shape[0]
    rblk = 1280

    npad = -(-n // (NS * CH)) * NS * CH
    nchunk = -(-e // (NS * CH))
    nchunk = -(-nchunk // NBUF) * NBUF
    e_pad = NS * nchunk * CH
    pad = e_pad - e
    prows = npad - n

    src = edge_index[0].astype(jnp.int32)
    dst = edge_index[1].astype(jnp.int32)
    if pad:
        ar = jnp.arange(pad, dtype=jnp.int32)
        src = jnp.concatenate([src, ar % n])
        dst = jnp.concatenate([dst, n + ar % prows])
    src3 = src.reshape(NS, nchunk, CH)
    dst3 = dst.reshape(NS, nchunk, CH)

    wn1, ws1 = W_neigh1.T, W_self1.T
    wn2, ws2 = W_neigh2.T, W_self2.T
    b1r, b2r = b1.reshape(1, h), b2.reshape(1, h)

    hc = h // NC
    agg1 = _make_agg(npad, h, nchunk, True)
    agg2 = _make_agg(npad, h, nchunk, False)

    rblk1 = 2000
    p1, q1 = _tc1(feat, wn1, ws1, b1r, rblk1, npad)
    s1, invd = agg1(p1.reshape(NC, npad, hc), src3, dst3)
    invd2 = invd.reshape(npad, 1)
    p2, q2 = _tc2(q1, s1.reshape(NC, npad // 2, h), invd2, wn2, ws2, b2r,
                  rblk)
    (s2,) = agg2(p2.reshape(NC, npad, hc), src3, dst3)
    out = _tc3(q2, s2.reshape(NC, npad // 2, h), invd2, n, rblk)
    return out.reshape(h)

# --- scband reference (transcript-rebuilt; emitter-appended) ---
"""Pipeline reference for scband-graph-sageencoder-70806830841996 (READ-ONLY COPY).

The authoritative reference and input builder live on the scoring server;
editing this copy changes nothing except your own understanding.
"""

import jax, jax.numpy as jnp
import numpy as np

N = 10000
E = 320000
D = 128
H = 128


def setup_inputs(seed: int = 0) -> dict:
    key = jax.random.key(seed)
    ks = jax.random.split(key, 10)
    feat = jax.random.normal(ks[0], (N, D), dtype=jnp.float32)
    edge_index = jax.random.randint(ks[1], (2, E), 0, N, dtype=jnp.int64)
    s1 = 1.0 / np.sqrt(D)
    s2 = 1.0 / np.sqrt(H)
    W_self1 = jax.random.uniform(ks[2], (H, D), dtype=jnp.float32, minval=-s1, maxval=s1)
    W_neigh1 = jax.random.uniform(ks[3], (H, D), dtype=jnp.float32, minval=-s1, maxval=s1)
    b1 = jnp.zeros((H,), dtype=jnp.float32)
    W_self2 = jax.random.uniform(ks[4], (H, H), dtype=jnp.float32, minval=-s2, maxval=s2)
    W_neigh2 = jax.random.uniform(ks[5], (H, H), dtype=jnp.float32, minval=-s2, maxval=s2)
    b2 = jnp.zeros((H,), dtype=jnp.float32)
    return {"feat": feat, "edge_index": edge_index,
            "W_self1": W_self1, "W_neigh1": W_neigh1, "b1": b1,
            "W_self2": W_self2, "W_neigh2": W_neigh2, "b2": b2}


def _sage_layer(h, src, dst, W_self, W_neigh, b):
    # DGL SAGEConv (mean aggregator): h_neigh = mean over in-neighbors (0 if deg==0)
    msg = h[src]  # gather source features along edges
    neigh_sum = jax.ops.segment_sum(msg, dst, num_segments=N)
    deg = jax.ops.segment_sum(jnp.ones((msg.shape[0], 1), h.dtype), dst, num_segments=N)
    h_neigh = neigh_sum / jnp.maximum(deg, 1.0)
    rst = h @ W_self.T + h_neigh @ W_neigh.T + b
    return jax.nn.relu(rst)


def reference(feat, edge_index, W_self1, W_neigh1, b1, W_self2, W_neigh2, b2):
    src = edge_index[0]
    dst = edge_index[1]
    h = _sage_layer(feat, src, dst, W_self1, W_neigh1, b1)
    h = _sage_layer(h, src, dst, W_self2, W_neigh2, b2)
    # dgl.mean_nodes over single graph, then squeeze(0)
    h_graph = jnp.mean(h, axis=0)
    return h_graph

if __name__ == "__main__":
    import jax
    _d = setup_inputs()
    print(jax.jit(kernel)(*tuple(_d.values())))

</pallas_src>

<mosaic_0001>
#map = affine_map<(d0, d1) -> (0, 0, 0)>
#map1 = affine_map<(d0, d1) -> (0)>
module attributes {stable_mosaic.version = 14 : i64} {
  func.func @body(%arg0: i32, %arg1: i32, %arg2: memref<2x10240x64xf32, #tpu.memory_space<hbm>>, %arg3: memref<16x160x128xi32, #tpu.memory_space<hbm>>, %arg4: memref<16x160x128xi32, #tpu.memory_space<hbm>>, %arg5: memref<2x10240x64xf32, #tpu.memory_space<hbm>>, %arg6: memref<10240xf32, #tpu.memory_space<hbm>>, %arg7: memref<160x128xi32, #tpu.memory_space<vmem>>, %arg8: memref<160x128xi32, #tpu.memory_space<vmem>>, %arg9: memref<128xf32, #tpu.memory_space<vmem>>, %arg10: memref<640xf32, #tpu.memory_space<vmem>>, %arg11: memref<10240x64xf32, #tpu.memory_space<vmem_shared>>, %arg12: memref<10240xf32, #tpu.memory_space<vmem_shared>>, %arg13: memref<128x64xf32, #tpu.memory_space<vmem>>, %arg14: memref<128x64xf32, #tpu.memory_space<vmem>>, %arg15: memref<128x64xf32, #tpu.memory_space<vmem>>, %arg16: memref<128x64xf32, #tpu.memory_space<vmem>>, %arg17: memref<128x64xf32, #tpu.memory_space<vmem>>, %arg18: memref<!tpu.dma_semaphore, #tpu.memory_space<semaphore_mem>>, %arg19: memref<!tpu.dma_semaphore, #tpu.memory_space<semaphore_mem>>, %arg20: memref<!tpu.dma_semaphore, #tpu.memory_space<semaphore_mem>>, %arg21: memref<!tpu.dma_semaphore, #tpu.memory_space<semaphore_mem>>, %arg22: memref<!tpu.dma_semaphore, #tpu.memory_space<semaphore_mem>>, %arg23: memref<!tpu.dma_semaphore, #tpu.memory_space<semaphore_mem>>) attributes {dimension_semantics = [#tpu.dimension_semantics<core_parallel>, #tpu.dimension_semantics<subcore_parallel>], iteration_bounds = array<i64: 2, 16>, scalar_prefetch = 0 : i64, scratch_operands = 17 : i64, tpu.core_type = #tpu.core_type<sc_vector_subcore>, window_params = [{transform_indices = #map}, {transform_indices = #map}, {transform_indices = #map}, {transform_indices = #map}, {transform_indices = #map1}]} {
    %mul3A = arith.constant 640 : i32
    %mul3A_0 = arith.muli %arg1, %mul3A : i32
    "tpu.region"() ({
      %run_scoped3A = tpu.sem_alloc : memref<!tpu.dma_semaphore, #tpu.memory_space<semaphore_mem>>
      %dma_start3A_219 = arith.constant 0 : i32
      %dma_start3A_220 = arith.constant 0 : i32
      %dma_start3A_221 = tpu.memref_slice %arg3[%arg1, %dma_start3A_219, %dma_start3A_220] : memref<16x160x128xi32, #tpu.memory_space<hbm>> -> memref<1x160x128xi32, #tpu.memory_space<hbm>>
      %dma_start3A_222 = tpu.memref_squeeze %dma_start3A_221 : memref<1x160x128xi32, #tpu.memory_space<hbm>> -> memref<160x128xi32, #tpu.memory_space<hbm>>
      %dma_start3A_223 = arith.constant 0 : i32
      %dma_start3A_224 = arith.constant 0 : i32
      %dma_start3A_225 = tpu.memref_slice %arg3[%arg1, %dma_start3A_223, %dma_start3A_224] : memref<16x160x128xi32, #tpu.memory_space<hbm>> -> memref<1x160x128xi32, #tpu.memory_space<hbm>>
      %dma_start3A_226 = tpu.memref_squeeze %dma_start3A_225 : memref<1x160x128xi32, #tpu.memory_space<hbm>> -> memref<160x128xi32, #tpu.memory_space<hbm>>
      tpu.enqueue_dma source(%dma_start3A_226 : memref<160x128xi32, #tpu.memory_space<hbm>>) target(%arg7 : memref<160x128xi32, #tpu.memory_space<vmem>>) target_semaphore(%run_scoped3A : memref<!tpu.dma_semaphore, #tpu.memory_space<semaphore_mem>>)
      %dma_wait3A_227 = arith.constant 0 : i32
      %dma_wait3A_228 = arith.constant 0 : i32
      %dma_wait3A_229 = tpu.memref_slice %arg3[%arg1, %dma_wait3A_227, %dma_wait3A_228] : memref<16x160x128xi32, #tpu.memory_space<hbm>> -> memref<1x160x128xi32, #tpu.memory_space<hbm>>
      %dma_wait3A_230 = tpu.memref_squeeze %dma_wait3A_229 : memref<1x160x128xi32, #tpu.memory_space<hbm>> -> memref<160x128xi32, #tpu.memory_space<hbm>>
      %dma_wait3A_231 = arith.constant 0 : i32
      %dma_wait3A_232 = arith.constant 0 : i32
      %dma_wait3A_233 = tpu.memref_slice %arg3[%arg1, %dma_wait3A_231, %dma_wait3A_232] : memref<16x160x128xi32, #tpu.memory_space<hbm>> -> memref<1x160x128xi32, #tpu.memory_space<hbm>>
      %dma_wait3A_234 = tpu.memref_squeeze %dma_wait3A_233 : memref<1x160x128xi32, #tpu.memory_space<hbm>> -> memref<160x128xi32, #tpu.memory_space<hbm>>
      tpu.wait_dma2 semaphore(%run_scoped3A : memref<!tpu.dma_semaphore, #tpu.memory_space<semaphore_mem>>) src(%dma_wait3A_234 : memref<160x128xi32, #tpu.memory_space<hbm>>) dst(%arg7 : memref<160x128xi32, #tpu.memory_space<vmem>>)
      tpu.yield
    }) : () -> ()
    "tpu.region"() ({
      %run_scoped3A = tpu.sem_alloc : memref<!tpu.dma_semaphore, #tpu.memory_space<semaphore_mem>>
      %dma_start3A_219 = arith.constant 0 : i32
      %dma_start3A_220 = arith.constant 0 : i32
      %dma_start3A_221 = tpu.memref_slice %arg4[%arg1, %dma_start3A_219, %dma_start3A_220] : memref<16x160x128xi32, #tpu.memory_space<hbm>> -> memref<1x160x128xi32, #tpu.memory_space<hbm>>
      %dma_start3A_222 = tpu.memref_squeeze %dma_start3A_221 : memref<1x160x128xi32, #tpu.memory_space<hbm>> -> memref<160x128xi32, #tpu.memory_space<hbm>>
      %dma_start3A_223 = arith.constant 0 : i32
      %dma_start3A_224 = arith.constant 0 : i32
      %dma_start3A_225 = tpu.memref_slice %arg4[%arg1, %dma_start3A_223, %dma_start3A_224] : memref<16x160x128xi32, #tpu.memory_space<hbm>> -> memref<1x160x128xi32, #tpu.memory_space<hbm>>
      %dma_start3A_226 = tpu.memref_squeeze %dma_start3A_225 : memref<1x160x128xi32, #tpu.memory_space<hbm>> -> memref<160x128xi32, #tpu.memory_space<hbm>>
      tpu.enqueue_dma source(%dma_start3A_226 : memref<160x128xi32, #tpu.memory_space<hbm>>) target(%arg8 : memref<160x128xi32, #tpu.memory_space<vmem>>) target_semaphore(%run_scoped3A : memref<!tpu.dma_semaphore, #tpu.memory_space<semaphore_mem>>)
      %dma_wait3A_227 = arith.constant 0 : i32
      %dma_wait3A_228 = arith.constant 0 : i32
      %dma_wait3A_229 = tpu.memref_slice %arg4[%arg1, %dma_wait3A_227, %dma_wait3A_228] : memref<16x160x128xi32, #tpu.memory_space<hbm>> -> memref<1x160x128xi32, #tpu.memory_space<hbm>>
      %dma_wait3A_230 = tpu.memref_squeeze %dma_wait3A_229 : memref<1x160x128xi32, #tpu.memory_space<hbm>> -> memref<160x128xi32, #tpu.memory_space<hbm>>
      %dma_wait3A_231 = arith.constant 0 : i32
      %dma_wait3A_232 = arith.constant 0 : i32
      %dma_wait3A_233 = tpu.memref_slice %arg4[%arg1, %dma_wait3A_231, %dma_wait3A_232] : memref<16x160x128xi32, #tpu.memory_space<hbm>> -> memref<1x160x128xi32, #tpu.memory_space<hbm>>
      %dma_wait3A_234 = tpu.memref_squeeze %dma_wait3A_233 : memref<1x160x128xi32, #tpu.memory_space<hbm>> -> memref<160x128xi32, #tpu.memory_space<hbm>>
      tpu.wait_dma2 semaphore(%run_scoped3A : memref<!tpu.dma_semaphore, #tpu.memory_space<semaphore_mem>>) src(%dma_wait3A_234 : memref<160x128xi32, #tpu.memory_space<hbm>>) dst(%arg8 : memref<160x128xi32, #tpu.memory_space<vmem>>)
      tpu.yield
    }) : () -> ()
    %dma_start3A = arith.constant 1 : i32
    %dma_start3A_1 = arith.constant 0 : i32
    %dma_start3A_2 = tpu.memref_slice %arg7[%dma_start3A, %dma_start3A_1] : memref<160x128xi32, #tpu.memory_space<vmem>> -> memref<1x128xi32, #tpu.memory_space<vmem>>
    %dma_start3A_3 = tpu.memref_squeeze %dma_start3A_2 : memref<1x128xi32, #tpu.memory_space<vmem>> -> memref<128xi32, #tpu.memory_space<vmem>>
    %dma_start3A_4 = arith.constant 0 : i32
    %dma_start3A_5 = arith.constant 0 : i32
    %dma_start3A_6 = tpu.memref_slice %arg2[%arg0, %dma_start3A_4, %dma_start3A_5] : memref<2x10240x64xf32, #tpu.memory_space<hbm>> -> memref<1x10240x64xf32, #tpu.memory_space<hbm>>
    %dma_start3A_7 = tpu.memref_squeeze %dma_start3A_6 : memref<1x10240x64xf32, #tpu.memory_space<hbm>> -> memref<10240x64xf32, #tpu.memory_space<hbm>>
    %dma_start3A_8 = arith.constant 0 : i32
    %dma_start3A_9 = arith.constant 0 : i32
    %dma_start3A_10 = tpu.memref_slice %dma_start3A_7[%dma_start3A_8, %dma_start3A_9] : memref<10240x64xf32, #tpu.memory_space<hbm>> -> memref<10240x64xf32, #tpu.memory_space<hbm>>
    tpu.enqueue_indirect_dma source(%dma_start3A_10 : memref<10240x64xf32, #tpu.memory_space<hbm>>) target(%arg14 : memref<128x64xf32, #tpu.memory_space<vmem>>) offsets(%dma_start3A_3 : memref<128xi32, #tpu.memory_space<vmem>>) semaphore(%arg19 : memref<!tpu.dma_semaphore, #tpu.memory_space<semaphore_mem>>)
    %dma_start3A_11 = arith.constant 2 : i32
    %dma_start3A_12 = arith.constant 0 : i32
    %dma_start3A_13 = tpu.memref_slice %arg7[%dma_start3A_11, %dma_start3A_12] : memref<160x128xi32, #tpu.memory_space<vmem>> -> memref<1x128xi32, #tpu.memory_space<vmem>>
    %dma_start3A_14 = tpu.memref_squeeze %dma_start3A_13 : memref<1x128xi32, #tpu.memory_space<vmem>> -> memref<128xi32, #tpu.memory_space<vmem>>
    %dma_start3A_15 = arith.constant 0 : i32
    %dma_start3A_16 = arith.constant 0 : i32
    %dma_start3A_17 = tpu.memref_slice %arg2[%arg0, %dma_start3A_15, %dma_start3A_16] : memref<2x10240x64xf32, #tpu.memory_space<hbm>> -> memref<1x10240x64xf32, #tpu.memory_space<hbm>>
    %dma_start3A_18 = tpu.memref_squeeze %dma_start3A_17 : memref<1x10240x64xf32, #tpu.memory_space<hbm>> -> memref<10240x64xf32, #tpu.memory_space<hbm>>
    %dma_start3A_19 = arith.constant 0 : i32
    %dma_start3A_20 = arith.constant 0 : i32
    %dma_start3A_21 = tpu.memref_slice %dma_start3A_18[%dma_start3A_19, %dma_start3A_20] : memref<10240x64xf32, #tpu.memory_space<hbm>> -> memref<10240x64xf32, #tpu.memory_space<hbm>>
    tpu.enqueue_indirect_dma source(%dma_start3A_21 : memref<10240x64xf32, #tpu.memory_space<hbm>>) target(%arg15 : memref<128x64xf32, #tpu.memory_space<vmem>>) offsets(%dma_start3A_14 : memref<128xi32, #tpu.memory_space<vmem>>) semaphore(%arg20 : memref<!tpu.dma_semaphore, #tpu.memory_space<semaphore_mem>>)
    %dma_start3A_22 = arith.constant 3 : i32
    %dma_start3A_23 = arith.constant 0 : i32
    %dma_start3A_24 = tpu.memref_slice %arg7[%dma_start3A_22, %dma_start3A_23] : memref<160x128xi32, #tpu.memory_space<vmem>> -> memref<1x128xi32, #tpu.memory_space<vmem>>
    %dma_start3A_25 = tpu.memref_squeeze %dma_start3A_24 : memref<1x128xi32, #tpu.memory_space<vmem>> -> memref<128xi32, #tpu.memory_space<vmem>>
    %dma_start3A_26 = arith.constant 0 : i32
    %dma_start3A_27 = arith.constant 0 : i32
    %dma_start3A_28 = tpu.memref_slice %arg2[%arg0, %dma_start3A_26, %dma_start3A_27] : memref<2x10240x64xf32, #tpu.memory_space<hbm>> -> memref<1x10240x64xf32, #tpu.memory_space<hbm>>
    %dma_start3A_29 = tpu.memref_squeeze %dma_start3A_28 : memref<1x10240x64xf32, #tpu.memory_space<hbm>> -> memref<10240x64xf32, #tpu.memory_space<hbm>>
    %dma_start3A_30 = arith.constant 0 : i32
    %dma_start3A_31 = arith.constant 0 : i32
    %dma_start3A_32 = tpu.memref_slice %dma_start3A_29[%dma_start3A_30, %dma_start3A_31] : memref<10240x64xf32, #tpu.memory_space<hbm>> -> memref<10240x64xf32, #tpu.memory_space<hbm>>
    tpu.enqueue_indirect_dma source(%dma_start3A_32 : memref<10240x64xf32, #tpu.memory_space<hbm>>) target(%arg16 : memref<128x64xf32, #tpu.memory_space<vmem>>) offsets(%dma_start3A_25 : memref<128xi32, #tpu.memory_space<vmem>>) semaphore(%arg21 : memref<!tpu.dma_semaphore, #tpu.memory_space<semaphore_mem>>)
    %dma_start3A_33 = arith.constant 4 : i32
    %dma_start3A_34 = arith.constant 0 : i32
    %dma_start3A_35 = tpu.memref_slice %arg7[%dma_start3A_33, %dma_start3A_34] : memref<160x128xi32, #tpu.memory_space<vmem>> -> memref<1x128xi32, #tpu.memory_space<vmem>>
    %dma_start3A_36 = tpu.memref_squeeze %dma_start3A_35 : memref<1x128xi32, #tpu.memory_space<vmem>> -> memref<128xi32, #tpu.memory_space<vmem>>
    %dma_start3A_37 = arith.constant 0 : i32
    %dma_start3A_38 = arith.constant 0 : i32
    %dma_start3A_39 = tpu.memref_slice %arg2[%arg0, %dma_start3A_37, %dma_start3A_38] : memref<2x10240x64xf32, #tpu.memory_space<hbm>> -> memref<1x10240x64xf32, #tpu.memory_space<hbm>>
    %dma_start3A_40 = tpu.memref_squeeze %dma_start3A_39 : memref<1x10240x64xf32, #tpu.memory_space<hbm>> -> memref<10240x64xf32, #tpu.memory_space<hbm>>
    %dma_start3A_41 = arith.constant 0 : i32
    %dma_start3A_42 = arith.constant 0 : i32
    %dma_start3A_43 = tpu.memref_slice %dma_start3A_40[%dma_start3A_41, %dma_start3A_42] : memref<10240x64xf32, #tpu.memory_space<hbm>> -> memref<10240x64xf32, #tpu.memory_space<hbm>>
    tpu.enqueue_indirect_dma source(%dma_start3A_43 : memref<10240x64xf32, #tpu.memory_space<hbm>>) target(%arg17 : memref<128x64xf32, #tpu.memory_space<vmem>>) offsets(%dma_start3A_36 : memref<128xi32, #tpu.memory_space<vmem>>) semaphore(%arg22 : memref<!tpu.dma_semaphore, #tpu.memory_space<semaphore_mem>>)
    %broadcast_in_dim3A = arith.constant 0.000000e+00 : f32
    %broadcast_in_dim3A_44 = vector.broadcast %broadcast_in_dim3A : f32 to vector<16xf32>
    %scan3A = arith.constant 0 : i32
    %scan3A_45 = arith.constant 0 : i32
    %scan3A_46 = arith.constant 128 : i32
    %scan3A_47 = arith.addi %scan3A_45, %scan3A_46 : i32
    %scan3A_48 = arith.constant 1 : i32
    scf.for %scan3A_219 = %scan3A_45 to %scan3A_47 step %scan3A_48  : i32 {
      %swap3A = arith.index_cast %scan3A_219 : i32 to index
      %swap3A_220 = arith.constant 0 : index
      %swap3A_221 = tpu.vector_load %arg13[%swap3A, %swap3A_220] {strides = array<i32>} : memref<128x64xf32, #tpu.memory_space<vmem>>, vector<1x16xf32>,
      %swap3A_222 = vector.shape_cast %swap3A_221 : vector<1x16xf32> to vector<16xf32>
      %swap3A_223 = vector.shape_cast %broadcast_in_dim3A_44 : vector<16xf32> to vector<1x16xf32>
      tpu.vector_store %arg13[%swap3A, %swap3A_220], %swap3A_223 {strides = array<i32>} : memref<128x64xf32, #tpu.memory_space<vmem>>, vector<1x16xf32>,
      %swap3A_224 = arith.index_cast %scan3A_219 : i32 to index
      %swap3A_225 = arith.constant 16 : index
      %swap3A_226 = tpu.vector_load %arg13[%swap3A_224, %swap3A_225] {strides = array<i32>} : memref<128x64xf32, #tpu.memory_space<vmem>>, vector<1x16xf32>,
      %swap3A_227 = vector.shape_cast %swap3A_226 : vector<1x16xf32> to vector<16xf32>
      %swap3A_228 = vector.shape_cast %broadcast_in_dim3A_44 : vector<16xf32> to vector<1x16xf32>
      tpu.vector_store %arg13[%swap3A_224, %swap3A_225], %swap3A_228 {strides = array<i32>} : memref<128x64xf32, #tpu.memory_space<vmem>>, vector<1x16xf32>,
      %swap3A_229 = arith.index_cast %scan3A_219 : i32 to index
      %swap3A_230 = arith.constant 32 : index
      %swap3A_231 = tpu.vector_load %arg13[%swap3A_229, %swap3A_230] {strides = array<i32>} : memref<128x64xf32, #tpu.memory_space<vmem>>, vector<1x16xf32>,
      %swap3A_232 = vector.shape_cast %swap3A_231 : vector<1x16xf32> to vector<16xf32>
      %swap3A_233 = vector.shape_cast %broadcast_in_dim3A_44 : vector<16xf32> to vector<1x16xf32>
      tpu.vector_store %arg13[%swap3A_229, %swap3A_230], %swap3A_233 {strides = array<i32>} : memref<128x64xf32, #tpu.memory_space<vmem>>, vector<1x16xf32>,
      %swap3A_234 = arith.index_cast %scan3A_219 : i32 to index
      %swap3A_235 = arith.constant 48 : index
      %swap3A_236 = tpu.vector_load %arg13[%swap3A_234, %swap3A_235] {strides = array<i32>} : memref<128x64xf32, #tpu.memory_space<vmem>>, vector<1x16xf32>,
      %swap3A_237 = vector.shape_cast %swap3A_236 : vector<1x16xf32> to vector<16xf32>
      %swap3A_238 = vector.shape_cast %broadcast_in_dim3A_44 : vector<16xf32> to vector<1x16xf32>
      tpu.vector_store %arg13[%swap3A_234, %swap3A_235], %swap3A_238 {strides = array<i32>} : memref<128x64xf32, #tpu.memory_space<vmem>>, vector<1x16xf32>,
    }
    %scan3A_49 = arith.constant 128 : i32
    %broadcast_in_dim3A_50 = arith.constant 1.000000e+00 : f32
    %broadcast_in_dim3A_51 = vector.broadcast %broadcast_in_dim3A_50 : f32 to vector<16xf32>
    %scan3A_52 = arith.constant 0 : i32
    %scan3A_53 = arith.constant 0 : i32
    %scan3A_54 = arith.constant 8 : i32
    %scan3A_55 = arith.addi %scan3A_53, %scan3A_54 : i32
    %scan3A_56 = arith.constant 1 : i32
    scf.for %scan3A_219 = %scan3A_53 to %scan3A_55 step %scan3A_56  : i32 {
      %mul3A_220 = arith.constant 16 : i32
      %mul3A_221 = arith.muli %scan3A_219, %mul3A_220 : i32
      %swap3A = arith.index_cast %mul3A_221 : i32 to index
      %swap3A_222 = tpu.vector_load %arg9[%swap3A] {strides = array<i32>} : memref<128xf32, #tpu.memory_space<vmem>>, vector<16xf32>,
      %swap3A_223 = vector.shape_cast %swap3A_222 : vector<16xf32> to vector<16xf32>
      %swap3A_224 = vector.shape_cast %broadcast_in_dim3A_51 : vector<16xf32> to vector<16xf32>
      tpu.vector_store %arg9[%swap3A], %swap3A_224 {strides = array<i32>} : memref<128xf32, #tpu.memory_space<vmem>>, vector<16xf32>,
    }
    %scan3A_57 = arith.constant 8 : i32
    %scan3A_58 = arith.constant 0 : i32
    %scan3A_59 = arith.constant 0 : i32
    %scan3A_60 = arith.constant 5 : i32
    %scan3A_61 = arith.addi %scan3A_59, %scan3A_60 : i32
    %scan3A_62 = arith.constant 1 : i32
    scf.for %scan3A_219 = %scan3A_59 to %scan3A_61 step %scan3A_62  : i32 {
      %mul3A_220 = arith.constant 128 : i32
      %mul3A_221 = arith.muli %scan3A_219, %mul3A_220 : i32
      %add3A_222 = arith.addi %mul3A_0, %mul3A_221 : i32
      "tpu.region"() ({
        %run_scoped3A = tpu.sem_alloc : memref<!tpu.dma_semaphore, #tpu.memory_space<semaphore_mem>>
        %dma_start3A_223 = arith.constant 0 : i32
        %dma_start3A_224 = tpu.memref_slice %arg11[%add3A_222, %dma_start3A_223] : memref<10240x64xf32, #tpu.memory_space<vmem_shared>> -> memref<128x64xf32, #tpu.memory_space<vmem_shared>>
        %dma_start3A_225 = arith.constant 0 : i32
        %dma_start3A_226 = tpu.memref_slice %arg11[%add3A_222, %dma_start3A_225] : memref<10240x64xf32, #tpu.memory_space<vmem_shared>> -> memref<128x64xf32, #tpu.memory_space<vmem_shared>>
        tpu.enqueue_dma source(%arg13 : memref<128x64xf32, #tpu.memory_space<vmem>>) target(%dma_start3A_226 : memref<128x64xf32, #tpu.memory_space<vmem_shared>>) target_semaphore(%run_scoped3A : memref<!tpu.dma_semaphore, #tpu.memory_space<semaphore_mem>>)
        %dma_wait3A_227 = arith.constant 0 : i32
        %dma_wait3A_228 = tpu.memref_slice %arg11[%add3A_222, %dma_wait3A_227] : memref<10240x64xf32, #tpu.memory_space<vmem_shared>> -> memref<128x64xf32, #tpu.memory_space<vmem_shared>>
        %dma_wait3A_229 = arith.constant 0 : i32
        %dma_wait3A_230 = tpu.memref_slice %arg11[%add3A_222, %dma_wait3A_229] : memref<10240x64xf32, #tpu.memory_space<vmem_shared>> -> memref<128x64xf32, #tpu.memory_space<vmem_shared>>
        tpu.wait_dma2 semaphore(%run_scoped3A : memref<!tpu.dma_semaphore, #tpu.memory_space<semaphore_mem>>) src(%arg13 : memref<128x64xf32, #tpu.memory_space<vmem>>) dst(%dma_wait3A_230 : memref<128x64xf32, #tpu.memory_space<vmem_shared>>)
        tpu.yield
      }) : () -> ()
    }
    %scan3A_63 = arith.constant 5 : i32
    %scan3A_64 = arith.constant 0 : i32
    %scan3A_65 = arith.constant 0 : i32
    %scan3A_66 = arith.constant 10 : i32
    %scan3A_67 = arith.addi %scan3A_65, %scan3A_66 : i32
    %scan3A_68 = arith.constant 1 : i32
    scf.for %scan3A_219 = %scan3A_65 to %scan3A_67 step %scan3A_68  : i32 {
      %mul3A_220 = arith.constant 64 : i32
      %mul3A_221 = arith.muli %scan3A_219, %mul3A_220 : i32
      %add3A_222 = arith.addi %mul3A_0, %mul3A_221 : i32
      %run_scoped3A = arith.constant 0 : i32
      "tpu.region"() ({
        %run_scoped3A_223 = tpu.sem_alloc : memref<!tpu.dma_semaphore, #tpu.memory_space<semaphore_mem>>
        %dma_start3A_224 = arith.constant 0 : i32
        %dma_start3A_225 = tpu.memref_slice %arg13[%run_scoped3A, %dma_start3A_224] : memref<128x64xf32, #tpu.memory_space<vmem>> -> memref<1x64xf32, #tpu.memory_space<vmem>>
        %dma_start3A_226 = tpu.memref_squeeze %dma_start3A_225 : memref<1x64xf32, #tpu.memory_space<vmem>> -> memref<64xf32, #tpu.memory_space<vmem>>
        %dma_start3A_227 = tpu.memref_slice %arg12[%add3A_222] : memref<10240xf32, #tpu.memory_space<vmem_shared>> -> memref<64xf32, #tpu.memory_space<vmem_shared>>
        %dma_start3A_228 = tpu.memref_slice %arg12[%add3A_222] : memref<10240xf32, #tpu.memory_space<vmem_shared>> -> memref<64xf32, #tpu.memory_space<vmem_shared>>
        %dma_start3A_229 = arith.constant 0 : i32
        %dma_start3A_230 = tpu.memref_slice %arg13[%run_scoped3A, %dma_start3A_229] : memref<128x64xf32, #tpu.memory_space<vmem>> -> memref<1x64xf32, #tpu.memory_space<vmem>>
        %dma_start3A_231 = tpu.memref_squeeze %dma_start3A_230 : memref<1x64xf32, #tpu.memory_space<vmem>> -> memref<64xf32, #tpu.memory_space<vmem>>
        tpu.enqueue_dma source(%dma_start3A_231 : memref<64xf32, #tpu.memory_space<vmem>>) target(%dma_start3A_228 : memref<64xf32, #tpu.memory_space<vmem_shared>>) target_semaphore(%run_scoped3A_223 : memref<!tpu.dma_semaphore, #tpu.memory_space<semaphore_mem>>)
        %dma_wait3A_232 = arith.constant 0 : i32
        %dma_wait3A_233 = tpu.memref_slice %arg13[%run_scoped3A, %dma_wait3A_232] : memref<128x64xf32, #tpu.memory_space<vmem>> -> memref<1x64xf32, #tpu.memory_space<vmem>>
        %dma_wait3A_234 = tpu.memref_squeeze %dma_wait3A_233 : memref<1x64xf32, #tpu.memory_space<vmem>> -> memref<64xf32, #tpu.memory_space<vmem>>
        %dma_wait3A_235 = tpu.memref_slice %arg12[%add3A_222] : memref<10240xf32, #tpu.memory_space<vmem_shared>> -> memref<64xf32, #tpu.memory_space<vmem_shared>>
        %dma_wait3A_236 = tpu.memref_slice %arg12[%add3A_222] : memref<10240xf32, #tpu.memory_space<vmem_shared>> -> memref<64xf32, #tpu.memory_space<vmem_shared>>
        %dma_wait3A_237 = arith.constant 0 : i32
        %dma_wait3A_238 = tpu.memref_slice %arg13[%run_scoped3A, %dma_wait3A_237] : memref<128x64xf32, #tpu.memory_space<vmem>> -> memref<1x64xf32, #tpu.memory_space<vmem>>
        %dma_wait3A_239 = tpu.memref_squeeze %dma_wait3A_238 : memref<1x64xf32, #tpu.memory_space<vmem>> -> memref<64xf32, #tpu.memory_space<vmem>>
        tpu.wait_dma2 semaphore(%run_scoped3A_223 : memref<!tpu.dma_semaphore, #tpu.memory_space<semaphore_mem>>) src(%dma_wait3A_239 : memref<64xf32, #tpu.memory_space<vmem>>) dst(%dma_wait3A_236 : memref<64xf32, #tpu.memory_space<vmem_shared>>)
        tpu.yield
      }) : () -> ()
    }
    %scan3A_69 = arith.constant 10 : i32
    %barrier3A = arith.constant 0 : index
    tpu.barrier barrier_id(%barrier3A)
    %dma_start3A_70 = arith.constant 0 : i32
    %dma_start3A_71 = arith.constant 0 : i32
    %dma_start3A_72 = tpu.memref_slice %arg7[%dma_start3A_70, %dma_start3A_71] : memref<160x128xi32, #tpu.memory_space<vmem>> -> memref<1x128xi32, #tpu.memory_space<vmem>>
    %dma_start3A_73 = tpu.memref_squeeze %dma_start3A_72 : memref<1x128xi32, #tpu.memory_space<vmem>> -> memref<128xi32, #tpu.memory_space<vmem>>
    %dma_start3A_74 = arith.constant 0 : i32
    %dma_start3A_75 = arith.constant 0 : i32
    %dma_start3A_76 = tpu.memref_slice %arg2[%arg0, %dma_start3A_74, %dma_start3A_75] : memref<2x10240x64xf32, #tpu.memory_space<hbm>> -> memref<1x10240x64xf32, #tpu.memory_space<hbm>>
    %dma_start3A_77 = tpu.memref_squeeze %dma_start3A_76 : memref<1x10240x64xf32, #tpu.memory_space<hbm>> -> memref<10240x64xf32, #tpu.memory_space<hbm>>
    %dma_start3A_78 = arith.constant 0 : i32
    %dma_start3A_79 = arith.constant 0 : i32
    %dma_start3A_80 = tpu.memref_slice %dma_start3A_77[%dma_start3A_78, %dma_start3A_79] : memref<10240x64xf32, #tpu.memory_space<hbm>> -> memref<10240x64xf32, #tpu.memory_space<hbm>>
    tpu.enqueue_indirect_dma source(%dma_start3A_80 : memref<10240x64xf32, #tpu.memory_space<hbm>>) target(%arg13 : memref<128x64xf32, #tpu.memory_space<vmem>>) offsets(%dma_start3A_73 : memref<128xi32, #tpu.memory_space<vmem>>) semaphore(%arg18 : memref<!tpu.dma_semaphore, #tpu.memory_space<semaphore_mem>>)
    %scan3A_81 = arith.constant 0 : i32
    %scan3A_82 = arith.constant 0 : i32
    %scan3A_83 = arith.constant 32 : i32
    %scan3A_84 = arith.addi %scan3A_82, %scan3A_83 : i32
    %scan3A_85 = arith.constant 1 : i32
    scf.for %scan3A_219 = %scan3A_82 to %scan3A_84 step %scan3A_85  : i32 {
      %mul3A_220 = arith.constant 5 : i32
      %mul3A_221 = arith.muli %scan3A_219, %mul3A_220 : i32
      %add3A_222 = arith.constant 0 : i32
      %add3A_223 = arith.addi %mul3A_221, %add3A_222 : i32
      %dma_wait3A_224 = arith.constant 0 : i32
      %dma_wait3A_225 = tpu.memref_slice %arg7[%add3A_223, %dma_wait3A_224] : memref<160x128xi32, #tpu.memory_space<vmem>> -> memref<1x128xi32, #tpu.memory_space<vmem>>
      %dma_wait3A_226 = tpu.memref_squeeze %dma_wait3A_225 : memref<1x128xi32, #tpu.memory_space<vmem>> -> memref<128xi32, #tpu.memory_space<vmem>>
      %dma_wait3A_227 = arith.constant 0 : i32
      %dma_wait3A_228 = arith.constant 0 : i32
      %dma_wait3A_229 = tpu.memref_slice %arg2[%arg0, %dma_wait3A_227, %dma_wait3A_228] : memref<2x10240x64xf32, #tpu.memory_space<hbm>> -> memref<1x10240x64xf32, #tpu.memory_space<hbm>>
      %dma_wait3A_230 = tpu.memref_squeeze %dma_wait3A_229 : memref<1x10240x64xf32, #tpu.memory_space<hbm>> -> memref<10240x64xf32, #tpu.memory_space<hbm>>
      %dma_wait3A_231 = arith.constant 0 : i32
      %dma_wait3A_232 = arith.constant 0 : i32
      %dma_wait3A_233 = tpu.memref_slice %dma_wait3A_230[%dma_wait3A_231, %dma_wait3A_232] : memref<10240x64xf32, #tpu.memory_space<hbm>> -> memref<10240x64xf32, #tpu.memory_space<hbm>>
      tpu.wait_indirect_dma semaphore(%arg18 : memref<!tpu.dma_semaphore, #tpu.memory_space<semaphore_mem>>) src(%dma_wait3A_233 : memref<10240x64xf32, #tpu.memory_space<hbm>>) dst(%arg13 : memref<128x64xf32, #tpu.memory_space<vmem>>)
      "tpu.region"() ({
        %run_scoped3A = tpu.sem_alloc : memref<!tpu.dma_semaphore, #tpu.memory_space<semaphore_mem>>
        %dma_start3A_349 = arith.constant 0 : i32
        %dma_start3A_350 = tpu.memref_slice %arg8[%add3A_223, %dma_start3A_349] : memref<160x128xi32, #tpu.memory_space<vmem>> -> memref<1x128xi32, #tpu.memory_space<vmem>>
        %dma_start3A_351 = tpu.memref_squeeze %dma_start3A_350 : memref<1x128xi32, #tpu.memory_space<vmem>> -> memref<128xi32, #tpu.memory_space<vmem>>
        %dma_start3A_352 = arith.constant 0 : i32
        %dma_start3A_353 = arith.constant 0 : i32
        %dma_start3A_354 = tpu.memref_slice %arg11[%dma_start3A_352, %dma_start3A_353] : memref<10240x64xf32, #tpu.memory_space<vmem_shared>> -> memref<10240x64xf32, #tpu.memory_space<vmem_shared>>
        tpu.enqueue_indirect_dma source(%arg13 : memref<128x64xf32, #tpu.memory_space<vmem>>) target(%dma_start3A_354 : memref<10240x64xf32, #tpu.memory_space<vmem_shared>>) offsets(%dma_start3A_351 : memref<128xi32, #tpu.memory_space<vmem>>) semaphore(%run_scoped3A : memref<!tpu.dma_semaphore, #tpu.memory_space<semaphore_mem>>) {add = true}
        %dma_wait3A_355 = arith.constant 0 : i32
        %dma_wait3A_356 = tpu.memref_slice %arg8[%add3A_223, %dma_wait3A_355] : memref<160x128xi32, #tpu.memory_space<vmem>> -> memref<1x128xi32, #tpu.memory_space<vmem>>
        %dma_wait3A_357 = tpu.memref_squeeze %dma_wait3A_356 : memref<1x128xi32, #tpu.memory_space<vmem>> -> memref<128xi32, #tpu.memory_space<vmem>>
        %dma_wait3A_358 = arith.constant 0 : i32
        %dma_wait3A_359 = arith.constant 0 : i32
        %dma_wait3A_360 = tpu.memref_slice %arg11[%dma_wait3A_358, %dma_wait3A_359] : memref<10240x64xf32, #tpu.memory_space<vmem_shared>> -> memref<10240x64xf32, #tpu.memory_space<vmem_shared>>
        tpu.wait_indirect_dma semaphore(%run_scoped3A : memref<!tpu.dma_semaphore, #tpu.memory_space<semaphore_mem>>) src(%arg13 : memref<128x64xf32, #tpu.memory_space<vmem>>) dst(%dma_wait3A_360 : memref<10240x64xf32, #tpu.memory_space<vmem_shared>>)
        tpu.yield
      }) : () -> ()
      %eq3A_234 = arith.constant 0 : i32
      %eq3A_235 = arith.cmpi eq, %arg0, %eq3A_234 : i32
      %convert_element_type3A_236 = arith.extui %eq3A_235 : i1 to i32
      %cond3A_237 = arith.constant 0 : i32
      %cond3A_238 = arith.cmpi ne, %convert_element_type3A_236, %cond3A_237 : i32
      scf.if %cond3A_238 {
        %dma_start3A_349 = arith.constant 0 : i32
        %dma_start3A_350 = tpu.memref_slice %arg8[%add3A_223, %dma_start3A_349] : memref<160x128xi32, #tpu.memory_space<vmem>> -> memref<1x128xi32, #tpu.memory_space<vmem>>
        %dma_start3A_351 = tpu.memref_squeeze %dma_start3A_350 : memref<1x128xi32, #tpu.memory_space<vmem>> -> memref<128xi32, #tpu.memory_space<vmem>>
        %dma_start3A_352 = arith.constant 0 : i32
        %dma_start3A_353 = tpu.memref_slice %arg12[%dma_start3A_352] : memref<10240xf32, #tpu.memory_space<vmem_shared>> -> memref<10240xf32, #tpu.memory_space<vmem_shared>>
        tpu.enqueue_indirect_dma source(%arg9 : memref<128xf32, #tpu.memory_space<vmem>>) target(%dma_start3A_353 : memref<10240xf32, #tpu.memory_space<vmem_shared>>) offsets(%dma_start3A_351 : memref<128xi32, #tpu.memory_space<vmem>>) semaphore(%arg23 : memref<!tpu.dma_semaphore, #tpu.memory_space<semaphore_mem>>) {add = true}
      } else {
      }
      %add3A_239 = arith.constant 5 : i32
      %add3A_240 = arith.addi %add3A_223, %add3A_239 : i32
      %lt3A = arith.constant 160 : i32
      %lt3A_241 = arith.cmpi slt, %add3A_240, %lt3A : i32
      %convert_element_type3A_242 = arith.extui %lt3A_241 : i1 to i32
      %cond3A_243 = arith.constant 0 : i32
      %cond3A_244 = arith.cmpi ne, %convert_element_type3A_242, %cond3A_243 : i32
      scf.if %cond3A_244 {
        %dma_start3A_349 = arith.constant 0 : i32
        %dma_start3A_350 = tpu.memref_slice %arg7[%add3A_240, %dma_start3A_349] : memref<160x128xi32, #tpu.memory_space<vmem>> -> memref<1x128xi32, #tpu.memory_space<vmem>>
        %dma_start3A_351 = tpu.memref_squeeze %dma_start3A_350 : memref<1x128xi32, #tpu.memory_space<vmem>> -> memref<128xi32, #tpu.memory_space<vmem>>
        %dma_start3A_352 = arith.constant 0 : i32
        %dma_start3A_353 = arith.constant 0 : i32
        %dma_start3A_354 = tpu.memref_slice %arg2[%arg0, %dma_start3A_352, %dma_start3A_353] : memref<2x10240x64xf32, #tpu.memory_space<hbm>> -> memref<1x10240x64xf32, #tpu.memory_space<hbm>>
        %dma_start3A_355 = tpu.memref_squeeze %dma_start3A_354 : memref<1x10240x64xf32, #tpu.memory_space<hbm>> -> memref<10240x64xf32, #tpu.memory_space<hbm>>
        %dma_start3A_356 = arith.constant 0 : i32
        %dma_start3A_357 = arith.constant 0 : i32
        %dma_start3A_358 = tpu.memref_slice %dma_start3A_355[%dma_start3A_356, %dma_start3A_357] : memref<10240x64xf32, #tpu.memory_space<hbm>> -> memref<10240x64xf32, #tpu.memory_space<hbm>>
        tpu.enqueue_indirect_dma source(%dma_start3A_358 : memref<10240x64xf32, #tpu.memory_space<hbm>>) target(%arg13 : memref<128x64xf32, #tpu.memory_space<vmem>>) offsets(%dma_start3A_351 : memref<128xi32, #tpu.memory_space<vmem>>) semaphore(%arg18 : memref<!tpu.dma_semaphore, #tpu.memory_space<semaphore_mem>>)
      } else {
      }
      %mul3A_245 = arith.constant 5 : i32
      %mul3A_246 = arith.muli %scan3A_219, %mul3A_245 : i32
      %add3A_247 = arith.constant 1 : i32
      %add3A_248 = arith.addi %mul3A_246, %add3A_247 : i32
      %dma_wait3A_249 = arith.constant 0 : i32
      %dma_wait3A_250 = tpu.memref_slice %arg7[%add3A_248, %dma_wait3A_249] : memref<160x128xi32, #tpu.memory_space<vmem>> -> memref<1x128xi32, #tpu.memory_space<vmem>>
      %dma_wait3A_251 = tpu.memref_squeeze %dma_wait3A_250 : memref<1x128xi32, #tpu.memory_space<vmem>> -> memref<128xi32, #tpu.memory_space<vmem>>
      %dma_wait3A_252 = arith.constant 0 : i32
      %dma_wait3A_253 = arith.constant 0 : i32
      %dma_wait3A_254 = tpu.memref_slice %arg2[%arg0, %dma_wait3A_252, %dma_wait3A_253] : memref<2x10240x64xf32, #tpu.memory_space<hbm>> -> memref<1x10240x64xf32, #tpu.memory_space<hbm>>
      %dma_wait3A_255 = tpu.memref_squeeze %dma_wait3A_254 : memref<1x10240x64xf32, #tpu.memory_space<hbm>> -> memref<10240x64xf32, #tpu.memory_space<hbm>>
      %dma_wait3A_256 = arith.constant 0 : i32
      %dma_wait3A_257 = arith.constant 0 : i32
      %dma_wait3A_258 = tpu.memref_slice %dma_wait3A_255[%dma_wait3A_256, %dma_wait3A_257] : memref<10240x64xf32, #tpu.memory_space<hbm>> -> memref<10240x64xf32, #tpu.memory_space<hbm>>
      tpu.wait_indirect_dma semaphore(%arg19 : memref<!tpu.dma_semaphore, #tpu.memory_space<semaphore_mem>>) src(%dma_wait3A_258 : memref<10240x64xf32, #tpu.memory_space<hbm>>) dst(%arg14 : memref<128x64xf32, #tpu.memory_space<vmem>>)
      "tpu.region"() ({
        %run_scoped3A = tpu.sem_alloc : memref<!tpu.dma_semaphore, #tpu.memory_space<semaphore_mem>>
        %dma_start3A_349 = arith.constant 0 : i32
        %dma_start3A_350 = tpu.memref_slice %arg8[%add3A_248, %dma_start3A_349] : memref<160x128xi32, #tpu.memory_space<vmem>> -> memref<1x128xi32, #tpu.memory_space<vmem>>
        %dma_start3A_351 = tpu.memref_squeeze %dma_start3A_350 : memref<1x128xi32, #tpu.memory_space<vmem>> -> memref<128xi32, #tpu.memory_space<vmem>>
        %dma_start3A_352 = arith.constant 0 : i32
        %dma_start3A_353 = arith.constant 0 : i32
        %dma_start3A_354 = tpu.memref_slice %arg11[%dma_start3A_352, %dma_start3A_353] : memref<10240x64xf32, #tpu.memory_space<vmem_shared>> -> memref<10240x64xf32, #tpu.memory_space<vmem_shared>>
        tpu.enqueue_indirect_dma source(%arg14 : memref<128x64xf32, #tpu.memory_space<vmem>>) target(%dma_start3A_354 : memref<10240x64xf32, #tpu.memory_space<vmem_shared>>) offsets(%dma_start3A_351 : memref<128xi32, #tpu.memory_space<vmem>>) semaphore(%run_scoped3A : memref<!tpu.dma_semaphore, #tpu.memory_space<semaphore_mem>>) {add = true}
        %dma_wait3A_355 = arith.constant 0 : i32
        %dma_wait3A_356 = tpu.memref_slice %arg8[%add3A_248, %dma_wait3A_355] : memref<160x128xi32, #tpu.memory_space<vmem>> -> memref<1x128xi32, #tpu.memory_space<vmem>>
        %dma_wait3A_357 = tpu.memref_squeeze %dma_wait3A_356 : memref<1x128xi32, #tpu.memory_space<vmem>> -> memref<128xi32, #tpu.memory_space<vmem>>
        %dma_wait3A_358 = arith.constant 0 : i32
        %dma_wait3A_359 = arith.constant 0 : i32
        %dma_wait3A_360 = tpu.memref_slice %arg11[%dma_wait3A_358, %dma_wait3A_359] : memref<10240x64xf32, #tpu.memory_space<vmem_shared>> -> memref<10240x64xf32, #tpu.memory_space<vmem_shared>>
        tpu.wait_indirect_dma semaphore(%run_scoped3A : memref<!tpu.dma_semaphore, #tpu.memory_space<semaphore_mem>>) src(%arg14 : memref<128x64xf32, #tpu.memory_space<vmem>>) dst(%dma_wait3A_360 : memref<10240x64xf32, #tpu.memory_space<vmem_shared>>)
        tpu.yield
      }) : () -> ()
      %eq3A_259 = arith.constant 0 : i32
      %eq3A_260 = arith.cmpi eq, %arg0, %eq3A_259 : i32
      %convert_element_type3A_261 = arith.extui %eq3A_260 : i1 to i32
      %cond3A_262 = arith.constant 0 : i32
      %cond3A_263 = arith.cmpi ne, %convert_element_type3A_261, %cond3A_262 : i32
      scf.if %cond3A_263 {
        %dma_start3A_349 = arith.constant 0 : i32
        %dma_start3A_350 = tpu.memref_slice %arg8[%add3A_248, %dma_start3A_349] : memref<160x128xi32, #tpu.memory_space<vmem>> -> memref<1x128xi32, #tpu.memory_space<vmem>>
        %dma_start3A_351 = tpu.memref_squeeze %dma_start3A_350 : memref<1x128xi32, #tpu.memory_space<vmem>> -> memref<128xi32, #tpu.memory_space<vmem>>
        %dma_start3A_352 = arith.constant 0 : i32
        %dma_start3A_353 = tpu.memref_slice %arg12[%dma_start3A_352] : memref<10240xf32, #tpu.memory_space<vmem_shared>> -> memref<10240xf32, #tpu.memory_space<vmem_shared>>
        tpu.enqueue_indirect_dma source(%arg9 : memref<128xf32, #tpu.memory_space<vmem>>) target(%dma_start3A_353 : memref<10240xf32, #tpu.memory_space<vmem_shared>>) offsets(%dma_start3A_351 : memref<128xi32, #tpu.memory_space<vmem>>) semaphore(%arg23 : memref<!tpu.dma_semaphore, #tpu.memory_space<semaphore_mem>>) {add = true}
      } else {
      }
      %add3A_264 = arith.constant 5 : i32
      %add3A_265 = arith.addi %add3A_248, %add3A_264 : i32
      %lt3A_266 = arith.constant 160 : i32
      %lt3A_267 = arith.cmpi slt, %add3A_265, %lt3A_266 : i32
      %convert_element_type3A_268 = arith.extui %lt3A_267 : i1 to i32
      %cond3A_269 = arith.constant 0 : i32
      %cond3A_270 = arith.cmpi ne, %convert_element_type3A_268, %cond3A_269 : i32
      scf.if %cond3A_270 {
        %dma_start3A_349 = arith.constant 0 : i32
        %dma_start3A_350 = tpu.memref_slice %arg7[%add3A_265, %dma_start3A_349] : memref<160x128xi32, #tpu.memory_space<vmem>> -> memref<1x128xi32, #tpu.memory_space<vmem>>
        %dma_start3A_351 = tpu.memref_squeeze %dma_start3A_350 : memref<1x128xi32, #tpu.memory_space<vmem>> -> memref<128xi32, #tpu.memory_space<vmem>>
        %dma_start3A_352 = arith.constant 0 : i32
        %dma_start3A_353 = arith.constant 0 : i32
        %dma_start3A_354 = tpu.memref_slice %arg2[%arg0, %dma_start3A_352, %dma_start3A_353] : memref<2x10240x64xf32, #tpu.memory_space<hbm>> -> memref<1x10240x64xf32, #tpu.memory_space<hbm>>
        %dma_start3A_355 = tpu.memref_squeeze %dma_start3A_354 : memref<1x10240x64xf32, #tpu.memory_space<hbm>> -> memref<10240x64xf32, #tpu.memory_space<hbm>>
        %dma_start3A_356 = arith.constant 0 : i32
        %dma_start3A_357 = arith.constant 0 : i32
        %dma_start3A_358 = tpu.memref_slice %dma_start3A_355[%dma_start3A_356, %dma_start3A_357] : memref<10240x64xf32, #tpu.memory_space<hbm>> -> memref<10240x64xf32, #tpu.memory_space<hbm>>
        tpu.enqueue_indirect_dma source(%dma_start3A_358 : memref<10240x64xf32, #tpu.memory_space<hbm>>) target(%arg14 : memref<128x64xf32, #tpu.memory_space<vmem>>) offsets(%dma_start3A_351 : memref<128xi32, #tpu.memory_space<vmem>>) semaphore(%arg19 : memref<!tpu.dma_semaphore, #tpu.memory_space<semaphore_mem>>)
      } else {
      }
      %mul3A_271 = arith.constant 5 : i32
      %mul3A_272 = arith.muli %scan3A_219, %mul3A_271 : i32
      %add3A_273 = arith.constant 2 : i32
      %add3A_274 = arith.addi %mul3A_272, %add3A_273 : i32
      %dma_wait3A_275 = arith.constant 0 : i32
      %dma_wait3A_276 = tpu.memref_slice %arg7[%add3A_274, %dma_wait3A_275] : memref<160x128xi32, #tpu.memory_space<vmem>> -> memref<1x128xi32, #tpu.memory_space<vmem>>
      %dma_wait3A_277 = tpu.memref_squeeze %dma_wait3A_276 : memref<1x128xi32, #tpu.memory_space<vmem>> -> memref<128xi32, #tpu.memory_space<vmem>>
      %dma_wait3A_278 = arith.constant 0 : i32
      %dma_wait3A_279 = arith.constant 0 : i32
      %dma_wait3A_280 = tpu.memref_slice %arg2[%arg0, %dma_wait3A_278, %dma_wait3A_279] : memref<2x10240x64xf32, #tpu.memory_space<hbm>> -> memref<1x10240x64xf32, #tpu.memory_space<hbm>>
      %dma_wait3A_281 = tpu.memref_squeeze %dma_wait3A_280 : memref<1x10240x64xf32, #tpu.memory_space<hbm>> -> memref<10240x64xf32, #tpu.memory_space<hbm>>
      %dma_wait3A_282 = arith.constant 0 : i32
      %dma_wait3A_283 = arith.constant 0 : i32
      %dma_wait3A_284 = tpu.memref_slice %dma_wait3A_281[%dma_wait3A_282, %dma_wait3A_283] : memref<10240x64xf32, #tpu.memory_space<hbm>> -> memref<10240x64xf32, #tpu.memory_space<hbm>>
      tpu.wait_indirect_dma semaphore(%arg20 : memref<!tpu.dma_semaphore, #tpu.memory_space<semaphore_mem>>) src(%dma_wait3A_284 : memref<10240x64xf32, #tpu.memory_space<hbm>>) dst(%arg15 : memref<128x64xf32, #tpu.memory_space<vmem>>)
      "tpu.region"() ({
        %run_scoped3A = tpu.sem_alloc : memref<!tpu.dma_semaphore, #tpu.memory_space<semaphore_mem>>
        %dma_start3A_349 = arith.constant 0 : i32
        %dma_start3A_350 = tpu.memref_slice %arg8[%add3A_274, %dma_start3A_349] : memref<160x128xi32, #tpu.memory_space<vmem>> -> memref<1x128xi32, #tpu.memory_space<vmem>>
        %dma_start3A_351 = tpu.memref_squeeze %dma_start3A_350 : memref<1x128xi32, #tpu.memory_space<vmem>> -> memref<128xi32, #tpu.memory_space<vmem>>
        %dma_start3A_352 = arith.constant 0 : i32
        %dma_start3A_353 = arith.constant 0 : i32
        %dma_start3A_354 = tpu.memref_slice %arg11[%dma_start3A_352, %dma_start3A_353] : memref<10240x64xf32, #tpu.memory_space<vmem_shared>> -> memref<10240x64xf32, #tpu.memory_space<vmem_shared>>
        tpu.enqueue_indirect_dma source(%arg15 : memref<128x64xf32, #tpu.memory_space<vmem>>) target(%dma_start3A_354 : memref<10240x64xf32, #tpu.memory_space<vmem_shared>>) offsets(%dma_start3A_351 : memref<128xi32, #tpu.memory_space<vmem>>) semaphore(%run_scoped3A : memref<!tpu.dma_semaphore, #tpu.memory_space<semaphore_mem>>) {add = true}
        %dma_wait3A_355 = arith.constant 0 : i32
        %dma_wait3A_356 = tpu.memref_slice %arg8[%add3A_274, %dma_wait3A_355] : memref<160x128xi32, #tpu.memory_space<vmem>> -> memref<1x128xi32, #tpu.memory_space<vmem>>
        %dma_wait3A_357 = tpu.memref_squeeze %dma_wait3A_356 : memref<1x128xi32, #tpu.memory_space<vmem>> -> memref<128xi32, #tpu.memory_space<vmem>>
        %dma_wait3A_358 = arith.constant 0 : i32
        %dma_wait3A_359 = arith.constant 0 : i32
        %dma_wait3A_360 = tpu.memref_slice %arg11[%dma_wait3A_358, %dma_wait3A_359] : memref<10240x64xf32, #tpu.memory_space<vmem_shared>> -> memref<10240x64xf32, #tpu.memory_space<vmem_shared>>
        tpu.wait_indirect_dma semaphore(%run_scoped3A : memref<!tpu.dma_semaphore, #tpu.memory_space<semaphore_mem>>) src(%arg15 : memref<128x64xf32, #tpu.memory_space<vmem>>) dst(%dma_wait3A_360 : memref<10240x64xf32, #tpu.memory_space<vmem_shared>>)
        tpu.yield
      }) : () -> ()
      %eq3A_285 = arith.constant 0 : i32
      %eq3A_286 = arith.cmpi eq, %arg0, %eq3A_285 : i32
      %convert_element_type3A_287 = arith.extui %eq3A_286 : i1 to i32
      %cond3A_288 = arith.constant 0 : i32
      %cond3A_289 = arith.cmpi ne, %convert_element_type3A_287, %cond3A_288 : i32
      scf.if %cond3A_289 {
        %dma_start3A_349 = arith.constant 0 : i32
        %dma_start3A_350 = tpu.memref_slice %arg8[%add3A_274, %dma_start3A_349] : memref<160x128xi32, #tpu.memory_space<vmem>> -> memref<1x128xi32, #tpu.memory_space<vmem>>
        %dma_start3A_351 = tpu.memref_squeeze %dma_start3A_350 : memref<1x128xi32, #tpu.memory_space<vmem>> -> memref<128xi32, #tpu.memory_space<vmem>>
        %dma_start3A_352 = arith.constant 0 : i32
        %dma_start3A_353 = tpu.memref_slice %arg12[%dma_start3A_352] : memref<10240xf32, #tpu.memory_space<vmem_shared>> -> memref<10240xf32, #tpu.memory_space<vmem_shared>>
        tpu.enqueue_indirect_dma source(%arg9 : memref<128xf32, #tpu.memory_space<vmem>>) target(%dma_start3A_353 : memref<10240xf32, #tpu.memory_space<vmem_shared>>) offsets(%dma_start3A_351 : memref<128xi32, #tpu.memory_space<vmem>>) semaphore(%arg23 : memref<!tpu.dma_semaphore, #tpu.memory_space<semaphore_mem>>) {add = true}
      } else {
      }
      %add3A_290 = arith.constant 5 : i32
      %add3A_291 = arith.addi %add3A_274, %add3A_290 : i32
      %lt3A_292 = arith.constant 160 : i32
      %lt3A_293 = arith.cmpi slt, %add3A_291, %lt3A_292 : i32
      %convert_element_type3A_294 = arith.extui %lt3A_293 : i1 to i32
      %cond3A_295 = arith.constant 0 : i32
      %cond3A_296 = arith.cmpi ne, %convert_element_type3A_294, %cond3A_295 : i32
      scf.if %cond3A_296 {
        %dma_start3A_349 = arith.constant 0 : i32
        %dma_start3A_350 = tpu.memref_slice %arg7[%add3A_291, %dma_start3A_349] : memref<160x128xi32, #tpu.memory_space<vmem>> -> memref<1x128xi32, #tpu.memory_space<vmem>>
        %dma_start3A_351 = tpu.memref_squeeze %dma_start3A_350 : memref<1x128xi32, #tpu.memory_space<vmem>> -> memref<128xi32, #tpu.memory_space<vmem>>
        %dma_start3A_352 = arith.constant 0 : i32
        %dma_start3A_353 = arith.constant 0 : i32
        %dma_start3A_354 = tpu.memref_slice %arg2[%arg0, %dma_start3A_352, %dma_start3A_353] : memref<2x10240x64xf32, #tpu.memory_space<hbm>> -> memref<1x10240x64xf32, #tpu.memory_space<hbm>>
        %dma_start3A_355 = tpu.memref_squeeze %dma_start3A_354 : memref<1x10240x64xf32, #tpu.memory_space<hbm>> -> memref<10240x64xf32, #tpu.memory_space<hbm>>
        %dma_start3A_356 = arith.constant 0 : i32
        %dma_start3A_357 = arith.constant 0 : i32
        %dma_start3A_358 = tpu.memref_slice %dma_start3A_355[%dma_start3A_356, %dma_start3A_357] : memref<10240x64xf32, #tpu.memory_space<hbm>> -> memref<10240x64xf32, #tpu.memory_space<hbm>>
        tpu.enqueue_indirect_dma source(%dma_start3A_358 : memref<10240x64xf32, #tpu.memory_space<hbm>>) target(%arg15 : memref<128x64xf32, #tpu.memory_space<vmem>>) offsets(%dma_start3A_351 : memref<128xi32, #tpu.memory_space<vmem>>) semaphore(%arg20 : memref<!tpu.dma_semaphore, #tpu.memory_space<semaphore_mem>>)
      } else {
      }
      %mul3A_297 = arith.constant 5 : i32
      %mul3A_298 = arith.muli %scan3A_219, %mul3A_297 : i32
      %add3A_299 = arith.constant 3 : i32
      %add3A_300 = arith.addi %mul3A_298, %add3A_299 : i32
      %dma_wait3A_301 = arith.constant 0 : i32
      %dma_wait3A_302 = tpu.memref_slice %arg7[%add3A_300, %dma_wait3A_301] : memref<160x128xi32, #tpu.memory_space<vmem>> -> memref<1x128xi32, #tpu.memory_space<vmem>>
      %dma_wait3A_303 = tpu.memref_squeeze %dma_wait3A_302 : memref<1x128xi32, #tpu.memory_space<vmem>> -> memref<128xi32, #tpu.memory_space<vmem>>
      %dma_wait3A_304 = arith.constant 0 : i32
      %dma_wait3A_305 = arith.constant 0 : i32
      %dma_wait3A_306 = tpu.memref_slice %arg2[%arg0, %dma_wait3A_304, %dma_wait3A_305] : memref<2x10240x64xf32, #tpu.memory_space<hbm>> -> memref<1x10240x64xf32, #tpu.memory_space<hbm>>
      %dma_wait3A_307 = tpu.memref_squeeze %dma_wait3A_306 : memref<1x10240x64xf32, #tpu.memory_space<hbm>> -> memref<10240x64xf32, #tpu.memory_space<hbm>>
      %dma_wait3A_308 = arith.constant 0 : i32
      %dma_wait3A_309 = arith.constant 0 : i32
      %dma_wait3A_310 = tpu.memref_slice %dma_wait3A_307[%dma_wait3A_308, %dma_wait3A_309] : memref<10240x64xf32, #tpu.memory_space<hbm>> -> memref<10240x64xf32, #tpu.memory_space<hbm>>
      tpu.wait_indirect_dma semaphore(%arg21 : memref<!tpu.dma_semaphore, #tpu.memory_space<semaphore_mem>>) src(%dma_wait3A_310 : memref<10240x64xf32, #tpu.memory_space<hbm>>) dst(%arg16 : memref<128x64xf32, #tpu.memory_space<vmem>>)
      "tpu.region"() ({
        %run_scoped3A = tpu.sem_alloc : memref<!tpu.dma_semaphore, #tpu.memory_space<semaphore_mem>>
        %dma_start3A_349 = arith.constant 0 : i32
        %dma_start3A_350 = tpu.memref_slice %arg8[%add3A_300, %dma_start3A_349] : memref<160x128xi32, #tpu.memory_space<vmem>> -> memref<1x128xi32, #tpu.memory_space<vmem>>
        %dma_start3A_351 = tpu.memref_squeeze %dma_start3A_350 : memref<1x128xi32, #tpu.memory_space<vmem>> -> memref<128xi32, #tpu.memory_space<vmem>>
        %dma_start3A_352 = arith.constant 0 : i32
        %dma_start3A_353 = arith.constant 0 : i32
        %dma_start3A_354 = tpu.memref_slice %arg11[%dma_start3A_352, %dma_start3A_353] : memref<10240x64xf32, #tpu.memory_space<vmem_shared>> -> memref<10240x64xf32, #tpu.memory_space<vmem_shared>>
        tpu.enqueue_indirect_dma source(%arg16 : memref<128x64xf32, #tpu.memory_space<vmem>>) target(%dma_start3A_354 : memref<10240x64xf32, #tpu.memory_space<vmem_shared>>) offsets(%dma_start3A_351 : memref<128xi32, #tpu.memory_space<vmem>>) semaphore(%run_scoped3A : memref<!tpu.dma_semaphore, #tpu.memory_space<semaphore_mem>>) {add = true}
        %dma_wait3A_355 = arith.constant 0 : i32
        %dma_wait3A_356 = tpu.memref_slice %arg8[%add3A_300, %dma_wait3A_355] : memref<160x128xi32, #tpu.memory_space<vmem>> -> memref<1x128xi32, #tpu.memory_space<vmem>>
        %dma_wait3A_357 = tpu.memref_squeeze %dma_wait3A_356 : memref<1x128xi32, #tpu.memory_space<vmem>> -> memref<128xi32, #tpu.memory_space<vmem>>
        %dma_wait3A_358 = arith.constant 0 : i32
        %dma_wait3A_359 = arith.constant 0 : i32
        %dma_wait3A_360 = tpu.memref_slice %arg11[%dma_wait3A_358, %dma_wait3A_359] : memref<10240x64xf32, #tpu.memory_space<vmem_shared>> -> memref<10240x64xf32, #tpu.memory_space<vmem_shared>>
        tpu.wait_indirect_dma semaphore(%run_scoped3A : memref<!tpu.dma_semaphore, #tpu.memory_space<semaphore_mem>>) src(%arg16 : memref<128x64xf32, #tpu.memory_space<vmem>>) dst(%dma_wait3A_360 : memref<10240x64xf32, #tpu.memory_space<vmem_shared>>)
        tpu.yield
      }) : () -> ()
      %eq3A_311 = arith.constant 0 : i32
      %eq3A_312 = arith.cmpi eq, %arg0, %eq3A_311 : i32
      %convert_element_type3A_313 = arith.extui %eq3A_312 : i1 to i32
      %cond3A_314 = arith.constant 0 : i32
      %cond3A_315 = arith.cmpi ne, %convert_element_type3A_313, %cond3A_314 : i32
      scf.if %cond3A_315 {
        %dma_start3A_349 = arith.constant 0 : i32
        %dma_start3A_350 = tpu.memref_slice %arg8[%add3A_300, %dma_start3A_349] : memref<160x128xi32, #tpu.memory_space<vmem>> -> memref<1x128xi32, #tpu.memory_space<vmem>>
        %dma_start3A_351 = tpu.memref_squeeze %dma_start3A_350 : memref<1x128xi32, #tpu.memory_space<vmem>> -> memref<128xi32, #tpu.memory_space<vmem>>
        %dma_start3A_352 = arith.constant 0 : i32
        %dma_start3A_353 = tpu.memref_slice %arg12[%dma_start3A_352] : memref<10240xf32, #tpu.memory_space<vmem_shared>> -> memref<10240xf32, #tpu.memory_space<vmem_shared>>
        tpu.enqueue_indirect_dma source(%arg9 : memref<128xf32, #tpu.memory_space<vmem>>) target(%dma_start3A_353 : memref<10240xf32, #tpu.memory_space<vmem_shared>>) offsets(%dma_start3A_351 : memref<128xi32, #tpu.memory_space<vmem>>) semaphore(%arg23 : memref<!tpu.dma_semaphore, #tpu.memory_space<semaphore_mem>>) {add = true}
      } else {
      }
      %add3A_316 = arith.constant 5 : i32
      %add3A_317 = arith.addi %add3A_300, %add3A_316 : i32
      %lt3A_318 = arith.constant 160 : i32
      %lt3A_319 = arith.cmpi slt, %add3A_317, %lt3A_318 : i32
      %convert_element_type3A_320 = arith.extui %lt3A_319 : i1 to i32
      %cond3A_321 = arith.constant 0 : i32
      %cond3A_322 = arith.cmpi ne, %convert_element_type3A_320, %cond3A_321 : i32
      scf.if %cond3A_322 {
        %dma_start3A_349 = arith.constant 0 : i32
        %dma_start3A_350 = tpu.memref_slice %arg7[%add3A_317, %dma_start3A_349] : memref<160x128xi32, #tpu.memory_space<vmem>> -> memref<1x128xi32, #tpu.memory_space<vmem>>
        %dma_start3A_351 = tpu.memref_squeeze %dma_start3A_350 : memref<1x128xi32, #tpu.memory_space<vmem>> -> memref<128xi32, #tpu.memory_space<vmem>>
        %dma_start3A_352 = arith.constant 0 : i32
        %dma_start3A_353 = arith.constant 0 : i32
        %dma_start3A_354 = tpu.memref_slice %arg2[%arg0, %dma_start3A_352, %dma_start3A_353] : memref<2x10240x64xf32, #tpu.memory_space<hbm>> -> memref<1x10240x64xf32, #tpu.memory_space<hbm>>
        %dma_start3A_355 = tpu.memref_squeeze %dma_start3A_354 : memref<1x10240x64xf32, #tpu.memory_space<hbm>> -> memref<10240x64xf32, #tpu.memory_space<hbm>>
        %dma_start3A_356 = arith.constant 0 : i32
        %dma_start3A_357 = arith.constant 0 : i32
        %dma_start3A_358 = tpu.memref_slice %dma_start3A_355[%dma_start3A_356, %dma_start3A_357] : memref<10240x64xf32, #tpu.memory_space<hbm>> -> memref<10240x64xf32, #tpu.memory_space<hbm>>
        tpu.enqueue_indirect_dma source(%dma_start3A_358 : memref<10240x64xf32, #tpu.memory_space<hbm>>) target(%arg16 : memref<128x64xf32, #tpu.memory_space<vmem>>) offsets(%dma_start3A_351 : memref<128xi32, #tpu.memory_space<vmem>>) semaphore(%arg21 : memref<!tpu.dma_semaphore, #tpu.memory_space<semaphore_mem>>)
      } else {
      }
      %mul3A_323 = arith.constant 5 : i32
      %mul3A_324 = arith.muli %scan3A_219, %mul3A_323 : i32
      %add3A_325 = arith.constant 4 : i32
      %add3A_326 = arith.addi %mul3A_324, %add3A_325 : i32
      %dma_wait3A_327 = arith.constant 0 : i32
      %dma_wait3A_328 = tpu.memref_slice %arg7[%add3A_326, %dma_wait3A_327] : memref<160x128xi32, #tpu.memory_space<vmem>> -> memref<1x128xi32, #tpu.memory_space<vmem>>
      %dma_wait3A_329 = tpu.memref_squeeze %dma_wait3A_328 : memref<1x128xi32, #tpu.memory_space<vmem>> -> memref<128xi32, #tpu.memory_space<vmem>>
      %dma_wait3A_330 = arith.constant 0 : i32
      %dma_wait3A_331 = arith.constant 0 : i32
      %dma_wait3A_332 = tpu.memref_slice %arg2[%arg0, %dma_wait3A_330, %dma_wait3A_331] : memref<2x10240x64xf32, #tpu.memory_space<hbm>> -> memref<1x10240x64xf32, #tpu.memory_space<hbm>>
      %dma_wait3A_333 = tpu.memref_squeeze %dma_wait3A_332 : memref<1x10240x64xf32, #tpu.memory_space<hbm>> -> memref<10240x64xf32, #tpu.memory_space<hbm>>
      %dma_wait3A_334 = arith.constant 0 : i32
      %dma_wait3A_335 = arith.constant 0 : i32
      %dma_wait3A_336 = tpu.memref_slice %dma_wait3A_333[%dma_wait3A_334, %dma_wait3A_335] : memref<10240x64xf32, #tpu.memory_space<hbm>> -> memref<10240x64xf32, #tpu.memory_space<hbm>>
      tpu.wait_indirect_dma semaphore(%arg22 : memref<!tpu.dma_semaphore, #tpu.memory_space<semaphore_mem>>) src(%dma_wait3A_336 : memref<10240x64xf32, #tpu.memory_space<hbm>>) dst(%arg17 : memref<128x64xf32, #tpu.memory_space<vmem>>)
      "tpu.region"() ({
        %run_scoped3A = tpu.sem_alloc : memref<!tpu.dma_semaphore, #tpu.memory_space<semaphore_mem>>
        %dma_start3A_349 = arith.constant 0 : i32
        %dma_start3A_350 = tpu.memref_slice %arg8[%add3A_326, %dma_start3A_349] : memref<160x128xi32, #tpu.memory_space<vmem>> -> memref<1x128xi32, #tpu.memory_space<vmem>>
        %dma_start3A_351 = tpu.memref_squeeze %dma_start3A_350 : memref<1x128xi32, #tpu.memory_space<vmem>> -> memref<128xi32, #tpu.memory_space<vmem>>
        %dma_start3A_352 = arith.constant 0 : i32
        %dma_start3A_353 = arith.constant 0 : i32
        %dma_start3A_354 = tpu.memref_slice %arg11[%dma_start3A_352, %dma_start3A_353] : memref<10240x64xf32, #tpu.memory_space<vmem_shared>> -> memref<10240x64xf32, #tpu.memory_space<vmem_shared>>
        tpu.enqueue_indirect_dma source(%arg17 : memref<128x64xf32, #tpu.memory_space<vmem>>) target(%dma_start3A_354 : memref<10240x64xf32, #tpu.memory_space<vmem_shared>>) offsets(%dma_start3A_351 : memref<128xi32, #tpu.memory_space<vmem>>) semaphore(%run_scoped3A : memref<!tpu.dma_semaphore, #tpu.memory_space<semaphore_mem>>) {add = true}
        %dma_wait3A_355 = arith.constant 0 : i32
        %dma_wait3A_356 = tpu.memref_slice %arg8[%add3A_326, %dma_wait3A_355] : memref<160x128xi32, #tpu.memory_space<vmem>> -> memref<1x128xi32, #tpu.memory_space<vmem>>
        %dma_wait3A_357 = tpu.memref_squeeze %dma_wait3A_356 : memref<1x128xi32, #tpu.memory_space<vmem>> -> memref<128xi32, #tpu.memory_space<vmem>>
        %dma_wait3A_358 = arith.constant 0 : i32
        %dma_wait3A_359 = arith.constant 0 : i32
        %dma_wait3A_360 = tpu.memref_slice %arg11[%dma_wait3A_358, %dma_wait3A_359] : memref<10240x64xf32, #tpu.memory_space<vmem_shared>> -> memref<10240x64xf32, #tpu.memory_space<vmem_shared>>
        tpu.wait_indirect_dma semaphore(%run_scoped3A : memref<!tpu.dma_semaphore, #tpu.memory_space<semaphore_mem>>) src(%arg17 : memref<128x64xf32, #tpu.memory_space<vmem>>) dst(%dma_wait3A_360 : memref<10240x64xf32, #tpu.memory_space<vmem_shared>>)
        tpu.yield
      }) : () -> ()
      %eq3A_337 = arith.constant 0 : i32
      %eq3A_338 = arith.cmpi eq, %arg0, %eq3A_337 : i32
      %convert_element_type3A_339 = arith.extui %eq3A_338 : i1 to i32
      %cond3A_340 = arith.constant 0 : i32
      %cond3A_341 = arith.cmpi ne, %convert_element_type3A_339, %cond3A_340 : i32
      scf.if %cond3A_341 {
        %dma_start3A_349 = arith.constant 0 : i32
        %dma_start3A_350 = tpu.memref_slice %arg8[%add3A_326, %dma_start3A_349] : memref<160x128xi32, #tpu.memory_space<vmem>> -> memref<1x128xi32, #tpu.memory_space<vmem>>
        %dma_start3A_351 = tpu.memref_squeeze %dma_start3A_350 : memref<1x128xi32, #tpu.memory_space<vmem>> -> memref<128xi32, #tpu.memory_space<vmem>>
        %dma_start3A_352 = arith.constant 0 : i32
        %dma_start3A_353 = tpu.memref_slice %arg12[%dma_start3A_352] : memref<10240xf32, #tpu.memory_space<vmem_shared>> -> memref<10240xf32, #tpu.memory_space<vmem_shared>>
        tpu.enqueue_indirect_dma source(%arg9 : memref<128xf32, #tpu.memory_space<vmem>>) target(%dma_start3A_353 : memref<10240xf32, #tpu.memory_space<vmem_shared>>) offsets(%dma_start3A_351 : memref<128xi32, #tpu.memory_space<vmem>>) semaphore(%arg23 : memref<!tpu.dma_semaphore, #tpu.memory_space<semaphore_mem>>) {add = true}
      } else {
      }
      %add3A_342 = arith.constant 5 : i32
      %add3A_343 = arith.addi %add3A_326, %add3A_342 : i32
      %lt3A_344 = arith.constant 160 : i32
      %lt3A_345 = arith.cmpi slt, %add3A_343, %lt3A_344 : i32
      %convert_element_type3A_346 = arith.extui %lt3A_345 : i1 to i32
      %cond3A_347 = arith.constant 0 : i32
      %cond3A_348 = arith.cmpi ne, %convert_element_type3A_346, %cond3A_347 : i32
      scf.if %cond3A_348 {
        %dma_start3A_349 = arith.constant 0 : i32
        %dma_start3A_350 = tpu.memref_slice %arg7[%add3A_343, %dma_start3A_349] : memref<160x128xi32, #tpu.memory_space<vmem>> -> memref<1x128xi32, #tpu.memory_space<vmem>>
        %dma_start3A_351 = tpu.memref_squeeze %dma_start3A_350 : memref<1x128xi32, #tpu.memory_space<vmem>> -> memref<128xi32, #tpu.memory_space<vmem>>
        %dma_start3A_352 = arith.constant 0 : i32
        %dma_start3A_353 = arith.constant 0 : i32
        %dma_start3A_354 = tpu.memref_slice %arg2[%arg0, %dma_start3A_352, %dma_start3A_353] : memref<2x10240x64xf32, #tpu.memory_space<hbm>> -> memref<1x10240x64xf32, #tpu.memory_space<hbm>>
        %dma_start3A_355 = tpu.memref_squeeze %dma_start3A_354 : memref<1x10240x64xf32, #tpu.memory_space<hbm>> -> memref<10240x64xf32, #tpu.memory_space<hbm>>
        %dma_start3A_356 = arith.constant 0 : i32
        %dma_start3A_357 = arith.constant 0 : i32
        %dma_start3A_358 = tpu.memref_slice %dma_start3A_355[%dma_start3A_356, %dma_start3A_357] : memref<10240x64xf32, #tpu.memory_space<hbm>> -> memref<10240x64xf32, #tpu.memory_space<hbm>>
        tpu.enqueue_indirect_dma source(%dma_start3A_358 : memref<10240x64xf32, #tpu.memory_space<hbm>>) target(%arg17 : memref<128x64xf32, #tpu.memory_space<vmem>>) offsets(%dma_start3A_351 : memref<128xi32, #tpu.memory_space<vmem>>) semaphore(%arg22 : memref<!tpu.dma_semaphore, #tpu.memory_space<semaphore_mem>>)
      } else {
      }
    }
    %scan3A_86 = arith.constant 32 : i32
    %eq3A = arith.constant 0 : i32
    %eq3A_87 = arith.cmpi eq, %arg0, %eq3A : i32
    %convert_element_type3A = arith.extui %eq3A_87 : i1 to i32
    %cond3A = arith.constant 0 : i32
    %cond3A_88 = arith.cmpi ne, %convert_element_type3A, %cond3A : i32
    scf.if %cond3A_88 {
      %scan3A_219 = arith.constant 0 : i32
      %scan3A_220 = arith.constant 0 : i32
      %scan3A_221 = arith.constant 160 : i32
      %scan3A_222 = arith.addi %scan3A_220, %scan3A_221 : i32
      %scan3A_223 = arith.constant 1 : i32
      scf.for %scan3A_225 = %scan3A_220 to %scan3A_222 step %scan3A_223  : i32 {
        %dma_wait3A_226 = arith.constant 0 : i32
        %dma_wait3A_227 = tpu.memref_slice %arg8[%scan3A_225, %dma_wait3A_226] : memref<160x128xi32, #tpu.memory_space<vmem>> -> memref<1x128xi32, #tpu.memory_space<vmem>>
        %dma_wait3A_228 = tpu.memref_squeeze %dma_wait3A_227 : memref<1x128xi32, #tpu.memory_space<vmem>> -> memref<128xi32, #tpu.memory_space<vmem>>
        %dma_wait3A_229 = arith.constant 0 : i32
        %dma_wait3A_230 = tpu.memref_slice %arg12[%dma_wait3A_229] : memref<10240xf32, #tpu.memory_space<vmem_shared>> -> memref<10240xf32, #tpu.memory_space<vmem_shared>>
        tpu.wait_indirect_dma semaphore(%arg23 : memref<!tpu.dma_semaphore, #tpu.memory_space<semaphore_mem>>) src(%arg9 : memref<128xf32, #tpu.memory_space<vmem>>) dst(%dma_wait3A_230 : memref<10240xf32, #tpu.memory_space<vmem_shared>>)
      }
      %scan3A_224 = arith.constant 160 : i32
    } else {
    }
    %barrier3A_89 = arith.constant 0 : index
    tpu.barrier barrier_id(%barrier3A_89)
    "tpu.region"() ({
      %run_scoped3A = tpu.sem_alloc : memref<!tpu.dma_semaphore, #tpu.memory_space<semaphore_mem>>
      %dma_start3A_219 = tpu.memref_slice %arg12[%mul3A_0] : memref<10240xf32, #tpu.memory_space<vmem_shared>> -> memref<640xf32, #tpu.memory_space<vmem_shared>>
      %dma_start3A_220 = tpu.memref_slice %arg12[%mul3A_0] : memref<10240xf32, #tpu.memory_space<vmem_shared>> -> memref<640xf32, #tpu.memory_space<vmem_shared>>
      tpu.enqueue_dma source(%dma_start3A_220 : memref<640xf32, #tpu.memory_space<vmem_shared>>) target(%arg10 : memref<640xf32, #tpu.memory_space<vmem>>) target_semaphore(%run_scoped3A : memref<!tpu.dma_semaphore, #tpu.memory_space<semaphore_mem>>)
      %dma_wait3A_221 = tpu.memref_slice %arg12[%mul3A_0] : memref<10240xf32, #tpu.memory_space<vmem_shared>> -> memref<640xf32, #tpu.memory_space<vmem_shared>>
      %dma_wait3A_222 = tpu.memref_slice %arg12[%mul3A_0] : memref<10240xf32, #tpu.memory_space<vmem_shared>> -> memref<640xf32, #tpu.memory_space<vmem_shared>>
      tpu.wait_dma2 semaphore(%run_scoped3A : memref<!tpu.dma_semaphore, #tpu.memory_space<semaphore_mem>>) src(%dma_wait3A_222 : memref<640xf32, #tpu.memory_space<vmem_shared>>) dst(%arg10 : memref<640xf32, #tpu.memory_space<vmem>>)
      tpu.yield
    }) : () -> ()
    %scan3A_90 = arith.constant 0 : i32
    %scan3A_91 = arith.constant 0 : i32
    %scan3A_92 = arith.constant 40 : i32
    %scan3A_93 = arith.addi %scan3A_91, %scan3A_92 : i32
    %scan3A_94 = arith.constant 1 : i32
    scf.for %scan3A_219 = %scan3A_91 to %scan3A_93 step %scan3A_94  : i32 {
      %mul3A_220 = arith.constant 16 : i32
      %mul3A_221 = arith.muli %scan3A_219, %mul3A_220 : i32
      %get3A = arith.index_cast %mul3A_221 : i32 to index
      %get3A_222 = tpu.vector_load %arg10[%get3A] {strides = array<i32>} : memref<640xf32, #tpu.memory_space<vmem>>, vector<16xf32>,
      %get3A_223 = vector.shape_cast %get3A_222 : vector<16xf32> to vector<16xf32>
      %max3A = arith.constant 1.000000e+00 : f32
      %max3A_224 = vector.broadcast %max3A : f32 to vector<16xf32>
      %max3A_225 = arith.maximumf %get3A_223, %max3A_224 : vector<16xf32>
      %div3A = arith.constant 1.000000e+00 : f32
      %div3A_226 = vector.broadcast %div3A : f32 to vector<16xf32>
      %div3A_227 = arith.divf %div3A_226, %max3A_225 : vector<16xf32>
      %mul3A_228 = arith.constant 16 : i32
      %mul3A_229 = arith.muli %scan3A_219, %mul3A_228 : i32
      %swap3A = arith.index_cast %mul3A_229 : i32 to index
      %swap3A_230 = tpu.vector_load %arg10[%swap3A] {strides = array<i32>} : memref<640xf32, #tpu.memory_space<vmem>>, vector<16xf32>,
      %swap3A_231 = vector.shape_cast %swap3A_230 : vector<16xf32> to vector<16xf32>
      %swap3A_232 = vector.shape_cast %div3A_227 : vector<16xf32> to vector<16xf32>
      tpu.vector_store %arg10[%swap3A], %swap3A_232 {strides = array<i32>} : memref<640xf32, #tpu.memory_space<vmem>>, vector<16xf32>,
    }
    %scan3A_95 = arith.constant 40 : i32
    %eq3A_96 = arith.constant 0 : i32
    %eq3A_97 = arith.cmpi eq, %arg0, %eq3A_96 : i32
    %convert_element_type3A_98 = arith.extui %eq3A_97 : i1 to i32
    %cond3A_99 = arith.constant 0 : i32
    %cond3A_100 = arith.cmpi ne, %convert_element_type3A_98, %cond3A_99 : i32
    scf.if %cond3A_100 {
      "tpu.region"() ({
        %run_scoped3A = tpu.sem_alloc : memref<!tpu.dma_semaphore, #tpu.memory_space<semaphore_mem>>
        %dma_start3A_219 = tpu.memref_slice %arg6[%mul3A_0] : memref<10240xf32, #tpu.memory_space<hbm>> -> memref<640xf32, #tpu.memory_space<hbm>>
        %dma_start3A_220 = tpu.memref_slice %arg6[%mul3A_0] : memref<10240xf32, #tpu.memory_space<hbm>> -> memref<640xf32, #tpu.memory_space<hbm>>
        tpu.enqueue_dma source(%arg10 : memref<640xf32, #tpu.memory_space<vmem>>) target(%dma_start3A_220 : memref<640xf32, #tpu.memory_space<hbm>>) target_semaphore(%run_scoped3A : memref<!tpu.dma_semaphore, #tpu.memory_space<semaphore_mem>>)
        %dma_wait3A_221 = tpu.memref_slice %arg6[%mul3A_0] : memref<10240xf32, #tpu.memory_space<hbm>> -> memref<640xf32, #tpu.memory_space<hbm>>
        %dma_wait3A_222 = tpu.memref_slice %arg6[%mul3A_0] : memref<10240xf32, #tpu.memory_space<hbm>> -> memref<640xf32, #tpu.memory_space<hbm>>
        tpu.wait_dma2 semaphore(%run_scoped3A : memref<!tpu.dma_semaphore, #tpu.memory_space<semaphore_mem>>) src(%arg10 : memref<640xf32, #tpu.memory_space<vmem>>) dst(%dma_wait3A_222 : memref<640xf32, #tpu.memory_space<hbm>>)
        tpu.yield
      }) : () -> ()
    } else {
    }
    %add3A = arith.constant 0 : i32
    %add3A_101 = arith.addi %mul3A_0, %add3A : i32
    %add3A_102 = arith.constant 0 : i32
    %add3A_103 = arith.addi %mul3A_0, %add3A_102 : i32
    %dma_start3A_104 = arith.constant 0 : i32
    %dma_start3A_105 = arith.constant 0 : i32
    %dma_start3A_106 = tpu.memref_slice %arg5[%arg0, %dma_start3A_104, %dma_start3A_105] : memref<2x10240x64xf32, #tpu.memory_space<hbm>> -> memref<1x10240x64xf32, #tpu.memory_space<hbm>>
    %dma_start3A_107 = tpu.memref_squeeze %dma_start3A_106 : memref<1x10240x64xf32, #tpu.memory_space<hbm>> -> memref<10240x64xf32, #tpu.memory_space<hbm>>
    %dma_start3A_108 = arith.constant 0 : i32
    %dma_start3A_109 = tpu.memref_slice %dma_start3A_107[%add3A_103, %dma_start3A_108] : memref<10240x64xf32, #tpu.memory_space<hbm>> -> memref<128x64xf32, #tpu.memory_space<hbm>>
    %dma_start3A_110 = arith.constant 0 : i32
    %dma_start3A_111 = tpu.memref_slice %arg11[%add3A_101, %dma_start3A_110] : memref<10240x64xf32, #tpu.memory_space<vmem_shared>> -> memref<128x64xf32, #tpu.memory_space<vmem_shared>>
    tpu.enqueue_dma source(%dma_start3A_111 : memref<128x64xf32, #tpu.memory_space<vmem_shared>>) target(%dma_start3A_109 : memref<128x64xf32, #tpu.memory_space<hbm>>) target_semaphore(%arg18 : memref<!tpu.dma_semaphore, #tpu.memory_space<semaphore_mem>>)
    %add3A_112 = arith.constant 128 : i32
    %add3A_113 = arith.addi %mul3A_0, %add3A_112 : i32
    %add3A_114 = arith.constant 128 : i32
    %add3A_115 = arith.addi %mul3A_0, %add3A_114 : i32
    %dma_start3A_116 = arith.constant 0 : i32
    %dma_start3A_117 = arith.constant 0 : i32
    %dma_start3A_118 = tpu.memref_slice %arg5[%arg0, %dma_start3A_116, %dma_start3A_117] : memref<2x10240x64xf32, #tpu.memory_space<hbm>> -> memref<1x10240x64xf32, #tpu.memory_space<hbm>>
    %dma_start3A_119 = tpu.memref_squeeze %dma_start3A_118 : memref<1x10240x64xf32, #tpu.memory_space<hbm>> -> memref<10240x64xf32, #tpu.memory_space<hbm>>
    %dma_start3A_120 = arith.constant 0 : i32
    %dma_start3A_121 = tpu.memref_slice %dma_start3A_119[%add3A_115, %dma_start3A_120] : memref<10240x64xf32, #tpu.memory_space<hbm>> -> memref<128x64xf32, #tpu.memory_space<hbm>>
    %dma_start3A_122 = arith.constant 0 : i32
    %dma_start3A_123 = tpu.memref_slice %arg11[%add3A_113, %dma_start3A_122] : memref<10240x64xf32, #tpu.memory_space<vmem_shared>> -> memref<128x64xf32, #tpu.memory_space<vmem_shared>>
    tpu.enqueue_dma source(%dma_start3A_123 : memref<128x64xf32, #tpu.memory_space<vmem_shared>>) target(%dma_start3A_121 : memref<128x64xf32, #tpu.memory_space<hbm>>) target_semaphore(%arg19 : memref<!tpu.dma_semaphore, #tpu.memory_space<semaphore_mem>>)
    %add3A_124 = arith.constant 256 : i32
    %add3A_125 = arith.addi %mul3A_0, %add3A_124 : i32
    %add3A_126 = arith.constant 256 : i32
    %add3A_127 = arith.addi %mul3A_0, %add3A_126 : i32
    %dma_start3A_128 = arith.constant 0 : i32
    %dma_start3A_129 = arith.constant 0 : i32
    %dma_start3A_130 = tpu.memref_slice %arg5[%arg0, %dma_start3A_128, %dma_start3A_129] : memref<2x10240x64xf32, #tpu.memory_space<hbm>> -> memref<1x10240x64xf32, #tpu.memory_space<hbm>>
    %dma_start3A_131 = tpu.memref_squeeze %dma_start3A_130 : memref<1x10240x64xf32, #tpu.memory_space<hbm>> -> memref<10240x64xf32, #tpu.memory_space<hbm>>
    %dma_start3A_132 = arith.constant 0 : i32
    %dma_start3A_133 = tpu.memref_slice %dma_start3A_131[%add3A_127, %dma_start3A_132] : memref<10240x64xf32, #tpu.memory_space<hbm>> -> memref<128x64xf32, #tpu.memory_space<hbm>>
    %dma_start3A_134 = arith.constant 0 : i32
    %dma_start3A_135 = tpu.memref_slice %arg11[%add3A_125, %dma_start3A_134] : memref<10240x64xf32, #tpu.memory_space<vmem_shared>> -> memref<128x64xf32, #tpu.memory_space<vmem_shared>>
    tpu.enqueue_dma source(%dma_start3A_135 : memref<128x64xf32, #tpu.memory_space<vmem_shared>>) target(%dma_start3A_133 : memref<128x64xf32, #tpu.memory_space<hbm>>) target_semaphore(%arg20 : memref<!tpu.dma_semaphore, #tpu.memory_space<semaphore_mem>>)
    %add3A_136 = arith.constant 384 : i32
    %add3A_137 = arith.addi %mul3A_0, %add3A_136 : i32
    %add3A_138 = arith.constant 384 : i32
    %add3A_139 = arith.addi %mul3A_0, %add3A_138 : i32
    %dma_start3A_140 = arith.constant 0 : i32
    %dma_start3A_141 = arith.constant 0 : i32
    %dma_start3A_142 = tpu.memref_slice %arg5[%arg0, %dma_start3A_140, %dma_start3A_141] : memref<2x10240x64xf32, #tpu.memory_space<hbm>> -> memref<1x10240x64xf32, #tpu.memory_space<hbm>>
    %dma_start3A_143 = tpu.memref_squeeze %dma_start3A_142 : memref<1x10240x64xf32, #tpu.memory_space<hbm>> -> memref<10240x64xf32, #tpu.memory_space<hbm>>
    %dma_start3A_144 = arith.constant 0 : i32
    %dma_start3A_145 = tpu.memref_slice %dma_start3A_143[%add3A_139, %dma_start3A_144] : memref<10240x64xf32, #tpu.memory_space<hbm>> -> memref<128x64xf32, #tpu.memory_space<hbm>>
    %dma_start3A_146 = arith.constant 0 : i32
    %dma_start3A_147 = tpu.memref_slice %arg11[%add3A_137, %dma_start3A_146] : memref<10240x64xf32, #tpu.memory_space<vmem_shared>> -> memref<128x64xf32, #tpu.memory_space<vmem_shared>>
    tpu.enqueue_dma source(%dma_start3A_147 : memref<128x64xf32, #tpu.memory_space<vmem_shared>>) target(%dma_start3A_145 : memref<128x64xf32, #tpu.memory_space<hbm>>) target_semaphore(%arg21 : memref<!tpu.dma_semaphore, #tpu.memory_space<semaphore_mem>>)
    %add3A_148 = arith.constant 512 : i32
    %add3A_149 = arith.addi %mul3A_0, %add3A_148 : i32
    %add3A_150 = arith.constant 512 : i32
    %add3A_151 = arith.addi %mul3A_0, %add3A_150 : i32
    %dma_start3A_152 = arith.constant 0 : i32
    %dma_start3A_153 = arith.constant 0 : i32
    %dma_start3A_154 = tpu.memref_slice %arg5[%arg0, %dma_start3A_152, %dma_start3A_153] : memref<2x10240x64xf32, #tpu.memory_space<hbm>> -> memref<1x10240x64xf32, #tpu.memory_space<hbm>>
    %dma_start3A_155 = tpu.memref_squeeze %dma_start3A_154 : memref<1x10240x64xf32, #tpu.memory_space<hbm>> -> memref<10240x64xf32, #tpu.memory_space<hbm>>
    %dma_start3A_156 = arith.constant 0 : i32
    %dma_start3A_157 = tpu.memref_slice %dma_start3A_155[%add3A_151, %dma_start3A_156] : memref<10240x64xf32, #tpu.memory_space<hbm>> -> memref<128x64xf32, #tpu.memory_space<hbm>>
    %dma_start3A_158 = arith.constant 0 : i32
    %dma_start3A_159 = tpu.memref_slice %arg11[%add3A_149, %dma_start3A_158] : memref<10240x64xf32, #tpu.memory_space<vmem_shared>> -> memref<128x64xf32, #tpu.memory_space<vmem_shared>>
    tpu.enqueue_dma source(%dma_start3A_159 : memref<128x64xf32, #tpu.memory_space<vmem_shared>>) target(%dma_start3A_157 : memref<128x64xf32, #tpu.memory_space<hbm>>) target_semaphore(%arg22 : memref<!tpu.dma_semaphore, #tpu.memory_space<semaphore_mem>>)
    %add3A_160 = arith.constant 0 : i32
    %add3A_161 = arith.addi %mul3A_0, %add3A_160 : i32
    %add3A_162 = arith.constant 0 : i32
    %add3A_163 = arith.addi %mul3A_0, %add3A_162 : i32
    %dma_wait3A = arith.constant 0 : i32
    %dma_wait3A_164 = arith.constant 0 : i32
    %dma_wait3A_165 = tpu.memref_slice %arg5[%arg0, %dma_wait3A, %dma_wait3A_164] : memref<2x10240x64xf32, #tpu.memory_space<hbm>> -> memref<1x10240x64xf32, #tpu.memory_space<hbm>>
    %dma_wait3A_166 = tpu.memref_squeeze %dma_wait3A_165 : memref<1x10240x64xf32, #tpu.memory_space<hbm>> -> memref<10240x64xf32, #tpu.memory_space<hbm>>
    %dma_wait3A_167 = arith.constant 0 : i32
    %dma_wait3A_168 = tpu.memref_slice %dma_wait3A_166[%add3A_163, %dma_wait3A_167] : memref<10240x64xf32, #tpu.memory_space<hbm>> -> memref<128x64xf32, #tpu.memory_space<hbm>>
    %dma_wait3A_169 = arith.constant 0 : i32
    %dma_wait3A_170 = tpu.memref_slice %arg11[%add3A_161, %dma_wait3A_169] : memref<10240x64xf32, #tpu.memory_space<vmem_shared>> -> memref<128x64xf32, #tpu.memory_space<vmem_shared>>
    tpu.wait_dma2 semaphore(%arg18 : memref<!tpu.dma_semaphore, #tpu.memory_space<semaphore_mem>>) src(%dma_wait3A_170 : memref<128x64xf32, #tpu.memory_space<vmem_shared>>) dst(%dma_wait3A_168 : memref<128x64xf32, #tpu.memory_space<hbm>>)
    %add3A_171 = arith.constant 128 : i32
    %add3A_172 = arith.addi %mul3A_0, %add3A_171 : i32
    %add3A_173 = arith.constant 128 : i32
    %add3A_174 = arith.addi %mul3A_0, %add3A_173 : i32
    %dma_wait3A_175 = arith.constant 0 : i32
    %dma_wait3A_176 = arith.constant 0 : i32
    %dma_wait3A_177 = tpu.memref_slice %arg5[%arg0, %dma_wait3A_175, %dma_wait3A_176] : memref<2x10240x64xf32, #tpu.memory_space<hbm>> -> memref<1x10240x64xf32, #tpu.memory_space<hbm>>
    %dma_wait3A_178 = tpu.memref_squeeze %dma_wait3A_177 : memref<1x10240x64xf32, #tpu.memory_space<hbm>> -> memref<10240x64xf32, #tpu.memory_space<hbm>>
    %dma_wait3A_179 = arith.constant 0 : i32
    %dma_wait3A_180 = tpu.memref_slice %dma_wait3A_178[%add3A_174, %dma_wait3A_179] : memref<10240x64xf32, #tpu.memory_space<hbm>> -> memref<128x64xf32, #tpu.memory_space<hbm>>
    %dma_wait3A_181 = arith.constant 0 : i32
    %dma_wait3A_182 = tpu.memref_slice %arg11[%add3A_172, %dma_wait3A_181] : memref<10240x64xf32, #tpu.memory_space<vmem_shared>> -> memref<128x64xf32, #tpu.memory_space<vmem_shared>>
    tpu.wait_dma2 semaphore(%arg19 : memref<!tpu.dma_semaphore, #tpu.memory_space<semaphore_mem>>) src(%dma_wait3A_182 : memref<128x64xf32, #tpu.memory_space<vmem_shared>>) dst(%dma_wait3A_180 : memref<128x64xf32, #tpu.memory_space<hbm>>)
    %add3A_183 = arith.constant 256 : i32
    %add3A_184 = arith.addi %mul3A_0, %add3A_183 : i32
    %add3A_185 = arith.constant 256 : i32
    %add3A_186 = arith.addi %mul3A_0, %add3A_185 : i32
    %dma_wait3A_187 = arith.constant 0 : i32
    %dma_wait3A_188 = arith.constant 0 : i32
    %dma_wait3A_189 = tpu.memref_slice %arg5[%arg0, %dma_wait3A_187, %dma_wait3A_188] : memref<2x10240x64xf32, #tpu.memory_space<hbm>> -> memref<1x10240x64xf32, #tpu.memory_space<hbm>>
    %dma_wait3A_190 = tpu.memref_squeeze %dma_wait3A_189 : memref<1x10240x64xf32, #tpu.memory_space<hbm>> -> memref<10240x64xf32, #tpu.memory_space<hbm>>
    %dma_wait3A_191 = arith.constant 0 : i32
    %dma_wait3A_192 = tpu.memref_slice %dma_wait3A_190[%add3A_186, %dma_wait3A_191] : memref<10240x64xf32, #tpu.memory_space<hbm>> -> memref<128x64xf32, #tpu.memory_space<hbm>>
    %dma_wait3A_193 = arith.constant 0 : i32
    %dma_wait3A_194 = tpu.memref_slice %arg11[%add3A_184, %dma_wait3A_193] : memref<10240x64xf32, #tpu.memory_space<vmem_shared>> -> memref<128x64xf32, #tpu.memory_space<vmem_shared>>
    tpu.wait_dma2 semaphore(%arg20 : memref<!tpu.dma_semaphore, #tpu.memory_space<semaphore_mem>>) src(%dma_wait3A_194 : memref<128x64xf32, #tpu.memory_space<vmem_shared>>) dst(%dma_wait3A_192 : memref<128x64xf32, #tpu.memory_space<hbm>>)
    %add3A_195 = arith.constant 384 : i32
    %add3A_196 = arith.addi %mul3A_0, %add3A_195 : i32
    %add3A_197 = arith.constant 384 : i32
    %add3A_198 = arith.addi %mul3A_0, %add3A_197 : i32
    %dma_wait3A_199 = arith.constant 0 : i32
    %dma_wait3A_200 = arith.constant 0 : i32
    %dma_wait3A_201 = tpu.memref_slice %arg5[%arg0, %dma_wait3A_199, %dma_wait3A_200] : memref<2x10240x64xf32, #tpu.memory_space<hbm>> -> memref<1x10240x64xf32, #tpu.memory_space<hbm>>
    %dma_wait3A_202 = tpu.memref_squeeze %dma_wait3A_201 : memref<1x10240x64xf32, #tpu.memory_space<hbm>> -> memref<10240x64xf32, #tpu.memory_space<hbm>>
    %dma_wait3A_203 = arith.constant 0 : i32
    %dma_wait3A_204 = tpu.memref_slice %dma_wait3A_202[%add3A_198, %dma_wait3A_203] : memref<10240x64xf32, #tpu.memory_space<hbm>> -> memref<128x64xf32, #tpu.memory_space<hbm>>
    %dma_wait3A_205 = arith.constant 0 : i32
    %dma_wait3A_206 = tpu.memref_slice %arg11[%add3A_196, %dma_wait3A_205] : memref<10240x64xf32, #tpu.memory_space<vmem_shared>> -> memref<128x64xf32, #tpu.memory_space<vmem_shared>>
    tpu.wait_dma2 semaphore(%arg21 : memref<!tpu.dma_semaphore, #tpu.memory_space<semaphore_mem>>) src(%dma_wait3A_206 : memref<128x64xf32, #tpu.memory_space<vmem_shared>>) dst(%dma_wait3A_204 : memref<128x64xf32, #tpu.memory_space<hbm>>)
    %add3A_207 = arith.constant 512 : i32
    %add3A_208 = arith.addi %mul3A_0, %add3A_207 : i32
    %add3A_209 = arith.constant 512 : i32
    %add3A_210 = arith.addi %mul3A_0, %add3A_209 : i32
    %dma_wait3A_211 = arith.constant 0 : i32
    %dma_wait3A_212 = arith.constant 0 : i32
    %dma_wait3A_213 = tpu.memref_slice %arg5[%arg0, %dma_wait3A_211, %dma_wait3A_212] : memref<2x10240x64xf32, #tpu.memory_space<hbm>> -> memref<1x10240x64xf32, #tpu.memory_space<hbm>>
    %dma_wait3A_214 = tpu.memref_squeeze %dma_wait3A_213 : memref<1x10240x64xf32, #tpu.memory_space<hbm>> -> memref<10240x64xf32, #tpu.memory_space<hbm>>
    %dma_wait3A_215 = arith.constant 0 : i32
    %dma_wait3A_216 = tpu.memref_slice %dma_wait3A_214[%add3A_210, %dma_wait3A_215] : memref<10240x64xf32, #tpu.memory_space<hbm>> -> memref<128x64xf32, #tpu.memory_space<hbm>>
    %dma_wait3A_217 = arith.constant 0 : i32
    %dma_wait3A_218 = tpu.memref_slice %arg11[%add3A_208, %dma_wait3A_217] : memref<10240x64xf32, #tpu.memory_space<vmem_shared>> -> memref<128x64xf32, #tpu.memory_space<vmem_shared>>
    tpu.wait_dma2 semaphore(%arg22 : memref<!tpu.dma_semaphore, #tpu.memory_space<semaphore_mem>>) src(%dma_wait3A_218 : memref<128x64xf32, #tpu.memory_space<vmem_shared>>) dst(%dma_wait3A_216 : memref<128x64xf32, #tpu.memory_space<hbm>>)
    return
  }
}

#map = affine_map<(d0, d1) -> (0, 0, 0)>
module attributes {stable_mosaic.version = 14 : i64} {
  func.func @body(%arg0: i32, %arg1: i32, %arg2: memref<2x10240x64xf32, #tpu.memory_space<hbm>>, %arg3: memref<16x160x128xi32, #tpu.memory_space<hbm>>, %arg4: memref<16x160x128xi32, #tpu.memory_space<hbm>>, %arg5: memref<2x10240x64xf32, #tpu.memory_space<hbm>>, %arg6: memref<160x128xi32, #tpu.memory_space<vmem>>, %arg7: memref<160x128xi32, #tpu.memory_space<vmem>>, %arg8: memref<128xf32, #tpu.memory_space<vmem>>, %arg9: memref<640xf32, #tpu.memory_space<vmem>>, %arg10: memref<10240x64xf32, #tpu.memory_space<vmem_shared>>, %arg11: memref<10240xf32, #tpu.memory_space<vmem_shared>>, %arg12: memref<128x64xf32, #tpu.memory_space<vmem>>, %arg13: memref<128x64xf32, #tpu.memory_space<vmem>>, %arg14: memref<128x64xf32, #tpu.memory_space<vmem>>, %arg15: memref<128x64xf32, #tpu.memory_space<vmem>>, %arg16: memref<128x64xf32, #tpu.memory_space<vmem>>, %arg17: memref<!tpu.dma_semaphore, #tpu.memory_space<semaphore_mem>>, %arg18: memref<!tpu.dma_semaphore, #tpu.memory_space<semaphore_mem>>, %arg19: memref<!tpu.dma_semaphore, #tpu.memory_space<semaphore_mem>>, %arg20: memref<!tpu.dma_semaphore, #tpu.memory_space<semaphore_mem>>, %arg21: memref<!tpu.dma_semaphore, #tpu.memory_space<semaphore_mem>>, %arg22: memref<!tpu.dma_semaphore, #tpu.memory_space<semaphore_mem>>) attributes {dimension_semantics = [#tpu.dimension_semantics<core_parallel>, #tpu.dimension_semantics<subcore_parallel>], iteration_bounds = array<i64: 2, 16>, scalar_prefetch = 0 : i64, scratch_operands = 17 : i64, tpu.core_type = #tpu.core_type<sc_vector_subcore>, window_params = [{transform_indices = #map}, {transform_indices = #map}, {transform_indices = #map}, {transform_indices = #map}]} {
    %mul3A = arith.constant 640 : i32
    %mul3A_0 = arith.muli %arg1, %mul3A : i32
    "tpu.region"() ({
      %run_scoped3A = tpu.sem_alloc : memref<!tpu.dma_semaphore, #tpu.memory_space<semaphore_mem>>
      %dma_start3A_192 = arith.constant 0 : i32
      %dma_start3A_193 = arith.constant 0 : i32
      %dma_start3A_194 = tpu.memref_slice %arg3[%arg1, %dma_start3A_192, %dma_start3A_193] : memref<16x160x128xi32, #tpu.memory_space<hbm>> -> memref<1x160x128xi32, #tpu.memory_space<hbm>>
      %dma_start3A_195 = tpu.memref_squeeze %dma_start3A_194 : memref<1x160x128xi32, #tpu.memory_space<hbm>> -> memref<160x128xi32, #tpu.memory_space<hbm>>
      %dma_start3A_196 = arith.constant 0 : i32
      %dma_start3A_197 = arith.constant 0 : i32
      %dma_start3A_198 = tpu.memref_slice %arg3[%arg1, %dma_start3A_196, %dma_start3A_197] : memref<16x160x128xi32, #tpu.memory_space<hbm>> -> memref<1x160x128xi32, #tpu.memory_space<hbm>>
      %dma_start3A_199 = tpu.memref_squeeze %dma_start3A_198 : memref<1x160x128xi32, #tpu.memory_space<hbm>> -> memref<160x128xi32, #tpu.memory_space<hbm>>
      tpu.enqueue_dma source(%dma_start3A_199 : memref<160x128xi32, #tpu.memory_space<hbm>>) target(%arg6 : memref<160x128xi32, #tpu.memory_space<vmem>>) target_semaphore(%run_scoped3A : memref<!tpu.dma_semaphore, #tpu.memory_space<semaphore_mem>>)
      %dma_wait3A_200 = arith.constant 0 : i32
      %dma_wait3A_201 = arith.constant 0 : i32
      %dma_wait3A_202 = tpu.memref_slice %arg3[%arg1, %dma_wait3A_200, %dma_wait3A_201] : memref<16x160x128xi32, #tpu.memory_space<hbm>> -> memref<1x160x128xi32, #tpu.memory_space<hbm>>
      %dma_wait3A_203 = tpu.memref_squeeze %dma_wait3A_202 : memref<1x160x128xi32, #tpu.memory_space<hbm>> -> memref<160x128xi32, #tpu.memory_space<hbm>>
      %dma_wait3A_204 = arith.constant 0 : i32
      %dma_wait3A_205 = arith.constant 0 : i32
      %dma_wait3A_206 = tpu.memref_slice %arg3[%arg1, %dma_wait3A_204, %dma_wait3A_205] : memref<16x160x128xi32, #tpu.memory_space<hbm>> -> memref<1x160x128xi32, #tpu.memory_space<hbm>>
      %dma_wait3A_207 = tpu.memref_squeeze %dma_wait3A_206 : memref<1x160x128xi32, #tpu.memory_space<hbm>> -> memref<160x128xi32, #tpu.memory_space<hbm>>
      tpu.wait_dma2 semaphore(%run_scoped3A : memref<!tpu.dma_semaphore, #tpu.memory_space<semaphore_mem>>) src(%dma_wait3A_207 : memref<160x128xi32, #tpu.memory_space<hbm>>) dst(%arg6 : memref<160x128xi32, #tpu.memory_space<vmem>>)
      tpu.yield
    }) : () -> ()
    "tpu.region"() ({
      %run_scoped3A = tpu.sem_alloc : memref<!tpu.dma_semaphore, #tpu.memory_space<semaphore_mem>>
      %dma_start3A_192 = arith.constant 0 : i32
      %dma_start3A_193 = arith.constant 0 : i32
      %dma_start3A_194 = tpu.memref_slice %arg4[%arg1, %dma_start3A_192, %dma_start3A_193] : memref<16x160x128xi32, #tpu.memory_space<hbm>> -> memref<1x160x128xi32, #tpu.memory_space<hbm>>
      %dma_start3A_195 = tpu.memref_squeeze %dma_start3A_194 : memref<1x160x128xi32, #tpu.memory_space<hbm>> -> memref<160x128xi32, #tpu.memory_space<hbm>>
      %dma_start3A_196 = arith.constant 0 : i32
      %dma_start3A_197 = arith.constant 0 : i32
      %dma_start3A_198 = tpu.memref_slice %arg4[%arg1, %dma_start3A_196, %dma_start3A_197] : memref<16x160x128xi32, #tpu.memory_space<hbm>> -> memref<1x160x128xi32, #tpu.memory_space<hbm>>
      %dma_start3A_199 = tpu.memref_squeeze %dma_start3A_198 : memref<1x160x128xi32, #tpu.memory_space<hbm>> -> memref<160x128xi32, #tpu.memory_space<hbm>>
      tpu.enqueue_dma source(%dma_start3A_199 : memref<160x128xi32, #tpu.memory_space<hbm>>) target(%arg7 : memref<160x128xi32, #tpu.memory_space<vmem>>) target_semaphore(%run_scoped3A : memref<!tpu.dma_semaphore, #tpu.memory_space<semaphore_mem>>)
      %dma_wait3A_200 = arith.constant 0 : i32
      %dma_wait3A_201 = arith.constant 0 : i32
      %dma_wait3A_202 = tpu.memref_slice %arg4[%arg1, %dma_wait3A_200, %dma_wait3A_201] : memref<16x160x128xi32, #tpu.memory_space<hbm>> -> memref<1x160x128xi32, #tpu.memory_space<hbm>>
      %dma_wait3A_203 = tpu.memref_squeeze %dma_wait3A_202 : memref<1x160x128xi32, #tpu.memory_space<hbm>> -> memref<160x128xi32, #tpu.memory_space<hbm>>
      %dma_wait3A_204 = arith.constant 0 : i32
      %dma_wait3A_205 = arith.constant 0 : i32
      %dma_wait3A_206 = tpu.memref_slice %arg4[%arg1, %dma_wait3A_204, %dma_wait3A_205] : memref<16x160x128xi32, #tpu.memory_space<hbm>> -> memref<1x160x128xi32, #tpu.memory_space<hbm>>
      %dma_wait3A_207 = tpu.memref_squeeze %dma_wait3A_206 : memref<1x160x128xi32, #tpu.memory_space<hbm>> -> memref<160x128xi32, #tpu.memory_space<hbm>>
      tpu.wait_dma2 semaphore(%run_scoped3A : memref<!tpu.dma_semaphore, #tpu.memory_space<semaphore_mem>>) src(%dma_wait3A_207 : memref<160x128xi32, #tpu.memory_space<hbm>>) dst(%arg7 : memref<160x128xi32, #tpu.memory_space<vmem>>)
      tpu.yield
    }) : () -> ()
    %dma_start3A = arith.constant 1 : i32
    %dma_start3A_1 = arith.constant 0 : i32
    %dma_start3A_2 = tpu.memref_slice %arg6[%dma_start3A, %dma_start3A_1] : memref<160x128xi32, #tpu.memory_space<vmem>> -> memref<1x128xi32, #tpu.memory_space<vmem>>
    %dma_start3A_3 = tpu.memref_squeeze %dma_start3A_2 : memref<1x128xi32, #tpu.memory_space<vmem>> -> memref<128xi32, #tpu.memory_space<vmem>>
    %dma_start3A_4 = arith.constant 0 : i32
    %dma_start3A_5 = arith.constant 0 : i32
    %dma_start3A_6 = tpu.memref_slice %arg2[%arg0, %dma_start3A_4, %dma_start3A_5] : memref<2x10240x64xf32, #tpu.memory_space<hbm>> -> memref<1x10240x64xf32, #tpu.memory_space<hbm>>
    %dma_start3A_7 = tpu.memref_squeeze %dma_start3A_6 : memref<1x10240x64xf32, #tpu.memory_space<hbm>> -> memref<10240x64xf32, #tpu.memory_space<hbm>>
    %dma_start3A_8 = arith.constant 0 : i32
    %dma_start3A_9 = arith.constant 0 : i32
    %dma_start3A_10 = tpu.memref_slice %dma_start3A_7[%dma_start3A_8, %dma_start3A_9] : memref<10240x64xf32, #tpu.memory_space<hbm>> -> memref<10240x64xf32, #tpu.memory_space<hbm>>
    tpu.enqueue_indirect_dma source(%dma_start3A_10 : memref<10240x64xf32, #tpu.memory_space<hbm>>) target(%arg13 : memref<128x64xf32, #tpu.memory_space<vmem>>) offsets(%dma_start3A_3 : memref<128xi32, #tpu.memory_space<vmem>>) semaphore(%arg18 : memref<!tpu.dma_semaphore, #tpu.memory_space<semaphore_mem>>)
    %dma_start3A_11 = arith.constant 2 : i32
    %dma_start3A_12 = arith.constant 0 : i32
    %dma_start3A_13 = tpu.memref_slice %arg6[%dma_start3A_11, %dma_start3A_12] : memref<160x128xi32, #tpu.memory_space<vmem>> -> memref<1x128xi32, #tpu.memory_space<vmem>>
    %dma_start3A_14 = tpu.memref_squeeze %dma_start3A_13 : memref<1x128xi32, #tpu.memory_space<vmem>> -> memref<128xi32, #tpu.memory_space<vmem>>
    %dma_start3A_15 = arith.constant 0 : i32
    %dma_start3A_16 = arith.constant 0 : i32
    %dma_start3A_17 = tpu.memref_slice %arg2[%arg0, %dma_start3A_15, %dma_start3A_16] : memref<2x10240x64xf32, #tpu.memory_space<hbm>> -> memref<1x10240x64xf32, #tpu.memory_space<hbm>>
    %dma_start3A_18 = tpu.memref_squeeze %dma_start3A_17 : memref<1x10240x64xf32, #tpu.memory_space<hbm>> -> memref<10240x64xf32, #tpu.memory_space<hbm>>
    %dma_start3A_19 = arith.constant 0 : i32
    %dma_start3A_20 = arith.constant 0 : i32
    %dma_start3A_21 = tpu.memref_slice %dma_start3A_18[%dma_start3A_19, %dma_start3A_20] : memref<10240x64xf32, #tpu.memory_space<hbm>> -> memref<10240x64xf32, #tpu.memory_space<hbm>>
    tpu.enqueue_indirect_dma source(%dma_start3A_21 : memref<10240x64xf32, #tpu.memory_space<hbm>>) target(%arg14 : memref<128x64xf32, #tpu.memory_space<vmem>>) offsets(%dma_start3A_14 : memref<128xi32, #tpu.memory_space<vmem>>) semaphore(%arg19 : memref<!tpu.dma_semaphore, #tpu.memory_space<semaphore_mem>>)
    %dma_start3A_22 = arith.constant 3 : i32
    %dma_start3A_23 = arith.constant 0 : i32
    %dma_start3A_24 = tpu.memref_slice %arg6[%dma_start3A_22, %dma_start3A_23] : memref<160x128xi32, #tpu.memory_space<vmem>> -> memref<1x128xi32, #tpu.memory_space<vmem>>
    %dma_start3A_25 = tpu.memref_squeeze %dma_start3A_24 : memref<1x128xi32, #tpu.memory_space<vmem>> -> memref<128xi32, #tpu.memory_space<vmem>>
    %dma_start3A_26 = arith.constant 0 : i32
    %dma_start3A_27 = arith.constant 0 : i32
    %dma_start3A_28 = tpu.memref_slice %arg2[%arg0, %dma_start3A_26, %dma_start3A_27] : memref<2x10240x64xf32, #tpu.memory_space<hbm>> -> memref<1x10240x64xf32, #tpu.memory_space<hbm>>
    %dma_start3A_29 = tpu.memref_squeeze %dma_start3A_28 : memref<1x10240x64xf32, #tpu.memory_space<hbm>> -> memref<10240x64xf32, #tpu.memory_space<hbm>>
    %dma_start3A_30 = arith.constant 0 : i32
    %dma_start3A_31 = arith.constant 0 : i32
    %dma_start3A_32 = tpu.memref_slice %dma_start3A_29[%dma_start3A_30, %dma_start3A_31] : memref<10240x64xf32, #tpu.memory_space<hbm>> -> memref<10240x64xf32, #tpu.memory_space<hbm>>
    tpu.enqueue_indirect_dma source(%dma_start3A_32 : memref<10240x64xf32, #tpu.memory_space<hbm>>) target(%arg15 : memref<128x64xf32, #tpu.memory_space<vmem>>) offsets(%dma_start3A_25 : memref<128xi32, #tpu.memory_space<vmem>>) semaphore(%arg20 : memref<!tpu.dma_semaphore, #tpu.memory_space<semaphore_mem>>)
    %dma_start3A_33 = arith.constant 4 : i32
    %dma_start3A_34 = arith.constant 0 : i32
    %dma_start3A_35 = tpu.memref_slice %arg6[%dma_start3A_33, %dma_start3A_34] : memref<160x128xi32, #tpu.memory_space<vmem>> -> memref<1x128xi32, #tpu.memory_space<vmem>>
    %dma_start3A_36 = tpu.memref_squeeze %dma_start3A_35 : memref<1x128xi32, #tpu.memory_space<vmem>> -> memref<128xi32, #tpu.memory_space<vmem>>
    %dma_start3A_37 = arith.constant 0 : i32
    %dma_start3A_38 = arith.constant 0 : i32
    %dma_start3A_39 = tpu.memref_slice %arg2[%arg0, %dma_start3A_37, %dma_start3A_38] : memref<2x10240x64xf32, #tpu.memory_space<hbm>> -> memref<1x10240x64xf32, #tpu.memory_space<hbm>>
    %dma_start3A_40 = tpu.memref_squeeze %dma_start3A_39 : memref<1x10240x64xf32, #tpu.memory_space<hbm>> -> memref<10240x64xf32, #tpu.memory_space<hbm>>
    %dma_start3A_41 = arith.constant 0 : i32
    %dma_start3A_42 = arith.constant 0 : i32
    %dma_start3A_43 = tpu.memref_slice %dma_start3A_40[%dma_start3A_41, %dma_start3A_42] : memref<10240x64xf32, #tpu.memory_space<hbm>> -> memref<10240x64xf32, #tpu.memory_space<hbm>>
    tpu.enqueue_indirect_dma source(%dma_start3A_43 : memref<10240x64xf32, #tpu.memory_space<hbm>>) target(%arg16 : memref<128x64xf32, #tpu.memory_space<vmem>>) offsets(%dma_start3A_36 : memref<128xi32, #tpu.memory_space<vmem>>) semaphore(%arg21 : memref<!tpu.dma_semaphore, #tpu.memory_space<semaphore_mem>>)
    %broadcast_in_dim3A = arith.constant 0.000000e+00 : f32
    %broadcast_in_dim3A_44 = vector.broadcast %broadcast_in_dim3A : f32 to vector<16xf32>
    %scan3A = arith.constant 0 : i32
    %scan3A_45 = arith.constant 0 : i32
    %scan3A_46 = arith.constant 128 : i32
    %scan3A_47 = arith.addi %scan3A_45, %scan3A_46 : i32
    %scan3A_48 = arith.constant 1 : i32
    scf.for %scan3A_192 = %scan3A_45 to %scan3A_47 step %scan3A_48  : i32 {
      %swap3A = arith.index_cast %scan3A_192 : i32 to index
      %swap3A_193 = arith.constant 0 : index
      %swap3A_194 = tpu.vector_load %arg12[%swap3A, %swap3A_193] {strides = array<i32>} : memref<128x64xf32, #tpu.memory_space<vmem>>, vector<1x16xf32>,
      %swap3A_195 = vector.shape_cast %swap3A_194 : vector<1x16xf32> to vector<16xf32>
      %swap3A_196 = vector.shape_cast %broadcast_in_dim3A_44 : vector<16xf32> to vector<1x16xf32>
      tpu.vector_store %arg12[%swap3A, %swap3A_193], %swap3A_196 {strides = array<i32>} : memref<128x64xf32, #tpu.memory_space<vmem>>, vector<1x16xf32>,
      %swap3A_197 = arith.index_cast %scan3A_192 : i32 to index
      %swap3A_198 = arith.constant 16 : index
      %swap3A_199 = tpu.vector_load %arg12[%swap3A_197, %swap3A_198] {strides = array<i32>} : memref<128x64xf32, #tpu.memory_space<vmem>>, vector<1x16xf32>,
      %swap3A_200 = vector.shape_cast %swap3A_199 : vector<1x16xf32> to vector<16xf32>
      %swap3A_201 = vector.shape_cast %broadcast_in_dim3A_44 : vector<16xf32> to vector<1x16xf32>
      tpu.vector_store %arg12[%swap3A_197, %swap3A_198], %swap3A_201 {strides = array<i32>} : memref<128x64xf32, #tpu.memory_space<vmem>>, vector<1x16xf32>,
      %swap3A_202 = arith.index_cast %scan3A_192 : i32 to index
      %swap3A_203 = arith.constant 32 : index
      %swap3A_204 = tpu.vector_load %arg12[%swap3A_202, %swap3A_203] {strides = array<i32>} : memref<128x64xf32, #tpu.memory_space<vmem>>, vector<1x16xf32>,
      %swap3A_205 = vector.shape_cast %swap3A_204 : vector<1x16xf32> to vector<16xf32>
      %swap3A_206 = vector.shape_cast %broadcast_in_dim3A_44 : vector<16xf32> to vector<1x16xf32>
      tpu.vector_store %arg12[%swap3A_202, %swap3A_203], %swap3A_206 {strides = array<i32>} : memref<128x64xf32, #tpu.memory_space<vmem>>, vector<1x16xf32>,
      %swap3A_207 = arith.index_cast %scan3A_192 : i32 to index
      %swap3A_208 = arith.constant 48 : index
      %swap3A_209 = tpu.vector_load %arg12[%swap3A_207, %swap3A_208] {strides = array<i32>} : memref<128x64xf32, #tpu.memory_space<vmem>>, vector<1x16xf32>,
      %swap3A_210 = vector.shape_cast %swap3A_209 : vector<1x16xf32> to vector<16xf32>
      %swap3A_211 = vector.shape_cast %broadcast_in_dim3A_44 : vector<16xf32> to vector<1x16xf32>
      tpu.vector_store %arg12[%swap3A_207, %swap3A_208], %swap3A_211 {strides = array<i32>} : memref<128x64xf32, #tpu.memory_space<vmem>>, vector<1x16xf32>,
    }
    %scan3A_49 = arith.constant 128 : i32
    %scan3A_50 = arith.constant 0 : i32
    %scan3A_51 = arith.constant 0 : i32
    %scan3A_52 = arith.constant 5 : i32
    %scan3A_53 = arith.addi %scan3A_51, %scan3A_52 : i32
    %scan3A_54 = arith.constant 1 : i32
    scf.for %scan3A_192 = %scan3A_51 to %scan3A_53 step %scan3A_54  : i32 {
      %mul3A_193 = arith.constant 128 : i32
      %mul3A_194 = arith.muli %scan3A_192, %mul3A_193 : i32
      %add3A_195 = arith.addi %mul3A_0, %mul3A_194 : i32
      "tpu.region"() ({
        %run_scoped3A = tpu.sem_alloc : memref<!tpu.dma_semaphore, #tpu.memory_space<semaphore_mem>>
        %dma_start3A_196 = arith.constant 0 : i32
        %dma_start3A_197 = tpu.memref_slice %arg10[%add3A_195, %dma_start3A_196] : memref<10240x64xf32, #tpu.memory_space<vmem_shared>> -> memref<128x64xf32, #tpu.memory_space<vmem_shared>>
        %dma_start3A_198 = arith.constant 0 : i32
        %dma_start3A_199 = tpu.memref_slice %arg10[%add3A_195, %dma_start3A_198] : memref<10240x64xf32, #tpu.memory_space<vmem_shared>> -> memref<128x64xf32, #tpu.memory_space<vmem_shared>>
        tpu.enqueue_dma source(%arg12 : memref<128x64xf32, #tpu.memory_space<vmem>>) target(%dma_start3A_199 : memref<128x64xf32, #tpu.memory_space<vmem_shared>>) target_semaphore(%run_scoped3A : memref<!tpu.dma_semaphore, #tpu.memory_space<semaphore_mem>>)
        %dma_wait3A_200 = arith.constant 0 : i32
        %dma_wait3A_201 = tpu.memref_slice %arg10[%add3A_195, %dma_wait3A_200] : memref<10240x64xf32, #tpu.memory_space<vmem_shared>> -> memref<128x64xf32, #tpu.memory_space<vmem_shared>>
        %dma_wait3A_202 = arith.constant 0 : i32
        %dma_wait3A_203 = tpu.memref_slice %arg10[%add3A_195, %dma_wait3A_202] : memref<10240x64xf32, #tpu.memory_space<vmem_shared>> -> memref<128x64xf32, #tpu.memory_space<vmem_shared>>
        tpu.wait_dma2 semaphore(%run_scoped3A : memref<!tpu.dma_semaphore, #tpu.memory_space<semaphore_mem>>) src(%arg12 : memref<128x64xf32, #tpu.memory_space<vmem>>) dst(%dma_wait3A_203 : memref<128x64xf32, #tpu.memory_space<vmem_shared>>)
        tpu.yield
      }) : () -> ()
    }
    %scan3A_55 = arith.constant 5 : i32
    %barrier3A = arith.constant 0 : index
    tpu.barrier barrier_id(%barrier3A)
    %dma_start3A_56 = arith.constant 0 : i32
    %dma_start3A_57 = arith.constant 0 : i32
    %dma_start3A_58 = tpu.memref_slice %arg6[%dma_start3A_56, %dma_start3A_57] : memref<160x128xi32, #tpu.memory_space<vmem>> -> memref<1x128xi32, #tpu.memory_space<vmem>>
    %dma_start3A_59 = tpu.memref_squeeze %dma_start3A_58 : memref<1x128xi32, #tpu.memory_space<vmem>> -> memref<128xi32, #tpu.memory_space<vmem>>
    %dma_start3A_60 = arith.constant 0 : i32
    %dma_start3A_61 = arith.constant 0 : i32
    %dma_start3A_62 = tpu.memref_slice %arg2[%arg0, %dma_start3A_60, %dma_start3A_61] : memref<2x10240x64xf32, #tpu.memory_space<hbm>> -> memref<1x10240x64xf32, #tpu.memory_space<hbm>>
    %dma_start3A_63 = tpu.memref_squeeze %dma_start3A_62 : memref<1x10240x64xf32, #tpu.memory_space<hbm>> -> memref<10240x64xf32, #tpu.memory_space<hbm>>
    %dma_start3A_64 = arith.constant 0 : i32
    %dma_start3A_65 = arith.constant 0 : i32
    %dma_start3A_66 = tpu.memref_slice %dma_start3A_63[%dma_start3A_64, %dma_start3A_65] : memref<10240x64xf32, #tpu.memory_space<hbm>> -> memref<10240x64xf32, #tpu.memory_space<hbm>>
    tpu.enqueue_indirect_dma source(%dma_start3A_66 : memref<10240x64xf32, #tpu.memory_space<hbm>>) target(%arg12 : memref<128x64xf32, #tpu.memory_space<vmem>>) offsets(%dma_start3A_59 : memref<128xi32, #tpu.memory_space<vmem>>) semaphore(%arg17 : memref<!tpu.dma_semaphore, #tpu.memory_space<semaphore_mem>>)
    %scan3A_67 = arith.constant 0 : i32
    %scan3A_68 = arith.constant 0 : i32
    %scan3A_69 = arith.constant 32 : i32
    %scan3A_70 = arith.addi %scan3A_68, %scan3A_69 : i32
    %scan3A_71 = arith.constant 1 : i32
    scf.for %scan3A_192 = %scan3A_68 to %scan3A_70 step %scan3A_71  : i32 {
      %mul3A_193 = arith.constant 5 : i32
      %mul3A_194 = arith.muli %scan3A_192, %mul3A_193 : i32
      %add3A_195 = arith.constant 0 : i32
      %add3A_196 = arith.addi %mul3A_194, %add3A_195 : i32
      %dma_wait3A_197 = arith.constant 0 : i32
      %dma_wait3A_198 = tpu.memref_slice %arg6[%add3A_196, %dma_wait3A_197] : memref<160x128xi32, #tpu.memory_space<vmem>> -> memref<1x128xi32, #tpu.memory_space<vmem>>
      %dma_wait3A_199 = tpu.memref_squeeze %dma_wait3A_198 : memref<1x128xi32, #tpu.memory_space<vmem>> -> memref<128xi32, #tpu.memory_space<vmem>>
      %dma_wait3A_200 = arith.constant 0 : i32
      %dma_wait3A_201 = arith.constant 0 : i32
      %dma_wait3A_202 = tpu.memref_slice %arg2[%arg0, %dma_wait3A_200, %dma_wait3A_201] : memref<2x10240x64xf32, #tpu.memory_space<hbm>> -> memref<1x10240x64xf32, #tpu.memory_space<hbm>>
      %dma_wait3A_203 = tpu.memref_squeeze %dma_wait3A_202 : memref<1x10240x64xf32, #tpu.memory_space<hbm>> -> memref<10240x64xf32, #tpu.memory_space<hbm>>
      %dma_wait3A_204 = arith.constant 0 : i32
      %dma_wait3A_205 = arith.constant 0 : i32
      %dma_wait3A_206 = tpu.memref_slice %dma_wait3A_203[%dma_wait3A_204, %dma_wait3A_205] : memref<10240x64xf32, #tpu.memory_space<hbm>> -> memref<10240x64xf32, #tpu.memory_space<hbm>>
      tpu.wait_indirect_dma semaphore(%arg17 : memref<!tpu.dma_semaphore, #tpu.memory_space<semaphore_mem>>) src(%dma_wait3A_206 : memref<10240x64xf32, #tpu.memory_space<hbm>>) dst(%arg12 : memref<128x64xf32, #tpu.memory_space<vmem>>)
      "tpu.region"() ({
        %run_scoped3A = tpu.sem_alloc : memref<!tpu.dma_semaphore, #tpu.memory_space<semaphore_mem>>
        %dma_start3A_295 = arith.constant 0 : i32
        %dma_start3A_296 = tpu.memref_slice %arg7[%add3A_196, %dma_start3A_295] : memref<160x128xi32, #tpu.memory_space<vmem>> -> memref<1x128xi32, #tpu.memory_space<vmem>>
        %dma_start3A_297 = tpu.memref_squeeze %dma_start3A_296 : memref<1x128xi32, #tpu.memory_space<vmem>> -> memref<128xi32, #tpu.memory_space<vmem>>
        %dma_start3A_298 = arith.constant 0 : i32
        %dma_start3A_299 = arith.constant 0 : i32
        %dma_start3A_300 = tpu.memref_slice %arg10[%dma_start3A_298, %dma_start3A_299] : memref<10240x64xf32, #tpu.memory_space<vmem_shared>> -> memref<10240x64xf32, #tpu.memory_space<vmem_shared>>
        tpu.enqueue_indirect_dma source(%arg12 : memref<128x64xf32, #tpu.memory_space<vmem>>) target(%dma_start3A_300 : memref<10240x64xf32, #tpu.memory_space<vmem_shared>>) offsets(%dma_start3A_297 : memref<128xi32, #tpu.memory_space<vmem>>) semaphore(%run_scoped3A : memref<!tpu.dma_semaphore, #tpu.memory_space<semaphore_mem>>) {add = true}
        %dma_wait3A_301 = arith.constant 0 : i32
        %dma_wait3A_302 = tpu.memref_slice %arg7[%add3A_196, %dma_wait3A_301] : memref<160x128xi32, #tpu.memory_space<vmem>> -> memref<1x128xi32, #tpu.memory_space<vmem>>
        %dma_wait3A_303 = tpu.memref_squeeze %dma_wait3A_302 : memref<1x128xi32, #tpu.memory_space<vmem>> -> memref<128xi32, #tpu.memory_space<vmem>>
        %dma_wait3A_304 = arith.constant 0 : i32
        %dma_wait3A_305 = arith.constant 0 : i32
        %dma_wait3A_306 = tpu.memref_slice %arg10[%dma_wait3A_304, %dma_wait3A_305] : memref<10240x64xf32, #tpu.memory_space<vmem_shared>> -> memref<10240x64xf32, #tpu.memory_space<vmem_shared>>
        tpu.wait_indirect_dma semaphore(%run_scoped3A : memref<!tpu.dma_semaphore, #tpu.memory_space<semaphore_mem>>) src(%arg12 : memref<128x64xf32, #tpu.memory_space<vmem>>) dst(%dma_wait3A_306 : memref<10240x64xf32, #tpu.memory_space<vmem_shared>>)
        tpu.yield
      }) : () -> ()
      %add3A_207 = arith.constant 5 : i32
      %add3A_208 = arith.addi %add3A_196, %add3A_207 : i32
      %lt3A = arith.constant 160 : i32
      %lt3A_209 = arith.cmpi slt, %add3A_208, %lt3A : i32
      %convert_element_type3A = arith.extui %lt3A_209 : i1 to i32
      %cond3A = arith.constant 0 : i32
      %cond3A_210 = arith.cmpi ne, %convert_element_type3A, %cond3A : i32
      scf.if %cond3A_210 {
        %dma_start3A_295 = arith.constant 0 : i32
        %dma_start3A_296 = tpu.memref_slice %arg6[%add3A_208, %dma_start3A_295] : memref<160x128xi32, #tpu.memory_space<vmem>> -> memref<1x128xi32, #tpu.memory_space<vmem>>
        %dma_start3A_297 = tpu.memref_squeeze %dma_start3A_296 : memref<1x128xi32, #tpu.memory_space<vmem>> -> memref<128xi32, #tpu.memory_space<vmem>>
        %dma_start3A_298 = arith.constant 0 : i32
        %dma_start3A_299 = arith.constant 0 : i32
        %dma_start3A_300 = tpu.memref_slice %arg2[%arg0, %dma_start3A_298, %dma_start3A_299] : memref<2x10240x64xf32, #tpu.memory_space<hbm>> -> memref<1x10240x64xf32, #tpu.memory_space<hbm>>
        %dma_start3A_301 = tpu.memref_squeeze %dma_start3A_300 : memref<1x10240x64xf32, #tpu.memory_space<hbm>> -> memref<10240x64xf32, #tpu.memory_space<hbm>>
        %dma_start3A_302 = arith.constant 0 : i32
        %dma_start3A_303 = arith.constant 0 : i32
        %dma_start3A_304 = tpu.memref_slice %dma_start3A_301[%dma_start3A_302, %dma_start3A_303] : memref<10240x64xf32, #tpu.memory_space<hbm>> -> memref<10240x64xf32, #tpu.memory_space<hbm>>
        tpu.enqueue_indirect_dma source(%dma_start3A_304 : memref<10240x64xf32, #tpu.memory_space<hbm>>) target(%arg12 : memref<128x64xf32, #tpu.memory_space<vmem>>) offsets(%dma_start3A_297 : memref<128xi32, #tpu.memory_space<vmem>>) semaphore(%arg17 : memref<!tpu.dma_semaphore, #tpu.memory_space<semaphore_mem>>)
      } else {
      }
      %mul3A_211 = arith.constant 5 : i32
      %mul3A_212 = arith.muli %scan3A_192, %mul3A_211 : i32
      %add3A_213 = arith.constant 1 : i32
      %add3A_214 = arith.addi %mul3A_212, %add3A_213 : i32
      %dma_wait3A_215 = arith.constant 0 : i32
      %dma_wait3A_216 = tpu.memref_slice %arg6[%add3A_214, %dma_wait3A_215] : memref<160x128xi32, #tpu.memory_space<vmem>> -> memref<1x128xi32, #tpu.memory_space<vmem>>
      %dma_wait3A_217 = tpu.memref_squeeze %dma_wait3A_216 : memref<1x128xi32, #tpu.memory_space<vmem>> -> memref<128xi32, #tpu.memory_space<vmem>>
      %dma_wait3A_218 = arith.constant 0 : i32
      %dma_wait3A_219 = arith.constant 0 : i32
      %dma_wait3A_220 = tpu.memref_slice %arg2[%arg0, %dma_wait3A_218, %dma_wait3A_219] : memref<2x10240x64xf32, #tpu.memory_space<hbm>> -> memref<1x10240x64xf32, #tpu.memory_space<hbm>>
      %dma_wait3A_221 = tpu.memref_squeeze %dma_wait3A_220 : memref<1x10240x64xf32, #tpu.memory_space<hbm>> -> memref<10240x64xf32, #tpu.memory_space<hbm>>
      %dma_wait3A_222 = arith.constant 0 : i32
      %dma_wait3A_223 = arith.constant 0 : i32
      %dma_wait3A_224 = tpu.memref_slice %dma_wait3A_221[%dma_wait3A_222, %dma_wait3A_223] : memref<10240x64xf32, #tpu.memory_space<hbm>> -> memref<10240x64xf32, #tpu.memory_space<hbm>>
      tpu.wait_indirect_dma semaphore(%arg18 : memref<!tpu.dma_semaphore, #tpu.memory_space<semaphore_mem>>) src(%dma_wait3A_224 : memref<10240x64xf32, #tpu.memory_space<hbm>>) dst(%arg13 : memref<128x64xf32, #tpu.memory_space<vmem>>)
      "tpu.region"() ({
        %run_scoped3A = tpu.sem_alloc : memref<!tpu.dma_semaphore, #tpu.memory_space<semaphore_mem>>
        %dma_start3A_295 = arith.constant 0 : i32
        %dma_start3A_296 = tpu.memref_slice %arg7[%add3A_214, %dma_start3A_295] : memref<160x128xi32, #tpu.memory_space<vmem>> -> memref<1x128xi32, #tpu.memory_space<vmem>>
        %dma_start3A_297 = tpu.memref_squeeze %dma_start3A_296 : memref<1x128xi32, #tpu.memory_space<vmem>> -> memref<128xi32, #tpu.memory_space<vmem>>
        %dma_start3A_298 = arith.constant 0 : i32
        %dma_start3A_299 = arith.constant 0 : i32
        %dma_start3A_300 = tpu.memref_slice %arg10[%dma_start3A_298, %dma_start3A_299] : memref<10240x64xf32, #tpu.memory_space<vmem_shared>> -> memref<10240x64xf32, #tpu.memory_space<vmem_shared>>
        tpu.enqueue_indirect_dma source(%arg13 : memref<128x64xf32, #tpu.memory_space<vmem>>) target(%dma_start3A_300 : memref<10240x64xf32, #tpu.memory_space<vmem_shared>>) offsets(%dma_start3A_297 : memref<128xi32, #tpu.memory_space<vmem>>) semaphore(%run_scoped3A : memref<!tpu.dma_semaphore, #tpu.memory_space<semaphore_mem>>) {add = true}
        %dma_wait3A_301 = arith.constant 0 : i32
        %dma_wait3A_302 = tpu.memref_slice %arg7[%add3A_214, %dma_wait3A_301] : memref<160x128xi32, #tpu.memory_space<vmem>> -> memref<1x128xi32, #tpu.memory_space<vmem>>
        %dma_wait3A_303 = tpu.memref_squeeze %dma_wait3A_302 : memref<1x128xi32, #tpu.memory_space<vmem>> -> memref<128xi32, #tpu.memory_space<vmem>>
        %dma_wait3A_304 = arith.constant 0 : i32
        %dma_wait3A_305 = arith.constant 0 : i32
        %dma_wait3A_306 = tpu.memref_slice %arg10[%dma_wait3A_304, %dma_wait3A_305] : memref<10240x64xf32, #tpu.memory_space<vmem_shared>> -> memref<10240x64xf32, #tpu.memory_space<vmem_shared>>
        tpu.wait_indirect_dma semaphore(%run_scoped3A : memref<!tpu.dma_semaphore, #tpu.memory_space<semaphore_mem>>) src(%arg13 : memref<128x64xf32, #tpu.memory_space<vmem>>) dst(%dma_wait3A_306 : memref<10240x64xf32, #tpu.memory_space<vmem_shared>>)
        tpu.yield
      }) : () -> ()
      %add3A_225 = arith.constant 5 : i32
      %add3A_226 = arith.addi %add3A_214, %add3A_225 : i32
      %lt3A_227 = arith.constant 160 : i32
      %lt3A_228 = arith.cmpi slt, %add3A_226, %lt3A_227 : i32
      %convert_element_type3A_229 = arith.extui %lt3A_228 : i1 to i32
      %cond3A_230 = arith.constant 0 : i32
      %cond3A_231 = arith.cmpi ne, %convert_element_type3A_229, %cond3A_230 : i32
      scf.if %cond3A_231 {
        %dma_start3A_295 = arith.constant 0 : i32
        %dma_start3A_296 = tpu.memref_slice %arg6[%add3A_226, %dma_start3A_295] : memref<160x128xi32, #tpu.memory_space<vmem>> -> memref<1x128xi32, #tpu.memory_space<vmem>>
        %dma_start3A_297 = tpu.memref_squeeze %dma_start3A_296 : memref<1x128xi32, #tpu.memory_space<vmem>> -> memref<128xi32, #tpu.memory_space<vmem>>
        %dma_start3A_298 = arith.constant 0 : i32
        %dma_start3A_299 = arith.constant 0 : i32
        %dma_start3A_300 = tpu.memref_slice %arg2[%arg0, %dma_start3A_298, %dma_start3A_299] : memref<2x10240x64xf32, #tpu.memory_space<hbm>> -> memref<1x10240x64xf32, #tpu.memory_space<hbm>>
        %dma_start3A_301 = tpu.memref_squeeze %dma_start3A_300 : memref<1x10240x64xf32, #tpu.memory_space<hbm>> -> memref<10240x64xf32, #tpu.memory_space<hbm>>
        %dma_start3A_302 = arith.constant 0 : i32
        %dma_start3A_303 = arith.constant 0 : i32
        %dma_start3A_304 = tpu.memref_slice %dma_start3A_301[%dma_start3A_302, %dma_start3A_303] : memref<10240x64xf32, #tpu.memory_space<hbm>> -> memref<10240x64xf32, #tpu.memory_space<hbm>>
        tpu.enqueue_indirect_dma source(%dma_start3A_304 : memref<10240x64xf32, #tpu.memory_space<hbm>>) target(%arg13 : memref<128x64xf32, #tpu.memory_space<vmem>>) offsets(%dma_start3A_297 : memref<128xi32, #tpu.memory_space<vmem>>) semaphore(%arg18 : memref<!tpu.dma_semaphore, #tpu.memory_space<semaphore_mem>>)
      } else {
      }
      %mul3A_232 = arith.constant 5 : i32
      %mul3A_233 = arith.muli %scan3A_192, %mul3A_232 : i32
      %add3A_234 = arith.constant 2 : i32
      %add3A_235 = arith.addi %mul3A_233, %add3A_234 : i32
      %dma_wait3A_236 = arith.constant 0 : i32
      %dma_wait3A_237 = tpu.memref_slice %arg6[%add3A_235, %dma_wait3A_236] : memref<160x128xi32, #tpu.memory_space<vmem>> -> memref<1x128xi32, #tpu.memory_space<vmem>>
      %dma_wait3A_238 = tpu.memref_squeeze %dma_wait3A_237 : memref<1x128xi32, #tpu.memory_space<vmem>> -> memref<128xi32, #tpu.memory_space<vmem>>
      %dma_wait3A_239 = arith.constant 0 : i32
      %dma_wait3A_240 = arith.constant 0 : i32
      %dma_wait3A_241 = tpu.memref_slice %arg2[%arg0, %dma_wait3A_239, %dma_wait3A_240] : memref<2x10240x64xf32, #tpu.memory_space<hbm>> -> memref<1x10240x64xf32, #tpu.memory_space<hbm>>
      %dma_wait3A_242 = tpu.memref_squeeze %dma_wait3A_241 : memref<1x10240x64xf32, #tpu.memory_space<hbm>> -> memref<10240x64xf32, #tpu.memory_space<hbm>>
      %dma_wait3A_243 = arith.constant 0 : i32
      %dma_wait3A_244 = arith.constant 0 : i32
      %dma_wait3A_245 = tpu.memref_slice %dma_wait3A_242[%dma_wait3A_243, %dma_wait3A_244] : memref<10240x64xf32, #tpu.memory_space<hbm>> -> memref<10240x64xf32, #tpu.memory_space<hbm>>
      tpu.wait_indirect_dma semaphore(%arg19 : memref<!tpu.dma_semaphore, #tpu.memory_space<semaphore_mem>>) src(%dma_wait3A_245 : memref<10240x64xf32, #tpu.memory_space<hbm>>) dst(%arg14 : memref<128x64xf32, #tpu.memory_space<vmem>>)
      "tpu.region"() ({
        %run_scoped3A = tpu.sem_alloc : memref<!tpu.dma_semaphore, #tpu.memory_space<semaphore_mem>>
        %dma_start3A_295 = arith.constant 0 : i32
        %dma_start3A_296 = tpu.memref_slice %arg7[%add3A_235, %dma_start3A_295] : memref<160x128xi32, #tpu.memory_space<vmem>> -> memref<1x128xi32, #tpu.memory_space<vmem>>
        %dma_start3A_297 = tpu.memref_squeeze %dma_start3A_296 : memref<1x128xi32, #tpu.memory_space<vmem>> -> memref<128xi32, #tpu.memory_space<vmem>>
        %dma_start3A_298 = arith.constant 0 : i32
        %dma_start3A_299 = arith.constant 0 : i32
        %dma_start3A_300 = tpu.memref_slice %arg10[%dma_start3A_298, %dma_start3A_299] : memref<10240x64xf32, #tpu.memory_space<vmem_shared>> -> memref<10240x64xf32, #tpu.memory_space<vmem_shared>>
        tpu.enqueue_indirect_dma source(%arg14 : memref<128x64xf32, #tpu.memory_space<vmem>>) target(%dma_start3A_300 : memref<10240x64xf32, #tpu.memory_space<vmem_shared>>) offsets(%dma_start3A_297 : memref<128xi32, #tpu.memory_space<vmem>>) semaphore(%run_scoped3A : memref<!tpu.dma_semaphore, #tpu.memory_space<semaphore_mem>>) {add = true}
        %dma_wait3A_301 = arith.constant 0 : i32
        %dma_wait3A_302 = tpu.memref_slice %arg7[%add3A_235, %dma_wait3A_301] : memref<160x128xi32, #tpu.memory_space<vmem>> -> memref<1x128xi32, #tpu.memory_space<vmem>>
        %dma_wait3A_303 = tpu.memref_squeeze %dma_wait3A_302 : memref<1x128xi32, #tpu.memory_space<vmem>> -> memref<128xi32, #tpu.memory_space<vmem>>
        %dma_wait3A_304 = arith.constant 0 : i32
        %dma_wait3A_305 = arith.constant 0 : i32
        %dma_wait3A_306 = tpu.memref_slice %arg10[%dma_wait3A_304, %dma_wait3A_305] : memref<10240x64xf32, #tpu.memory_space<vmem_shared>> -> memref<10240x64xf32, #tpu.memory_space<vmem_shared>>
        tpu.wait_indirect_dma semaphore(%run_scoped3A : memref<!tpu.dma_semaphore, #tpu.memory_space<semaphore_mem>>) src(%arg14 : memref<128x64xf32, #tpu.memory_space<vmem>>) dst(%dma_wait3A_306 : memref<10240x64xf32, #tpu.memory_space<vmem_shared>>)
        tpu.yield
      }) : () -> ()
      %add3A_246 = arith.constant 5 : i32
      %add3A_247 = arith.addi %add3A_235, %add3A_246 : i32
      %lt3A_248 = arith.constant 160 : i32
      %lt3A_249 = arith.cmpi slt, %add3A_247, %lt3A_248 : i32
      %convert_element_type3A_250 = arith.extui %lt3A_249 : i1 to i32
      %cond3A_251 = arith.constant 0 : i32
      %cond3A_252 = arith.cmpi ne, %convert_element_type3A_250, %cond3A_251 : i32
      scf.if %cond3A_252 {
        %dma_start3A_295 = arith.constant 0 : i32
        %dma_start3A_296 = tpu.memref_slice %arg6[%add3A_247, %dma_start3A_295] : memref<160x128xi32, #tpu.memory_space<vmem>> -> memref<1x128xi32, #tpu.memory_space<vmem>>
        %dma_start3A_297 = tpu.memref_squeeze %dma_start3A_296 : memref<1x128xi32, #tpu.memory_space<vmem>> -> memref<128xi32, #tpu.memory_space<vmem>>
        %dma_start3A_298 = arith.constant 0 : i32
        %dma_start3A_299 = arith.constant 0 : i32
        %dma_start3A_300 = tpu.memref_slice %arg2[%arg0, %dma_start3A_298, %dma_start3A_299] : memref<2x10240x64xf32, #tpu.memory_space<hbm>> -> memref<1x10240x64xf32, #tpu.memory_space<hbm>>
        %dma_start3A_301 = tpu.memref_squeeze %dma_start3A_300 : memref<1x10240x64xf32, #tpu.memory_space<hbm>> -> memref<10240x64xf32, #tpu.memory_space<hbm>>
        %dma_start3A_302 = arith.constant 0 : i32
        %dma_start3A_303 = arith.constant 0 : i32
        %dma_start3A_304 = tpu.memref_slice %dma_start3A_301[%dma_start3A_302, %dma_start3A_303] : memref<10240x64xf32, #tpu.memory_space<hbm>> -> memref<10240x64xf32, #tpu.memory_space<hbm>>
        tpu.enqueue_indirect_dma source(%dma_start3A_304 : memref<10240x64xf32, #tpu.memory_space<hbm>>) target(%arg14 : memref<128x64xf32, #tpu.memory_space<vmem>>) offsets(%dma_start3A_297 : memref<128xi32, #tpu.memory_space<vmem>>) semaphore(%arg19 : memref<!tpu.dma_semaphore, #tpu.memory_space<semaphore_mem>>)
      } else {
      }
      %mul3A_253 = arith.constant 5 : i32
      %mul3A_254 = arith.muli %scan3A_192, %mul3A_253 : i32
      %add3A_255 = arith.constant 3 : i32
      %add3A_256 = arith.addi %mul3A_254, %add3A_255 : i32
      %dma_wait3A_257 = arith.constant 0 : i32
      %dma_wait3A_258 = tpu.memref_slice %arg6[%add3A_256, %dma_wait3A_257] : memref<160x128xi32, #tpu.memory_space<vmem>> -> memref<1x128xi32, #tpu.memory_space<vmem>>
      %dma_wait3A_259 = tpu.memref_squeeze %dma_wait3A_258 : memref<1x128xi32, #tpu.memory_space<vmem>> -> memref<128xi32, #tpu.memory_space<vmem>>
      %dma_wait3A_260 = arith.constant 0 : i32
      %dma_wait3A_261 = arith.constant 0 : i32
      %dma_wait3A_262 = tpu.memref_slice %arg2[%arg0, %dma_wait3A_260, %dma_wait3A_261] : memref<2x10240x64xf32, #tpu.memory_space<hbm>> -> memref<1x10240x64xf32, #tpu.memory_space<hbm>>
      %dma_wait3A_263 = tpu.memref_squeeze %dma_wait3A_262 : memref<1x10240x64xf32, #tpu.memory_space<hbm>> -> memref<10240x64xf32, #tpu.memory_space<hbm>>
      %dma_wait3A_264 = arith.constant 0 : i32
      %dma_wait3A_265 = arith.constant 0 : i32
      %dma_wait3A_266 = tpu.memref_slice %dma_wait3A_263[%dma_wait3A_264, %dma_wait3A_265] : memref<10240x64xf32, #tpu.memory_space<hbm>> -> memref<10240x64xf32, #tpu.memory_space<hbm>>
      tpu.wait_indirect_dma semaphore(%arg20 : memref<!tpu.dma_semaphore, #tpu.memory_space<semaphore_mem>>) src(%dma_wait3A_266 : memref<10240x64xf32, #tpu.memory_space<hbm>>) dst(%arg15 : memref<128x64xf32, #tpu.memory_space<vmem>>)
      "tpu.region"() ({
        %run_scoped3A = tpu.sem_alloc : memref<!tpu.dma_semaphore, #tpu.memory_space<semaphore_mem>>
        %dma_start3A_295 = arith.constant 0 : i32
        %dma_start3A_296 = tpu.memref_slice %arg7[%add3A_256, %dma_start3A_295] : memref<160x128xi32, #tpu.memory_space<vmem>> -> memref<1x128xi32, #tpu.memory_space<vmem>>
        %dma_start3A_297 = tpu.memref_squeeze %dma_start3A_296 : memref<1x128xi32, #tpu.memory_space<vmem>> -> memref<128xi32, #tpu.memory_space<vmem>>
        %dma_start3A_298 = arith.constant 0 : i32
        %dma_start3A_299 = arith.constant 0 : i32
        %dma_start3A_300 = tpu.memref_slice %arg10[%dma_start3A_298, %dma_start3A_299] : memref<10240x64xf32, #tpu.memory_space<vmem_shared>> -> memref<10240x64xf32, #tpu.memory_space<vmem_shared>>
        tpu.enqueue_indirect_dma source(%arg15 : memref<128x64xf32, #tpu.memory_space<vmem>>) target(%dma_start3A_300 : memref<10240x64xf32, #tpu.memory_space<vmem_shared>>) offsets(%dma_start3A_297 : memref<128xi32, #tpu.memory_space<vmem>>) semaphore(%run_scoped3A : memref<!tpu.dma_semaphore, #tpu.memory_space<semaphore_mem>>) {add = true}
        %dma_wait3A_301 = arith.constant 0 : i32
        %dma_wait3A_302 = tpu.memref_slice %arg7[%add3A_256, %dma_wait3A_301] : memref<160x128xi32, #tpu.memory_space<vmem>> -> memref<1x128xi32, #tpu.memory_space<vmem>>
        %dma_wait3A_303 = tpu.memref_squeeze %dma_wait3A_302 : memref<1x128xi32, #tpu.memory_space<vmem>> -> memref<128xi32, #tpu.memory_space<vmem>>
        %dma_wait3A_304 = arith.constant 0 : i32
        %dma_wait3A_305 = arith.constant 0 : i32
        %dma_wait3A_306 = tpu.memref_slice %arg10[%dma_wait3A_304, %dma_wait3A_305] : memref<10240x64xf32, #tpu.memory_space<vmem_shared>> -> memref<10240x64xf32, #tpu.memory_space<vmem_shared>>
        tpu.wait_indirect_dma semaphore(%run_scoped3A : memref<!tpu.dma_semaphore, #tpu.memory_space<semaphore_mem>>) src(%arg15 : memref<128x64xf32, #tpu.memory_space<vmem>>) dst(%dma_wait3A_306 : memref<10240x64xf32, #tpu.memory_space<vmem_shared>>)
        tpu.yield
      }) : () -> ()
      %add3A_267 = arith.constant 5 : i32
      %add3A_268 = arith.addi %add3A_256, %add3A_267 : i32
      %lt3A_269 = arith.constant 160 : i32
      %lt3A_270 = arith.cmpi slt, %add3A_268, %lt3A_269 : i32
      %convert_element_type3A_271 = arith.extui %lt3A_270 : i1 to i32
      %cond3A_272 = arith.constant 0 : i32
      %cond3A_273 = arith.cmpi ne, %convert_element_type3A_271, %cond3A_272 : i32
      scf.if %cond3A_273 {
        %dma_start3A_295 = arith.constant 0 : i32
        %dma_start3A_296 = tpu.memref_slice %arg6[%add3A_268, %dma_start3A_295] : memref<160x128xi32, #tpu.memory_space<vmem>> -> memref<1x128xi32, #tpu.memory_space<vmem>>
        %dma_start3A_297 = tpu.memref_squeeze %dma_start3A_296 : memref<1x128xi32, #tpu.memory_space<vmem>> -> memref<128xi32, #tpu.memory_space<vmem>>
        %dma_start3A_298 = arith.constant 0 : i32
        %dma_start3A_299 = arith.constant 0 : i32
        %dma_start3A_300 = tpu.memref_slice %arg2[%arg0, %dma_start3A_298, %dma_start3A_299] : memref<2x10240x64xf32, #tpu.memory_space<hbm>> -> memref<1x10240x64xf32, #tpu.memory_space<hbm>>
        %dma_start3A_301 = tpu.memref_squeeze %dma_start3A_300 : memref<1x10240x64xf32, #tpu.memory_space<hbm>> -> memref<10240x64xf32, #tpu.memory_space<hbm>>
        %dma_start3A_302 = arith.constant 0 : i32
        %dma_start3A_303 = arith.constant 0 : i32
        %dma_start3A_304 = tpu.memref_slice %dma_start3A_301[%dma_start3A_302, %dma_start3A_303] : memref<10240x64xf32, #tpu.memory_space<hbm>> -> memref<10240x64xf32, #tpu.memory_space<hbm>>
        tpu.enqueue_indirect_dma source(%dma_start3A_304 : memref<10240x64xf32, #tpu.memory_space<hbm>>) target(%arg15 : memref<128x64xf32, #tpu.memory_space<vmem>>) offsets(%dma_start3A_297 : memref<128xi32, #tpu.memory_space<vmem>>) semaphore(%arg20 : memref<!tpu.dma_semaphore, #tpu.memory_space<semaphore_mem>>)
      } else {
      }
      %mul3A_274 = arith.constant 5 : i32
      %mul3A_275 = arith.muli %scan3A_192, %mul3A_274 : i32
      %add3A_276 = arith.constant 4 : i32
      %add3A_277 = arith.addi %mul3A_275, %add3A_276 : i32
      %dma_wait3A_278 = arith.constant 0 : i32
      %dma_wait3A_279 = tpu.memref_slice %arg6[%add3A_277, %dma_wait3A_278] : memref<160x128xi32, #tpu.memory_space<vmem>> -> memref<1x128xi32, #tpu.memory_space<vmem>>
      %dma_wait3A_280 = tpu.memref_squeeze %dma_wait3A_279 : memref<1x128xi32, #tpu.memory_space<vmem>> -> memref<128xi32, #tpu.memory_space<vmem>>
      %dma_wait3A_281 = arith.constant 0 : i32
      %dma_wait3A_282 = arith.constant 0 : i32
      %dma_wait3A_283 = tpu.memref_slice %arg2[%arg0, %dma_wait3A_281, %dma_wait3A_282] : memref<2x10240x64xf32, #tpu.memory_space<hbm>> -> memref<1x10240x64xf32, #tpu.memory_space<hbm>>
      %dma_wait3A_284 = tpu.memref_squeeze %dma_wait3A_283 : memref<1x10240x64xf32, #tpu.memory_space<hbm>> -> memref<10240x64xf32, #tpu.memory_space<hbm>>
      %dma_wait3A_285 = arith.constant 0 : i32
      %dma_wait3A_286 = arith.constant 0 : i32
      %dma_wait3A_287 = tpu.memref_slice %dma_wait3A_284[%dma_wait3A_285, %dma_wait3A_286] : memref<10240x64xf32, #tpu.memory_space<hbm>> -> memref<10240x64xf32, #tpu.memory_space<hbm>>
      tpu.wait_indirect_dma semaphore(%arg21 : memref<!tpu.dma_semaphore, #tpu.memory_space<semaphore_mem>>) src(%dma_wait3A_287 : memref<10240x64xf32, #tpu.memory_space<hbm>>) dst(%arg16 : memref<128x64xf32, #tpu.memory_space<vmem>>)
      "tpu.region"() ({
        %run_scoped3A = tpu.sem_alloc : memref<!tpu.dma_semaphore, #tpu.memory_space<semaphore_mem>>
        %dma_start3A_295 = arith.constant 0 : i32
        %dma_start3A_296 = tpu.memref_slice %arg7[%add3A_277, %dma_start3A_295] : memref<160x128xi32, #tpu.memory_space<vmem>> -> memref<1x128xi32, #tpu.memory_space<vmem>>
        %dma_start3A_297 = tpu.memref_squeeze %dma_start3A_296 : memref<1x128xi32, #tpu.memory_space<vmem>> -> memref<128xi32, #tpu.memory_space<vmem>>
        %dma_start3A_298 = arith.constant 0 : i32
        %dma_start3A_299 = arith.constant 0 : i32
        %dma_start3A_300 = tpu.memref_slice %arg10[%dma_start3A_298, %dma_start3A_299] : memref<10240x64xf32, #tpu.memory_space<vmem_shared>> -> memref<10240x64xf32, #tpu.memory_space<vmem_shared>>
        tpu.enqueue_indirect_dma source(%arg16 : memref<128x64xf32, #tpu.memory_space<vmem>>) target(%dma_start3A_300 : memref<10240x64xf32, #tpu.memory_space<vmem_shared>>) offsets(%dma_start3A_297 : memref<128xi32, #tpu.memory_space<vmem>>) semaphore(%run_scoped3A : memref<!tpu.dma_semaphore, #tpu.memory_space<semaphore_mem>>) {add = true}
        %dma_wait3A_301 = arith.constant 0 : i32
        %dma_wait3A_302 = tpu.memref_slice %arg7[%add3A_277, %dma_wait3A_301] : memref<160x128xi32, #tpu.memory_space<vmem>> -> memref<1x128xi32, #tpu.memory_space<vmem>>
        %dma_wait3A_303 = tpu.memref_squeeze %dma_wait3A_302 : memref<1x128xi32, #tpu.memory_space<vmem>> -> memref<128xi32, #tpu.memory_space<vmem>>
        %dma_wait3A_304 = arith.constant 0 : i32
        %dma_wait3A_305 = arith.constant 0 : i32
        %dma_wait3A_306 = tpu.memref_slice %arg10[%dma_wait3A_304, %dma_wait3A_305] : memref<10240x64xf32, #tpu.memory_space<vmem_shared>> -> memref<10240x64xf32, #tpu.memory_space<vmem_shared>>
        tpu.wait_indirect_dma semaphore(%run_scoped3A : memref<!tpu.dma_semaphore, #tpu.memory_space<semaphore_mem>>) src(%arg16 : memref<128x64xf32, #tpu.memory_space<vmem>>) dst(%dma_wait3A_306 : memref<10240x64xf32, #tpu.memory_space<vmem_shared>>)
        tpu.yield
      }) : () -> ()
      %add3A_288 = arith.constant 5 : i32
      %add3A_289 = arith.addi %add3A_277, %add3A_288 : i32
      %lt3A_290 = arith.constant 160 : i32
      %lt3A_291 = arith.cmpi slt, %add3A_289, %lt3A_290 : i32
      %convert_element_type3A_292 = arith.extui %lt3A_291 : i1 to i32
      %cond3A_293 = arith.constant 0 : i32
      %cond3A_294 = arith.cmpi ne, %convert_element_type3A_292, %cond3A_293 : i32
      scf.if %cond3A_294 {
        %dma_start3A_295 = arith.constant 0 : i32
        %dma_start3A_296 = tpu.memref_slice %arg6[%add3A_289, %dma_start3A_295] : memref<160x128xi32, #tpu.memory_space<vmem>> -> memref<1x128xi32, #tpu.memory_space<vmem>>
        %dma_start3A_297 = tpu.memref_squeeze %dma_start3A_296 : memref<1x128xi32, #tpu.memory_space<vmem>> -> memref<128xi32, #tpu.memory_space<vmem>>
        %dma_start3A_298 = arith.constant 0 : i32
        %dma_start3A_299 = arith.constant 0 : i32
        %dma_start3A_300 = tpu.memref_slice %arg2[%arg0, %dma_start3A_298, %dma_start3A_299] : memref<2x10240x64xf32, #tpu.memory_space<hbm>> -> memref<1x10240x64xf32, #tpu.memory_space<hbm>>
        %dma_start3A_301 = tpu.memref_squeeze %dma_start3A_300 : memref<1x10240x64xf32, #tpu.memory_space<hbm>> -> memref<10240x64xf32, #tpu.memory_space<hbm>>
        %dma_start3A_302 = arith.constant 0 : i32
        %dma_start3A_303 = arith.constant 0 : i32
        %dma_start3A_304 = tpu.memref_slice %dma_start3A_301[%dma_start3A_302, %dma_start3A_303] : memref<10240x64xf32, #tpu.memory_space<hbm>> -> memref<10240x64xf32, #tpu.memory_space<hbm>>
        tpu.enqueue_indirect_dma source(%dma_start3A_304 : memref<10240x64xf32, #tpu.memory_space<hbm>>) target(%arg16 : memref<128x64xf32, #tpu.memory_space<vmem>>) offsets(%dma_start3A_297 : memref<128xi32, #tpu.memory_space<vmem>>) semaphore(%arg21 : memref<!tpu.dma_semaphore, #tpu.memory_space<semaphore_mem>>)
      } else {
      }
    }
    %scan3A_72 = arith.constant 32 : i32
    %barrier3A_73 = arith.constant 0 : index
    tpu.barrier barrier_id(%barrier3A_73)
    %add3A = arith.constant 0 : i32
    %add3A_74 = arith.addi %mul3A_0, %add3A : i32
    %add3A_75 = arith.constant 0 : i32
    %add3A_76 = arith.addi %mul3A_0, %add3A_75 : i32
    %dma_start3A_77 = arith.constant 0 : i32
    %dma_start3A_78 = arith.constant 0 : i32
    %dma_start3A_79 = tpu.memref_slice %arg5[%arg0, %dma_start3A_77, %dma_start3A_78] : memref<2x10240x64xf32, #tpu.memory_space<hbm>> -> memref<1x10240x64xf32, #tpu.memory_space<hbm>>
    %dma_start3A_80 = tpu.memref_squeeze %dma_start3A_79 : memref<1x10240x64xf32, #tpu.memory_space<hbm>> -> memref<10240x64xf32, #tpu.memory_space<hbm>>
    %dma_start3A_81 = arith.constant 0 : i32
    %dma_start3A_82 = tpu.memref_slice %dma_start3A_80[%add3A_76, %dma_start3A_81] : memref<10240x64xf32, #tpu.memory_space<hbm>> -> memref<128x64xf32, #tpu.memory_space<hbm>>
    %dma_start3A_83 = arith.constant 0 : i32
    %dma_start3A_84 = tpu.memref_slice %arg10[%add3A_74, %dma_start3A_83] : memref<10240x64xf32, #tpu.memory_space<vmem_shared>> -> memref<128x64xf32, #tpu.memory_space<vmem_shared>>
    tpu.enqueue_dma source(%dma_start3A_84 : memref<128x64xf32, #tpu.memory_space<vmem_shared>>) target(%dma_start3A_82 : memref<128x64xf32, #tpu.memory_space<hbm>>) target_semaphore(%arg17 : memref<!tpu.dma_semaphore, #tpu.memory_space<semaphore_mem>>)
    %add3A_85 = arith.constant 128 : i32
    %add3A_86 = arith.addi %mul3A_0, %add3A_85 : i32
    %add3A_87 = arith.constant 128 : i32
    %add3A_88 = arith.addi %mul3A_0, %add3A_87 : i32
    %dma_start3A_89 = arith.constant 0 : i32
    %dma_start3A_90 = arith.constant 0 : i32
    %dma_start3A_91 = tpu.memref_slice %arg5[%arg0, %dma_start3A_89, %dma_start3A_90] : memref<2x10240x64xf32, #tpu.memory_space<hbm>> -> memref<1x10240x64xf32, #tpu.memory_space<hbm>>
    %dma_start3A_92 = tpu.memref_squeeze %dma_start3A_91 : memref<1x10240x64xf32, #tpu.memory_space<hbm>> -> memref<10240x64xf32, #tpu.memory_space<hbm>>
    %dma_start3A_93 = arith.constant 0 : i32
    %dma_start3A_94 = tpu.memref_slice %dma_start3A_92[%add3A_88, %dma_start3A_93] : memref<10240x64xf32, #tpu.memory_space<hbm>> -> memref<128x64xf32, #tpu.memory_space<hbm>>
    %dma_start3A_95 = arith.constant 0 : i32
    %dma_start3A_96 = tpu.memref_slice %arg10[%add3A_86, %dma_start3A_95] : memref<10240x64xf32, #tpu.memory_space<vmem_shared>> -> memref<128x64xf32, #tpu.memory_space<vmem_shared>>
    tpu.enqueue_dma source(%dma_start3A_96 : memref<128x64xf32, #tpu.memory_space<vmem_shared>>) target(%dma_start3A_94 : memref<128x64xf32, #tpu.memory_space<hbm>>) target_semaphore(%arg18 : memref<!tpu.dma_semaphore, #tpu.memory_space<semaphore_mem>>)
    %add3A_97 = arith.constant 256 : i32
    %add3A_98 = arith.addi %mul3A_0, %add3A_97 : i32
    %add3A_99 = arith.constant 256 : i32
    %add3A_100 = arith.addi %mul3A_0, %add3A_99 : i32
    %dma_start3A_101 = arith.constant 0 : i32
    %dma_start3A_102 = arith.constant 0 : i32
    %dma_start3A_103 = tpu.memref_slice %arg5[%arg0, %dma_start3A_101, %dma_start3A_102] : memref<2x10240x64xf32, #tpu.memory_space<hbm>> -> memref<1x10240x64xf32, #tpu.memory_space<hbm>>
    %dma_start3A_104 = tpu.memref_squeeze %dma_start3A_103 : memref<1x10240x64xf32, #tpu.memory_space<hbm>> -> memref<10240x64xf32, #tpu.memory_space<hbm>>
    %dma_start3A_105 = arith.constant 0 : i32
    %dma_start3A_106 = tpu.memref_slice %dma_start3A_104[%add3A_100, %dma_start3A_105] : memref<10240x64xf32, #tpu.memory_space<hbm>> -> memref<128x64xf32, #tpu.memory_space<hbm>>
    %dma_start3A_107 = arith.constant 0 : i32
    %dma_start3A_108 = tpu.memref_slice %arg10[%add3A_98, %dma_start3A_107] : memref<10240x64xf32, #tpu.memory_space<vmem_shared>> -> memref<128x64xf32, #tpu.memory_space<vmem_shared>>
    tpu.enqueue_dma source(%dma_start3A_108 : memref<128x64xf32, #tpu.memory_space<vmem_shared>>) target(%dma_start3A_106 : memref<128x64xf32, #tpu.memory_space<hbm>>) target_semaphore(%arg19 : memref<!tpu.dma_semaphore, #tpu.memory_space<semaphore_mem>>)
    %add3A_109 = arith.constant 384 : i32
    %add3A_110 = arith.addi %mul3A_0, %add3A_109 : i32
    %add3A_111 = arith.constant 384 : i32
    %add3A_112 = arith.addi %mul3A_0, %add3A_111 : i32
    %dma_start3A_113 = arith.constant 0 : i32
    %dma_start3A_114 = arith.constant 0 : i32
    %dma_start3A_115 = tpu.memref_slice %arg5[%arg0, %dma_start3A_113, %dma_start3A_114] : memref<2x10240x64xf32, #tpu.memory_space<hbm>> -> memref<1x10240x64xf32, #tpu.memory_space<hbm>>
    %dma_start3A_116 = tpu.memref_squeeze %dma_start3A_115 : memref<1x10240x64xf32, #tpu.memory_space<hbm>> -> memref<10240x64xf32, #tpu.memory_space<hbm>>
    %dma_start3A_117 = arith.constant 0 : i32
    %dma_start3A_118 = tpu.memref_slice %dma_start3A_116[%add3A_112, %dma_start3A_117] : memref<10240x64xf32, #tpu.memory_space<hbm>> -> memref<128x64xf32, #tpu.memory_space<hbm>>
    %dma_start3A_119 = arith.constant 0 : i32
    %dma_start3A_120 = tpu.memref_slice %arg10[%add3A_110, %dma_start3A_119] : memref<10240x64xf32, #tpu.memory_space<vmem_shared>> -> memref<128x64xf32, #tpu.memory_space<vmem_shared>>
    tpu.enqueue_dma source(%dma_start3A_120 : memref<128x64xf32, #tpu.memory_space<vmem_shared>>) target(%dma_start3A_118 : memref<128x64xf32, #tpu.memory_space<hbm>>) target_semaphore(%arg20 : memref<!tpu.dma_semaphore, #tpu.memory_space<semaphore_mem>>)
    %add3A_121 = arith.constant 512 : i32
    %add3A_122 = arith.addi %mul3A_0, %add3A_121 : i32
    %add3A_123 = arith.constant 512 : i32
    %add3A_124 = arith.addi %mul3A_0, %add3A_123 : i32
    %dma_start3A_125 = arith.constant 0 : i32
    %dma_start3A_126 = arith.constant 0 : i32
    %dma_start3A_127 = tpu.memref_slice %arg5[%arg0, %dma_start3A_125, %dma_start3A_126] : memref<2x10240x64xf32, #tpu.memory_space<hbm>> -> memref<1x10240x64xf32, #tpu.memory_space<hbm>>
    %dma_start3A_128 = tpu.memref_squeeze %dma_start3A_127 : memref<1x10240x64xf32, #tpu.memory_space<hbm>> -> memref<10240x64xf32, #tpu.memory_space<hbm>>
    %dma_start3A_129 = arith.constant 0 : i32
    %dma_start3A_130 = tpu.memref_slice %dma_start3A_128[%add3A_124, %dma_start3A_129] : memref<10240x64xf32, #tpu.memory_space<hbm>> -> memref<128x64xf32, #tpu.memory_space<hbm>>
    %dma_start3A_131 = arith.constant 0 : i32
    %dma_start3A_132 = tpu.memref_slice %arg10[%add3A_122, %dma_start3A_131] : memref<10240x64xf32, #tpu.memory_space<vmem_shared>> -> memref<128x64xf32, #tpu.memory_space<vmem_shared>>
    tpu.enqueue_dma source(%dma_start3A_132 : memref<128x64xf32, #tpu.memory_space<vmem_shared>>) target(%dma_start3A_130 : memref<128x64xf32, #tpu.memory_space<hbm>>) target_semaphore(%arg21 : memref<!tpu.dma_semaphore, #tpu.memory_space<semaphore_mem>>)
    %add3A_133 = arith.constant 0 : i32
    %add3A_134 = arith.addi %mul3A_0, %add3A_133 : i32
    %add3A_135 = arith.constant 0 : i32
    %add3A_136 = arith.addi %mul3A_0, %add3A_135 : i32
    %dma_wait3A = arith.constant 0 : i32
    %dma_wait3A_137 = arith.constant 0 : i32
    %dma_wait3A_138 = tpu.memref_slice %arg5[%arg0, %dma_wait3A, %dma_wait3A_137] : memref<2x10240x64xf32, #tpu.memory_space<hbm>> -> memref<1x10240x64xf32, #tpu.memory_space<hbm>>
    %dma_wait3A_139 = tpu.memref_squeeze %dma_wait3A_138 : memref<1x10240x64xf32, #tpu.memory_space<hbm>> -> memref<10240x64xf32, #tpu.memory_space<hbm>>
    %dma_wait3A_140 = arith.constant 0 : i32
    %dma_wait3A_141 = tpu.memref_slice %dma_wait3A_139[%add3A_136, %dma_wait3A_140] : memref<10240x64xf32, #tpu.memory_space<hbm>> -> memref<128x64xf32, #tpu.memory_space<hbm>>
    %dma_wait3A_142 = arith.constant 0 : i32
    %dma_wait3A_143 = tpu.memref_slice %arg10[%add3A_134, %dma_wait3A_142] : memref<10240x64xf32, #tpu.memory_space<vmem_shared>> -> memref<128x64xf32, #tpu.memory_space<vmem_shared>>
    tpu.wait_dma2 semaphore(%arg17 : memref<!tpu.dma_semaphore, #tpu.memory_space<semaphore_mem>>) src(%dma_wait3A_143 : memref<128x64xf32, #tpu.memory_space<vmem_shared>>) dst(%dma_wait3A_141 : memref<128x64xf32, #tpu.memory_space<hbm>>)
    %add3A_144 = arith.constant 128 : i32
    %add3A_145 = arith.addi %mul3A_0, %add3A_144 : i32
    %add3A_146 = arith.constant 128 : i32
    %add3A_147 = arith.addi %mul3A_0, %add3A_146 : i32
    %dma_wait3A_148 = arith.constant 0 : i32
    %dma_wait3A_149 = arith.constant 0 : i32
    %dma_wait3A_150 = tpu.memref_slice %arg5[%arg0, %dma_wait3A_148, %dma_wait3A_149] : memref<2x10240x64xf32, #tpu.memory_space<hbm>> -> memref<1x10240x64xf32, #tpu.memory_space<hbm>>
    %dma_wait3A_151 = tpu.memref_squeeze %dma_wait3A_150 : memref<1x10240x64xf32, #tpu.memory_space<hbm>> -> memref<10240x64xf32, #tpu.memory_space<hbm>>
    %dma_wait3A_152 = arith.constant 0 : i32
    %dma_wait3A_153 = tpu.memref_slice %dma_wait3A_151[%add3A_147, %dma_wait3A_152] : memref<10240x64xf32, #tpu.memory_space<hbm>> -> memref<128x64xf32, #tpu.memory_space<hbm>>
    %dma_wait3A_154 = arith.constant 0 : i32
    %dma_wait3A_155 = tpu.memref_slice %arg10[%add3A_145, %dma_wait3A_154] : memref<10240x64xf32, #tpu.memory_space<vmem_shared>> -> memref<128x64xf32, #tpu.memory_space<vmem_shared>>
    tpu.wait_dma2 semaphore(%arg18 : memref<!tpu.dma_semaphore, #tpu.memory_space<semaphore_mem>>) src(%dma_wait3A_155 : memref<128x64xf32, #tpu.memory_space<vmem_shared>>) dst(%dma_wait3A_153 : memref<128x64xf32, #tpu.memory_space<hbm>>)
    %add3A_156 = arith.constant 256 : i32
    %add3A_157 = arith.addi %mul3A_0, %add3A_156 : i32
    %add3A_158 = arith.constant 256 : i32
    %add3A_159 = arith.addi %mul3A_0, %add3A_158 : i32
    %dma_wait3A_160 = arith.constant 0 : i32
    %dma_wait3A_161 = arith.constant 0 : i32
    %dma_wait3A_162 = tpu.memref_slice %arg5[%arg0, %dma_wait3A_160, %dma_wait3A_161] : memref<2x10240x64xf32, #tpu.memory_space<hbm>> -> memref<1x10240x64xf32, #tpu.memory_space<hbm>>
    %dma_wait3A_163 = tpu.memref_squeeze %dma_wait3A_162 : memref<1x10240x64xf32, #tpu.memory_space<hbm>> -> memref<10240x64xf32, #tpu.memory_space<hbm>>
    %dma_wait3A_164 = arith.constant 0 : i32
    %dma_wait3A_165 = tpu.memref_slice %dma_wait3A_163[%add3A_159, %dma_wait3A_164] : memref<10240x64xf32, #tpu.memory_space<hbm>> -> memref<128x64xf32, #tpu.memory_space<hbm>>
    %dma_wait3A_166 = arith.constant 0 : i32
    %dma_wait3A_167 = tpu.memref_slice %arg10[%add3A_157, %dma_wait3A_166] : memref<10240x64xf32, #tpu.memory_space<vmem_shared>> -> memref<128x64xf32, #tpu.memory_space<vmem_shared>>
    tpu.wait_dma2 semaphore(%arg19 : memref<!tpu.dma_semaphore, #tpu.memory_space<semaphore_mem>>) src(%dma_wait3A_167 : memref<128x64xf32, #tpu.memory_space<vmem_shared>>) dst(%dma_wait3A_165 : memref<128x64xf32, #tpu.memory_space<hbm>>)
    %add3A_168 = arith.constant 384 : i32
    %add3A_169 = arith.addi %mul3A_0, %add3A_168 : i32
    %add3A_170 = arith.constant 384 : i32
    %add3A_171 = arith.addi %mul3A_0, %add3A_170 : i32
    %dma_wait3A_172 = arith.constant 0 : i32
    %dma_wait3A_173 = arith.constant 0 : i32
    %dma_wait3A_174 = tpu.memref_slice %arg5[%arg0, %dma_wait3A_172, %dma_wait3A_173] : memref<2x10240x64xf32, #tpu.memory_space<hbm>> -> memref<1x10240x64xf32, #tpu.memory_space<hbm>>
    %dma_wait3A_175 = tpu.memref_squeeze %dma_wait3A_174 : memref<1x10240x64xf32, #tpu.memory_space<hbm>> -> memref<10240x64xf32, #tpu.memory_space<hbm>>
    %dma_wait3A_176 = arith.constant 0 : i32
    %dma_wait3A_177 = tpu.memref_slice %dma_wait3A_175[%add3A_171, %dma_wait3A_176] : memref<10240x64xf32, #tpu.memory_space<hbm>> -> memref<128x64xf32, #tpu.memory_space<hbm>>
    %dma_wait3A_178 = arith.constant 0 : i32
    %dma_wait3A_179 = tpu.memref_slice %arg10[%add3A_169, %dma_wait3A_178] : memref<10240x64xf32, #tpu.memory_space<vmem_shared>> -> memref<128x64xf32, #tpu.memory_space<vmem_shared>>
    tpu.wait_dma2 semaphore(%arg20 : memref<!tpu.dma_semaphore, #tpu.memory_space<semaphore_mem>>) src(%dma_wait3A_179 : memref<128x64xf32, #tpu.memory_space<vmem_shared>>) dst(%dma_wait3A_177 : memref<128x64xf32, #tpu.memory_space<hbm>>)
    %add3A_180 = arith.constant 512 : i32
    %add3A_181 = arith.addi %mul3A_0, %add3A_180 : i32
    %add3A_182 = arith.constant 512 : i32
    %add3A_183 = arith.addi %mul3A_0, %add3A_182 : i32
    %dma_wait3A_184 = arith.constant 0 : i32
    %dma_wait3A_185 = arith.constant 0 : i32
    %dma_wait3A_186 = tpu.memref_slice %arg5[%arg0, %dma_wait3A_184, %dma_wait3A_185] : memref<2x10240x64xf32, #tpu.memory_space<hbm>> -> memref<1x10240x64xf32, #tpu.memory_space<hbm>>
    %dma_wait3A_187 = tpu.memref_squeeze %dma_wait3A_186 : memref<1x10240x64xf32, #tpu.memory_space<hbm>> -> memref<10240x64xf32, #tpu.memory_space<hbm>>
    %dma_wait3A_188 = arith.constant 0 : i32
    %dma_wait3A_189 = tpu.memref_slice %dma_wait3A_187[%add3A_183, %dma_wait3A_188] : memref<10240x64xf32, #tpu.memory_space<hbm>> -> memref<128x64xf32, #tpu.memory_space<hbm>>
    %dma_wait3A_190 = arith.constant 0 : i32
    %dma_wait3A_191 = tpu.memref_slice %arg10[%add3A_181, %dma_wait3A_190] : memref<10240x64xf32, #tpu.memory_space<vmem_shared>> -> memref<128x64xf32, #tpu.memory_space<vmem_shared>>
    tpu.wait_dma2 semaphore(%arg21 : memref<!tpu.dma_semaphore, #tpu.memory_space<semaphore_mem>>) src(%dma_wait3A_191 : memref<128x64xf32, #tpu.memory_space<vmem_shared>>) dst(%dma_wait3A_189 : memref<128x64xf32, #tpu.memory_space<hbm>>)
    return
  }
}

module attributes {stable_mosaic.version = 14 : i64} {
  func.func @_mm2_body(%arg0: i32, %arg1: memref<2000x128xf32, #tpu.memory_space<vmem>>, %arg2: memref<128x128xf32, #tpu.memory_space<vmem>>, %arg3: memref<128x128xf32, #tpu.memory_space<vmem>>, %arg4: memref<1x128xf32, #tpu.memory_space<vmem>>, %arg5: memref<2x1000x128xf32, #tpu.memory_space<vmem>>, %arg6: memref<2000x128xf32, #tpu.memory_space<vmem>>) attributes {dimension_semantics = [#tpu.dimension_semantics<arbitrary>], iteration_bounds = array<i64: 5>, scalar_prefetch = 0 : i64, scratch_operands = 0 : i64, tpu.core_type = #tpu.core_type<tc>, window_params = [{transform_indices = @transform_0, window_bounds = array<i64: 2000, 128>}, {pipeline_mode = #tpu.pipeline_mode<synchronous>, transform_indices = @transform_1, window_bounds = array<i64: 128, 128>}, {pipeline_mode = #tpu.pipeline_mode<synchronous>, transform_indices = @transform_2, window_bounds = array<i64: 128, 128>}, {pipeline_mode = #tpu.pipeline_mode<synchronous>, transform_indices = @transform_3, window_bounds = array<i64: 1, 128>}, {transform_indices = @transform_4, window_bounds = array<i64: 2, 1000, 128>}, {transform_indices = @transform_5, window_bounds = array<i64: 2000, 128>}]} {
    %get3A = arith.constant 0 : index
    %get3A_0 = arith.constant 0 : index
    %get3A_1 = vector.load %arg1[%get3A, %get3A_0] : memref<2000x128xf32, #tpu.memory_space<vmem>>, vector<2000x128xf32>
    %get3A_2 = arith.constant 0 : index
    %get3A_3 = arith.constant 0 : index
    %get3A_4 = vector.load %arg2[%get3A_2, %get3A_3] : memref<128x128xf32, #tpu.memory_space<vmem>>, vector<128x128xf32>
    %dot_general3A = arith.constant dense<0.000000e+00> : vector<2000x128xf32>
    %dot_general3A_5 = tpu.matmul %get3A_1, %get3A_4, %dot_general3A {dimension_numbers = #tpu.dot_dimension_numbers<[1], [0], [0], [1], [0, 0, 1, 1], [], []>, transpose_lhs_hint = false} : vector<2000x128xf32>, vector<128x128xf32>, vector<2000x128xf32> -> vector<2000x128xf32>
    %reshape3A = vector.shape_cast %dot_general3A_5 : vector<2000x128xf32> to vector<1000x2x128xf32>
    %slice3A = vector.extract_strided_slice %reshape3A {offsets = [0, 0, 0], sizes = [1000, 1, 64], strides = [1, 1, 1]} : vector<1000x2x128xf32> to vector<1000x1x64xf32>
    %squeeze3A = vector.shape_cast %slice3A : vector<1000x1x64xf32> to vector<1000x64xf32>
    %slice3A_6 = vector.extract_strided_slice %reshape3A {offsets = [0, 1, 0], sizes = [1000, 1, 64], strides = [1, 1, 1]} : vector<1000x2x128xf32> to vector<1000x1x64xf32>
    %squeeze3A_7 = vector.shape_cast %slice3A_6 : vector<1000x1x64xf32> to vector<1000x64xf32>
    %concatenate3A = tpu.concatenate %squeeze3A, %squeeze3A_7 in 1 : vector<1000x64xf32>, vector<1000x64xf32> -> vector<1000x128xf32>
    %swap3A = arith.constant 0 : index
    %swap3A_8 = arith.constant 0 : index
    %swap3A_9 = arith.constant 0 : index
    %swap3A_10 = vector.load %arg5[%swap3A, %swap3A_8, %swap3A_9] : memref<2x1000x128xf32, #tpu.memory_space<vmem>>, vector<1x1000x128xf32>
    %swap3A_11 = vector.shape_cast %swap3A_10 : vector<1x1000x128xf32> to vector<1000x128xf32>
    %swap3A_12 = vector.shape_cast %concatenate3A : vector<1000x128xf32> to vector<1x1000x128xf32>
    tpu.vector_store %arg5[%swap3A, %swap3A_8, %swap3A_9], %swap3A_12 {strides = array<i32>} : memref<2x1000x128xf32, #tpu.memory_space<vmem>>, vector<1x1000x128xf32>,
    %slice3A_13 = vector.extract_strided_slice %reshape3A {offsets = [0, 0, 64], sizes = [1000, 1, 64], strides = [1, 1, 1]} : vector<1000x2x128xf32> to vector<1000x1x64xf32>
    %squeeze3A_14 = vector.shape_cast %slice3A_13 : vector<1000x1x64xf32> to vector<1000x64xf32>
    %slice3A_15 = vector.extract_strided_slice %reshape3A {offsets = [0, 1, 64], sizes = [1000, 1, 64], strides = [1, 1, 1]} : vector<1000x2x128xf32> to vector<1000x1x64xf32>
    %squeeze3A_16 = vector.shape_cast %slice3A_15 : vector<1000x1x64xf32> to vector<1000x64xf32>
    %concatenate3A_17 = tpu.concatenate %squeeze3A_14, %squeeze3A_16 in 1 : vector<1000x64xf32>, vector<1000x64xf32> -> vector<1000x128xf32>
    %swap3A_18 = arith.constant 1 : index
    %swap3A_19 = arith.constant 0 : index
    %swap3A_20 = arith.constant 0 : index
    %swap3A_21 = vector.load %arg5[%swap3A_18, %swap3A_19, %swap3A_20] : memref<2x1000x128xf32, #tpu.memory_space<vmem>>, vector<1x1000x128xf32>
    %swap3A_22 = vector.shape_cast %swap3A_21 : vector<1x1000x128xf32> to vector<1000x128xf32>
    %swap3A_23 = vector.shape_cast %concatenate3A_17 : vector<1000x128xf32> to vector<1x1000x128xf32>
    tpu.vector_store %arg5[%swap3A_18, %swap3A_19, %swap3A_20], %swap3A_23 {strides = array<i32>} : memref<2x1000x128xf32, #tpu.memory_space<vmem>>, vector<1x1000x128xf32>,
    %get3A_24 = arith.constant 0 : index
    %get3A_25 = arith.constant 0 : index
    %get3A_26 = vector.load %arg3[%get3A_24, %get3A_25] : memref<128x128xf32, #tpu.memory_space<vmem>>, vector<128x128xf32>
    %dot_general3A_27 = arith.constant dense<0.000000e+00> : vector<2000x128xf32>
    %dot_general3A_28 = tpu.matmul %get3A_1, %get3A_26, %dot_general3A_27 {dimension_numbers = #tpu.dot_dimension_numbers<[1], [0], [0], [1], [0, 0, 1, 1], [], []>, transpose_lhs_hint = false} : vector<2000x128xf32>, vector<128x128xf32>, vector<2000x128xf32> -> vector<2000x128xf32>
    %get3A_29 = arith.constant 0 : index
    %get3A_30 = arith.constant 0 : index
    %get3A_31 = vector.load %arg4[%get3A_29, %get3A_30] : memref<1x128xf32, #tpu.memory_space<vmem>>, vector<1x128xf32>
    %add3A = vector.broadcast %get3A_31 : vector<1x128xf32> to vector<2000x128xf32>
    %add3A_32 = arith.addf %dot_general3A_28, %add3A : vector<2000x128xf32>
    %swap3A_33 = arith.constant 0 : index
    %swap3A_34 = arith.constant 0 : index
    %swap3A_35 = vector.load %arg6[%swap3A_33, %swap3A_34] : memref<2000x128xf32, #tpu.memory_space<vmem>>, vector<2000x128xf32>
    tpu.vector_store %arg6[%swap3A_33, %swap3A_34], %add3A_32 {strides = array<i32>} : memref<2000x128xf32, #tpu.memory_space<vmem>>, vector<2000x128xf32>,
    return
  }
  func.func @transform_0(%arg0: i32) -> (i32, i32) {
    %c0_i32 = arith.constant 0 : i32
    %c0_i32_0 = arith.constant 0 : i32
    return %arg0, %c0_i32 : i32, i32
  }
  func.func @transform_1(%arg0: i32) -> (i32, i32) {
    %c0_i32 = arith.constant 0 : i32
    %c0_i32_0 = arith.constant 0 : i32
    %c0_i32_1 = arith.constant 0 : i32
    return %c0_i32, %c0_i32_0 : i32, i32
  }
  func.func @transform_2(%arg0: i32) -> (i32, i32) {
    %c0_i32 = arith.constant 0 : i32
    %c0_i32_0 = arith.constant 0 : i32
    %c0_i32_1 = arith.constant 0 : i32
    return %c0_i32, %c0_i32_0 : i32, i32
  }
  func.func @transform_3(%arg0: i32) -> (i32, i32) {
    %c0_i32 = arith.constant 0 : i32
    %c0_i32_0 = arith.constant 0 : i32
    %c0_i32_1 = arith.constant 0 : i32
    return %c0_i32, %c0_i32_0 : i32, i32
  }
  func.func @transform_4(%arg0: i32) -> (i32, i32, i32) {
    %c0_i32 = arith.constant 0 : i32
    %c0_i32_0 = arith.constant 0 : i32
    %c0_i32_1 = arith.constant 0 : i32
    return %c0_i32, %arg0, %c0_i32_0 : i32, i32, i32
  }
  func.func @transform_5(%arg0: i32) -> (i32, i32) {
    %c0_i32 = arith.constant 0 : i32
    %c0_i32_0 = arith.constant 0 : i32
    return %arg0, %c0_i32 : i32, i32
  }
}

module attributes {stable_mosaic.version = 14 : i64} {
  func.func @_layer_body(%arg0: i32, %arg1: memref<1280x128xf32, #tpu.memory_space<vmem>>, %arg2: memref<2x640x128xf32, #tpu.memory_space<vmem>>, %arg3: memref<1280x1xf32, #tpu.memory_space<vmem>>, %arg4: memref<128x128xf32, #tpu.memory_space<vmem>>, %arg5: memref<128x128xf32, #tpu.memory_space<vmem>>, %arg6: memref<1x128xf32, #tpu.memory_space<vmem>>, %arg7: memref<2x640x128xf32, #tpu.memory_space<vmem>>, %arg8: memref<1280x128xf32, #tpu.memory_space<vmem>>) attributes {dimension_semantics = [#tpu.dimension_semantics<arbitrary>], iteration_bounds = array<i64: 8>, scalar_prefetch = 0 : i64, scratch_operands = 0 : i64, tpu.core_type = #tpu.core_type<tc>, window_params = [{transform_indices = @transform_0, window_bounds = array<i64: 1280, 128>}, {transform_indices = @transform_1, window_bounds = array<i64: 2, 640, 128>}, {transform_indices = @transform_2, window_bounds = array<i64: 1280, 1>}, {pipeline_mode = #tpu.pipeline_mode<synchronous>, transform_indices = @transform_3, window_bounds = array<i64: 128, 128>}, {pipeline_mode = #tpu.pipeline_mode<synchronous>, transform_indices = @transform_4, window_bounds = array<i64: 128, 128>}, {pipeline_mode = #tpu.pipeline_mode<synchronous>, transform_indices = @transform_5, window_bounds = array<i64: 1, 128>}, {transform_indices = @transform_6, window_bounds = array<i64: 2, 640, 128>}, {transform_indices = @transform_7, window_bounds = array<i64: 1280, 128>}]} {
    %get3A = arith.constant 0 : index
    %get3A_0 = arith.constant 0 : index
    %get3A_1 = arith.constant 0 : index
    %get3A_2 = vector.load %arg2[%get3A, %get3A_0, %get3A_1] : memref<2x640x128xf32, #tpu.memory_space<vmem>>, vector<2x640x128xf32>
    %slice3A = vector.extract_strided_slice %get3A_2 {offsets = [0, 0, 0], sizes = [1, 640, 128], strides = [1, 1, 1]} : vector<2x640x128xf32> to vector<1x640x128xf32>
    %squeeze3A = vector.shape_cast %slice3A : vector<1x640x128xf32> to vector<640x128xf32>
    %slice3A_3 = vector.extract_strided_slice %squeeze3A {offsets = [0, 0], sizes = [640, 64], strides = [1, 1]} : vector<640x128xf32> to vector<640x64xf32>
    %slice3A_4 = vector.extract_strided_slice %get3A_2 {offsets = [1, 0, 0], sizes = [1, 640, 128], strides = [1, 1, 1]} : vector<2x640x128xf32> to vector<1x640x128xf32>
    %squeeze3A_5 = vector.shape_cast %slice3A_4 : vector<1x640x128xf32> to vector<640x128xf32>
    %slice3A_6 = vector.extract_strided_slice %squeeze3A_5 {offsets = [0, 0], sizes = [640, 64], strides = [1, 1]} : vector<640x128xf32> to vector<640x64xf32>
    %concatenate3A = tpu.concatenate %slice3A_3, %slice3A_6 in 1 : vector<640x64xf32>, vector<640x64xf32> -> vector<640x128xf32>
    %slice3A_7 = vector.extract_strided_slice %get3A_2 {offsets = [0, 0, 0], sizes = [1, 640, 128], strides = [1, 1, 1]} : vector<2x640x128xf32> to vector<1x640x128xf32>
    %squeeze3A_8 = vector.shape_cast %slice3A_7 : vector<1x640x128xf32> to vector<640x128xf32>
    %slice3A_9 = vector.extract_strided_slice %squeeze3A_8 {offsets = [0, 64], sizes = [640, 64], strides = [1, 1]} : vector<640x128xf32> to vector<640x64xf32>
    %slice3A_10 = vector.extract_strided_slice %get3A_2 {offsets = [1, 0, 0], sizes = [1, 640, 128], strides = [1, 1, 1]} : vector<2x640x128xf32> to vector<1x640x128xf32>
    %squeeze3A_11 = vector.shape_cast %slice3A_10 : vector<1x640x128xf32> to vector<640x128xf32>
    %slice3A_12 = vector.extract_strided_slice %squeeze3A_11 {offsets = [0, 64], sizes = [640, 64], strides = [1, 1]} : vector<640x128xf32> to vector<640x64xf32>
    %concatenate3A_13 = tpu.concatenate %slice3A_9, %slice3A_12 in 1 : vector<640x64xf32>, vector<640x64xf32> -> vector<640x128xf32>
    %stack3A = vector.shape_cast %concatenate3A : vector<640x128xf32> to vector<640x1x128xf32>
    %stack3A_14 = vector.shape_cast %concatenate3A_13 : vector<640x128xf32> to vector<640x1x128xf32>
    %stack3A_15 = tpu.concatenate %stack3A, %stack3A_14 in 1 : vector<640x1x128xf32>, vector<640x1x128xf32> -> vector<640x2x128xf32>
    %reshape3A = vector.shape_cast %stack3A_15 : vector<640x2x128xf32> to vector<1280x128xf32>
    %get3A_16 = arith.constant 0 : index
    %get3A_17 = arith.constant 0 : index
    %get3A_18 = vector.load %arg3[%get3A_16, %get3A_17] : memref<1280x1xf32, #tpu.memory_space<vmem>>, vector<1280x1xf32>
    %mul3A = vector.broadcast %get3A_18 : vector<1280x1xf32> to vector<1280x128xf32>
    %mul3A_19 = arith.mulf %reshape3A, %mul3A : vector<1280x128xf32>
    %get3A_20 = arith.constant 0 : index
    %get3A_21 = arith.constant 0 : index
    %get3A_22 = vector.load %arg1[%get3A_20, %get3A_21] : memref<1280x128xf32, #tpu.memory_space<vmem>>, vector<1280x128xf32>
    %add3A = arith.addf %get3A_22, %mul3A_19 : vector<1280x128xf32>
    %max3A = arith.constant 0.000000e+00 : f32
    %max3A_23 = vector.broadcast %max3A : f32 to vector<1280x128xf32>
    %max3A_24 = arith.maximumf %add3A, %max3A_23 : vector<1280x128xf32>
    %get3A_25 = arith.constant 0 : index
    %get3A_26 = arith.constant 0 : index
    %get3A_27 = vector.load %arg4[%get3A_25, %get3A_26] : memref<128x128xf32, #tpu.memory_space<vmem>>, vector<128x128xf32>
    %dot_general3A = arith.constant dense<0.000000e+00> : vector<1280x128xf32>
    %dot_general3A_28 = tpu.matmul %max3A_24, %get3A_27, %dot_general3A {dimension_numbers = #tpu.dot_dimension_numbers<[1], [0], [0], [1], [0, 0, 1, 1], [], []>, transpose_lhs_hint = false} : vector<1280x128xf32>, vector<128x128xf32>, vector<1280x128xf32> -> vector<1280x128xf32>
    %reshape3A_29 = vector.shape_cast %dot_general3A_28 : vector<1280x128xf32> to vector<640x2x128xf32>
    %slice3A_30 = vector.extract_strided_slice %reshape3A_29 {offsets = [0, 0, 0], sizes = [640, 1, 64], strides = [1, 1, 1]} : vector<640x2x128xf32> to vector<640x1x64xf32>
    %squeeze3A_31 = vector.shape_cast %slice3A_30 : vector<640x1x64xf32> to vector<640x64xf32>
    %slice3A_32 = vector.extract_strided_slice %reshape3A_29 {offsets = [0, 1, 0], sizes = [640, 1, 64], strides = [1, 1, 1]} : vector<640x2x128xf32> to vector<640x1x64xf32>
    %squeeze3A_33 = vector.shape_cast %slice3A_32 : vector<640x1x64xf32> to vector<640x64xf32>
    %concatenate3A_34 = tpu.concatenate %squeeze3A_31, %squeeze3A_33 in 1 : vector<640x64xf32>, vector<640x64xf32> -> vector<640x128xf32>
    %swap3A = arith.constant 0 : index
    %swap3A_35 = arith.constant 0 : index
    %swap3A_36 = arith.constant 0 : index
    %swap3A_37 = vector.load %arg7[%swap3A, %swap3A_35, %swap3A_36] : memref<2x640x128xf32, #tpu.memory_space<vmem>>, vector<1x640x128xf32>
    %swap3A_38 = vector.shape_cast %swap3A_37 : vector<1x640x128xf32> to vector<640x128xf32>
    %swap3A_39 = vector.shape_cast %concatenate3A_34 : vector<640x128xf32> to vector<1x640x128xf32>
    tpu.vector_store %arg7[%swap3A, %swap3A_35, %swap3A_36], %swap3A_39 {strides = array<i32>} : memref<2x640x128xf32, #tpu.memory_space<vmem>>, vector<1x640x128xf32>,
    %slice3A_40 = vector.extract_strided_slice %reshape3A_29 {offsets = [0, 0, 64], sizes = [640, 1, 64], strides = [1, 1, 1]} : vector<640x2x128xf32> to vector<640x1x64xf32>
    %squeeze3A_41 = vector.shape_cast %slice3A_40 : vector<640x1x64xf32> to vector<640x64xf32>
    %slice3A_42 = vector.extract_strided_slice %reshape3A_29 {offsets = [0, 1, 64], sizes = [640, 1, 64], strides = [1, 1, 1]} : vector<640x2x128xf32> to vector<640x1x64xf32>
    %squeeze3A_43 = vector.shape_cast %slice3A_42 : vector<640x1x64xf32> to vector<640x64xf32>
    %concatenate3A_44 = tpu.concatenate %squeeze3A_41, %squeeze3A_43 in 1 : vector<640x64xf32>, vector<640x64xf32> -> vector<640x128xf32>
    %swap3A_45 = arith.constant 1 : index
    %swap3A_46 = arith.constant 0 : index
    %swap3A_47 = arith.constant 0 : index
    %swap3A_48 = vector.load %arg7[%swap3A_45, %swap3A_46, %swap3A_47] : memref<2x640x128xf32, #tpu.memory_space<vmem>>, vector<1x640x128xf32>
    %swap3A_49 = vector.shape_cast %swap3A_48 : vector<1x640x128xf32> to vector<640x128xf32>
    %swap3A_50 = vector.shape_cast %concatenate3A_44 : vector<640x128xf32> to vector<1x640x128xf32>
    tpu.vector_store %arg7[%swap3A_45, %swap3A_46, %swap3A_47], %swap3A_50 {strides = array<i32>} : memref<2x640x128xf32, #tpu.memory_space<vmem>>, vector<1x640x128xf32>,
    %get3A_51 = arith.constant 0 : index
    %get3A_52 = arith.constant 0 : index
    %get3A_53 = vector.load %arg5[%get3A_51, %get3A_52] : memref<128x128xf32, #tpu.memory_space<vmem>>, vector<128x128xf32>
    %dot_general3A_54 = arith.constant dense<0.000000e+00> : vector<1280x128xf32>
    %dot_general3A_55 = tpu.matmul %max3A_24, %get3A_53, %dot_general3A_54 {dimension_numbers = #tpu.dot_dimension_numbers<[1], [0], [0], [1], [0, 0, 1, 1], [], []>, transpose_lhs_hint = false} : vector<1280x128xf32>, vector<128x128xf32>, vector<1280x128xf32> -> vector<1280x128xf32>
    %get3A_56 = arith.constant 0 : index
    %get3A_57 = arith.constant 0 : index
    %get3A_58 = vector.load %arg6[%get3A_56, %get3A_57] : memref<1x128xf32, #tpu.memory_space<vmem>>, vector<1x128xf32>
    %add3A_59 = vector.broadcast %get3A_58 : vector<1x128xf32> to vector<1280x128xf32>
    %add3A_60 = arith.addf %dot_general3A_55, %add3A_59 : vector<1280x128xf32>
    %swap3A_61 = arith.constant 0 : index
    %swap3A_62 = arith.constant 0 : index
    %swap3A_63 = vector.load %arg8[%swap3A_61, %swap3A_62] : memref<1280x128xf32, #tpu.memory_space<vmem>>, vector<1280x128xf32>
    tpu.vector_store %arg8[%swap3A_61, %swap3A_62], %add3A_60 {strides = array<i32>} : memref<1280x128xf32, #tpu.memory_space<vmem>>, vector<1280x128xf32>,
    return
  }
  func.func @transform_0(%arg0: i32) -> (i32, i32) {
    %c0_i32 = arith.constant 0 : i32
    %c0_i32_0 = arith.constant 0 : i32
    return %arg0, %c0_i32 : i32, i32
  }
  func.func @transform_1(%arg0: i32) -> (i32, i32, i32) {
    %c0_i32 = arith.constant 0 : i32
    %c0_i32_0 = arith.constant 0 : i32
    %c0_i32_1 = arith.constant 0 : i32
    return %c0_i32, %arg0, %c0_i32_0 : i32, i32, i32
  }
  func.func @transform_2(%arg0: i32) -> (i32, i32) {
    %c0_i32 = arith.constant 0 : i32
    %c0_i32_0 = arith.constant 0 : i32
    return %arg0, %c0_i32 : i32, i32
  }
  func.func @transform_3(%arg0: i32) -> (i32, i32) {
    %c0_i32 = arith.constant 0 : i32
    %c0_i32_0 = arith.constant 0 : i32
    %c0_i32_1 = arith.constant 0 : i32
    return %c0_i32, %c0_i32_0 : i32, i32
  }
  func.func @transform_4(%arg0: i32) -> (i32, i32) {
    %c0_i32 = arith.constant 0 : i32
    %c0_i32_0 = arith.constant 0 : i32
    %c0_i32_1 = arith.constant 0 : i32
    return %c0_i32, %c0_i32_0 : i32, i32
  }
  func.func @transform_5(%arg0: i32) -> (i32, i32) {
    %c0_i32 = arith.constant 0 : i32
    %c0_i32_0 = arith.constant 0 : i32
    %c0_i32_1 = arith.constant 0 : i32
    return %c0_i32, %c0_i32_0 : i32, i32
  }
  func.func @transform_6(%arg0: i32) -> (i32, i32, i32) {
    %c0_i32 = arith.constant 0 : i32
    %c0_i32_0 = arith.constant 0 : i32
    %c0_i32_1 = arith.constant 0 : i32
    return %c0_i32, %arg0, %c0_i32_0 : i32, i32, i32
  }
  func.func @transform_7(%arg0: i32) -> (i32, i32) {
    %c0_i32 = arith.constant 0 : i32
    %c0_i32_0 = arith.constant 0 : i32
    return %arg0, %c0_i32 : i32, i32
  }
}

module attributes {stable_mosaic.version = 14 : i64} {
  func.func @_final_body(%arg0: i32, %arg1: memref<1280x128xf32, #tpu.memory_space<vmem>>, %arg2: memref<2x640x128xf32, #tpu.memory_space<vmem>>, %arg3: memref<1280x1xf32, #tpu.memory_space<vmem>>, %arg4: memref<1x128xf32, #tpu.memory_space<vmem>>) attributes {dimension_semantics = [#tpu.dimension_semantics<arbitrary>], iteration_bounds = array<i64: 8>, scalar_prefetch = 0 : i64, scratch_operands = 0 : i64, tpu.core_type = #tpu.core_type<tc>, window_params = [{transform_indices = @transform_0, window_bounds = array<i64: 1280, 128>}, {transform_indices = @transform_1, window_bounds = array<i64: 2, 640, 128>}, {transform_indices = @transform_2, window_bounds = array<i64: 1280, 1>}, {pipeline_mode = #tpu.pipeline_mode<synchronous>, transform_indices = @transform_3, window_bounds = array<i64: 1, 128>}]} {
    %get3A = arith.constant 0 : index
    %get3A_0 = arith.constant 0 : index
    %get3A_1 = arith.constant 0 : index
    %get3A_2 = vector.load %arg2[%get3A, %get3A_0, %get3A_1] : memref<2x640x128xf32, #tpu.memory_space<vmem>>, vector<2x640x128xf32>
    %slice3A = vector.extract_strided_slice %get3A_2 {offsets = [0, 0, 0], sizes = [1, 640, 128], strides = [1, 1, 1]} : vector<2x640x128xf32> to vector<1x640x128xf32>
    %squeeze3A = vector.shape_cast %slice3A : vector<1x640x128xf32> to vector<640x128xf32>
    %slice3A_3 = vector.extract_strided_slice %squeeze3A {offsets = [0, 0], sizes = [640, 64], strides = [1, 1]} : vector<640x128xf32> to vector<640x64xf32>
    %slice3A_4 = vector.extract_strided_slice %get3A_2 {offsets = [1, 0, 0], sizes = [1, 640, 128], strides = [1, 1, 1]} : vector<2x640x128xf32> to vector<1x640x128xf32>
    %squeeze3A_5 = vector.shape_cast %slice3A_4 : vector<1x640x128xf32> to vector<640x128xf32>
    %slice3A_6 = vector.extract_strided_slice %squeeze3A_5 {offsets = [0, 0], sizes = [640, 64], strides = [1, 1]} : vector<640x128xf32> to vector<640x64xf32>
    %concatenate3A = tpu.concatenate %slice3A_3, %slice3A_6 in 1 : vector<640x64xf32>, vector<640x64xf32> -> vector<640x128xf32>
    %slice3A_7 = vector.extract_strided_slice %get3A_2 {offsets = [0, 0, 0], sizes = [1, 640, 128], strides = [1, 1, 1]} : vector<2x640x128xf32> to vector<1x640x128xf32>
    %squeeze3A_8 = vector.shape_cast %slice3A_7 : vector<1x640x128xf32> to vector<640x128xf32>
    %slice3A_9 = vector.extract_strided_slice %squeeze3A_8 {offsets = [0, 64], sizes = [640, 64], strides = [1, 1]} : vector<640x128xf32> to vector<640x64xf32>
    %slice3A_10 = vector.extract_strided_slice %get3A_2 {offsets = [1, 0, 0], sizes = [1, 640, 128], strides = [1, 1, 1]} : vector<2x640x128xf32> to vector<1x640x128xf32>
    %squeeze3A_11 = vector.shape_cast %slice3A_10 : vector<1x640x128xf32> to vector<640x128xf32>
    %slice3A_12 = vector.extract_strided_slice %squeeze3A_11 {offsets = [0, 64], sizes = [640, 64], strides = [1, 1]} : vector<640x128xf32> to vector<640x64xf32>
    %concatenate3A_13 = tpu.concatenate %slice3A_9, %slice3A_12 in 1 : vector<640x64xf32>, vector<640x64xf32> -> vector<640x128xf32>
    %stack3A = vector.shape_cast %concatenate3A : vector<640x128xf32> to vector<640x1x128xf32>
    %stack3A_14 = vector.shape_cast %concatenate3A_13 : vector<640x128xf32> to vector<640x1x128xf32>
    %stack3A_15 = tpu.concatenate %stack3A, %stack3A_14 in 1 : vector<640x1x128xf32>, vector<640x1x128xf32> -> vector<640x2x128xf32>
    %reshape3A = vector.shape_cast %stack3A_15 : vector<640x2x128xf32> to vector<1280x128xf32>
    %get3A_16 = arith.constant 0 : index
    %get3A_17 = arith.constant 0 : index
    %get3A_18 = vector.load %arg3[%get3A_16, %get3A_17] : memref<1280x1xf32, #tpu.memory_space<vmem>>, vector<1280x1xf32>
    %mul3A = vector.broadcast %get3A_18 : vector<1280x1xf32> to vector<1280x128xf32>
    %mul3A_19 = arith.mulf %reshape3A, %mul3A : vector<1280x128xf32>
    %get3A_20 = arith.constant 0 : index
    %get3A_21 = arith.constant 0 : index
    %get3A_22 = vector.load %arg1[%get3A_20, %get3A_21] : memref<1280x128xf32, #tpu.memory_space<vmem>>, vector<1280x128xf32>
    %add3A = arith.addf %get3A_22, %mul3A_19 : vector<1280x128xf32>
    %max3A = arith.constant 0.000000e+00 : f32
    %max3A_23 = vector.broadcast %max3A : f32 to vector<1280x128xf32>
    %max3A_24 = arith.maximumf %add3A, %max3A_23 : vector<1280x128xf32>
    %mul3A_25 = arith.constant 1280 : i32
    %mul3A_26 = arith.muli %arg0, %mul3A_25 : i32
    %iota3A = tpu.iota {dimensions = array<i32: 0>} : vector<1280x1xi32>
    %add3A_27 = vector.broadcast %mul3A_26 : i32 to vector<1280x1xi32>
    %add3A_28 = arith.addi %add3A_27, %iota3A : vector<1280x1xi32>
    %lt3A = arith.constant 10000 : i32
    %lt3A_29 = vector.broadcast %lt3A : i32 to vector<1280x1xi32>
    %lt3A_30 = arith.cmpi slt, %add3A_28, %lt3A_29 : vector<1280x1xi32>
    %jit3A = arith.constant 0.000000e+00 : f32
    %broadcast_in_dim3A = vector.shape_cast %lt3A_30 : vector<1280x1xi1> to vector<1280x1xi1>
    %broadcast_in_dim3A_31 = vector.broadcast %broadcast_in_dim3A : vector<1280x1xi1> to vector<1280x128xi1>
    %broadcast_in_dim3A_32 = vector.broadcast %jit3A : f32 to vector<1280x128xf32>
    %select_n3A = arith.select %broadcast_in_dim3A_31, %max3A_24, %broadcast_in_dim3A_32 : vector<1280x128xi1>, vector<1280x128xf32>
    %reduce_sum3A = arith.constant dense<0.000000e+00> : vector<128xf32>
    %reduce_sum3A_33 = vector.multi_reduction <add>, %select_n3A, %reduce_sum3A [0] : vector<1280x128xf32> to vector<128xf32>
    %broadcast_in_dim3A_34 = vector.shape_cast %reduce_sum3A_33 : vector<128xf32> to vector<1x128xf32>
    %mul3A_35 = arith.constant 9.99999974E-5 : f32
    %mul3A_36 = vector.broadcast %mul3A_35 : f32 to vector<1x128xf32>
    %mul3A_37 = arith.mulf %broadcast_in_dim3A_34, %mul3A_36 : vector<1x128xf32>
    %eq3A = arith.constant 0 : i32
    %eq3A_38 = arith.cmpi eq, %arg0, %eq3A : i32
    %convert_element_type3A = arith.extui %eq3A_38 : i1 to i32
    %cond3A = arith.constant 0 : i32
    %cond3A_39 = arith.cmpi ne, %convert_element_type3A, %cond3A : i32
    scf.if %cond3A_39 {
      %broadcast_in_dim3A_46 = arith.constant 0.000000e+00 : f32
      %broadcast_in_dim3A_47 = vector.broadcast %broadcast_in_dim3A_46 : f32 to vector<1x128xf32>
      %swap3A_48 = arith.constant 0 : index
      %swap3A_49 = arith.constant 0 : index
      %swap3A_50 = vector.load %arg4[%swap3A_48, %swap3A_49] : memref<1x128xf32, #tpu.memory_space<vmem>>, vector<1x128xf32>
      tpu.vector_store %arg4[%swap3A_48, %swap3A_49], %broadcast_in_dim3A_47 {strides = array<i32>} : memref<1x128xf32, #tpu.memory_space<vmem>>, vector<1x128xf32>,
    } else {
    }
    %get3A_40 = arith.constant 0 : index
    %get3A_41 = arith.constant 0 : index
    %get3A_42 = vector.load %arg4[%get3A_40, %get3A_41] : memref<1x128xf32, #tpu.memory_space<vmem>>, vector<1x128xf32>
    %add3A_43 = arith.addf %get3A_42, %mul3A_37 : vector<1x128xf32>
    %swap3A = arith.constant 0 : index
    %swap3A_44 = arith.constant 0 : index
    %swap3A_45 = vector.load %arg4[%swap3A, %swap3A_44] : memref<1x128xf32, #tpu.memory_space<vmem>>, vector<1x128xf32>
    tpu.vector_store %arg4[%swap3A, %swap3A_44], %add3A_43 {strides = array<i32>} : memref<1x128xf32, #tpu.memory_space<vmem>>, vector<1x128xf32>,
    return
  }
  func.func @transform_0(%arg0: i32) -> (i32, i32) {
    %c0_i32 = arith.constant 0 : i32
    %c0_i32_0 = arith.constant 0 : i32
    return %arg0, %c0_i32 : i32, i32
  }
  func.func @transform_1(%arg0: i32) -> (i32, i32, i32) {
    %c0_i32 = arith.constant 0 : i32
    %c0_i32_0 = arith.constant 0 : i32
    %c0_i32_1 = arith.constant 0 : i32
    return %c0_i32, %arg0, %c0_i32_0 : i32, i32, i32
  }
  func.func @transform_2(%arg0: i32) -> (i32, i32) {
    %c0_i32 = arith.constant 0 : i32
    %c0_i32_0 = arith.constant 0 : i32
    return %arg0, %c0_i32 : i32, i32
  }
  func.func @transform_3(%arg0: i32) -> (i32, i32) {
    %c0_i32 = arith.constant 0 : i32
    %c0_i32_0 = arith.constant 0 : i32
    %c0_i32_1 = arith.constant 0 : i32
    return %c0_i32, %c0_i32_0 : i32, i32
  }
}

</mosaic_0001>

<sc_bundles>
// kernel: kernel.10.cloned.1.call-start
scs
__scs_entry_jumppad:
0x0: {  	(pc) =	sbr.rel $0x88, $3  }
0x1: {  	(tag) =	ssettag $0x0;
	lr =	simm.s32 $0x1  }
0x2: {  	[smem:$0x3F99] =	sst lr;
	_ =	strace $0xD0000000  }
0x3: {  	_ = 	snop  }
0x4: {  	_ = 	snop  }
0x5: {  	_ = 	snop  }
0x6: {  	_ = 	snop  }
0x7: {  	_ = 	snop  }
__scs_overlays_trampoline_lowered:
0x8: {  	[smem:$0x3FA8] =	sst s0  }
0x9: {  	[smem:$0x3FA9] =	sst s1  }
0xa: {  	[smem:$0x3FAA] =	sst s2  }
0xb: {  	[smem:$0x3FAB] =	sst s3  }
0xc: {  	[smem:$0x3FAC] =	sst s4  }
0xd: {  	[smem:$0x3FAD] =	sst s5  }
0xe: {  	[smem:$0x3FAE] =	sst s6  }
0xf: {  	[smem:$0x3FAF] =	sst s7  }
0x10: {  	[smem:$0x3FB0] =	sst s8  }
0x11: {  	[smem:$0x3FB1] =	sst s9;
	s0 =	simm.s32 @!p0 $0x0  }
0x12: {  	s1 =	sld [smem:$0x3F97];
	s0 =	simm.s32 @p0 $0x1  }
0x13: {  	[smem:$0x3FB2] =	sst s0;
	s0 =	simm.s32 @!p1 $0x0  }
0x14: {  	s2 =	sld [smem:$0x3F96];
	s0 =	simm.s32 @p1 $0x1  }
0x15: {  	[smem:$0x3FB3] =	sst s0;
	s0 =	simm.s32 @!p2 $0x0  }
0x16: {  	s3 =	sld [smem:$0x3FDB];
	s0 =	simm.s32 @p2 $0x1  }
0x17: {  	s4 =	simm.s32 $0x1BF5;
	[smem:$0x3FB5] =	sst s0  }
0x18: {  	s0 =	sld [smem:$0x3F98];
	_ =	swait.ge [sflag:s4], $0x0  }
0x19: {  	s7 =	sld [smem:$0x3F99]  }
0x1a: {  	s8 =	sadd.s32 $0xFFFFE003, lr  }
0x1b: {  	s9 =	sadd.s32 $0xFFFFFEF7, lr;
	s5 =	simm.s32 $0xFFFFFFFF;
	p2 =	slt.u32 s8, $0xFFFFF086  }
0x1c: {  	p1 =	slt.u32 s9, $0xF7A;
	s5 =	simm.s32 @!p2 $0x0  }
0x1d: {  	s5 =	simm.s32 @p1 $0x1;
	p0 =	seq.s32 s7, s2  }
0x1e: {  	s7 =	smul.u32 @!p0 $0xF7A, s2;
	p2 =	seq.s32 @!p0 s5, $0x0  }
0x1f: {  	s9 =	smul.u32 $0xF7A, s1;
	s8 =	simm.s32 @!p0 $0x1BF5;
	p2 =	por !p2, p0  }
0x20: {  	[sflag:s8] =	ssyncset.s32 @!p0 $0xFFFFF086;
	s6 =	sadd.s32 @!p0 s3, s7;
	s7 =	simm.s32 @!p0 $0x108  }
0x21: {  	s3 =	sadd.s32 s3, s9;
	s6 =	sadd.s32 @!p0 $0x88, s6;
	s7 =	simm.s32 @p2 $0x1082  }
0x22: {  	[simem:s7], [sflag:s8] =	dma.local @!p0 [hbm:s6], $0xF7A  }
0x23: {  	s9 =	sor.u32 $0xD0000000, s2;
	s6 =	simm.s32 $0x108;
	_ =	swait.ge @!p0 [sflag:s8], $0x0  }
0x24: {  	s3 =	sadd.s32 $0x88, s3;
	s6 =	simm.s32 @!p1 $0x1082;
	[sflag:s4] =	ssyncset.s32 $0xFFFFF086  }
0x25: {  	[simem:s6], [sflag:s4] =	dma.local [hbm:s3], $0xF7A  }
0x26: {  	[smem:$0x3F99] =	sst s1;
	(tag) =	ssettag s2;
	_ =	strace s9  }
0x27: {  	s1 =	sld [smem:$0x3FA9]  }
0x28: {  	s2 =	sld [smem:$0x3FAA]  }
0x29: {  	s4 =	sld [smem:$0x3FAC]  }
0x2a: {  	p0 =	seq.s32 s5, $0x0;
	s5 =	sld [smem:$0x3FAD]  }
0x2b: {  	s6 =	sld [smem:$0x3FAE]  }
0x2c: {  	s7 =	sld [smem:$0x3FAF]  }
0x2d: {  	s3 =	simm.s32 $0x108;
	s8 =	sld [smem:$0x3FB0]  }
0x2e: {  	s3 =	simm.s32 @!p0 $0x1082;
	s9 =	sld [smem:$0x3FB1]  }
0x2f: {  	lr =	sadd.s32 s0, s3;
	s0 =	sld [smem:$0x3FA8]  }
0x30: {  	s3 =	sld [smem:$0x3FAB]  }
0x31: {  	[smem:$0x3FB4] =	sst s10  }
0x32: {  	s10 =	sld [smem:$0x3FB2];
	_ =	sdelay $0x3  }
0x33: {  	p0 =	seq.s32 s10, $0x1;
	s10 =	sld [smem:$0x3FB4];
	_ =	sdelay $0x3  }
0x34: {  	[smem:$0x3FB4] =	sst s10  }
0x35: {  	s10 =	sld [smem:$0x3FB3];
	_ =	sdelay $0x3  }
0x36: {  	p1 =	seq.s32 s10, $0x1;
	s10 =	sld [smem:$0x3FB4];
	_ =	sdelay $0x3  }
0x37: {  	[smem:$0x3FB4] =	sst s10  }
0x38: {  	s10 =	sld [smem:$0x3FB5]  }
0x39: {  	_ = 	snop;
	(pc) =	sbr.ind lr, $3  }
0x3a: {  	_ = 	snop  }
0x3b: {  	_ = 	snop  }
0x3c: {  	p2 =	seq.s32 s10, $0x1;
	s10 =	sld [smem:$0x3FB4]  }
0x3d: {  	_ =	shalt  }
0x3e: {  	_ =	shalt  }
0x3f: {  	_ =	shalt  }
0x40: {  	_ =	shalt  }
0x41: {  	_ =	shalt  }
0x42: {  	_ =	shalt  }
0x43: {  	_ =	shalt  }
0x44: {  	_ =	shalt  }
0x45: {  	_ =	shalt  }
0x46: {  	_ =	shalt  }
0x47: {  	_ =	shalt  }
0x48: {  	_ =	shalt  }
0x49: {  	_ =	shalt  }
0x4a: {  	_ =	shalt  }
0x4b: {  	_ =	shalt  }
0x4c: {  	_ =	shalt  }
0x4d: {  	_ =	shalt  }
0x4e: {  	_ =	shalt  }
0x4f: {  	_ =	shalt  }
0x50: {  	_ =	shalt  }
0x51: {  	_ =	shalt  }
0x52: {  	_ =	shalt  }
0x53: {  	_ =	shalt  }
0x54: {  	_ =	shalt  }
0x55: {  	_ =	shalt  }
0x56: {  	_ =	shalt  }
0x57: {  	_ =	shalt  }
0x58: {  	_ =	shalt  }
0x59: {  	_ =	shalt  }
0x5a: {  	_ =	shalt  }
0x5b: {  	_ =	shalt  }
0x5c: {  	_ =	shalt  }
0x5d: {  	_ =	shalt  }
0x5e: {  	_ =	shalt  }
0x5f: {  	_ =	shalt  }
0x60: {  	_ =	shalt  }
0x61: {  	_ =	shalt  }
0x62: {  	_ =	shalt  }
0x63: {  	_ =	shalt  }
0x64: {  	_ =	shalt  }
0x65: {  	_ =	shalt  }
0x66: {  	_ =	shalt  }
0x67: {  	_ =	shalt  }
0x68: {  	_ =	shalt  }
0x69: {  	_ =	shalt  }
0x6a: {  	_ =	shalt  }
0x6b: {  	_ =	shalt  }
0x6c: {  	_ =	shalt  }
0x6d: {  	_ =	shalt  }
0x6e: {  	_ =	shalt  }
0x6f: {  	_ =	shalt  }
0x70: {  	_ =	shalt  }
0x71: {  	_ =	shalt  }
0x72: {  	_ =	shalt  }
0x73: {  	_ =	shalt  }
0x74: {  	_ =	shalt  }
0x75: {  	_ =	shalt  }
0x76: {  	_ =	shalt  }
0x77: {  	_ =	shalt  }
0x78: {  	_ =	shalt  }
0x79: {  	_ =	shalt  }
0x7a: {  	_ =	shalt  }
0x7b: {  	_ =	shalt  }
0x7c: {  	_ =	shalt  }
0x7d: {  	_ =	shalt  }
0x7e: {  	_ =	shalt  }
0x7f: {  	_ =	shalt  }
0x80: {  	_ =	shalt  }
0x81: {  	_ =	shalt  }
0x82: {  	_ =	shalt  }
0x83: {  	_ =	shalt  }
0x84: {  	_ =	shalt  }
0x85: {  	_ =	shalt  }
0x86: {  	_ =	shalt  }
0x87: {  	_ =	shalt  }
.Lfunc_end0:
.L_simem_size_0:
called_computation.1_lowered:
.L_overlay_start_0:
0x88: {  	s2 =	sld [smem:$0x3FD9]  }
0x89: {  	s3 =	sld [smem:$0x3FFE];
	_ =	sdelay $0x1  }
0x8a: {  	s1 =	srdreg.scid  }
0x8b: {  	s0 =	sand.u32 $0x1, s1  }
0x8c: {  	s16 =	sshll.u32 s0, $0xA;
	s2 =	sadd.s32 s3, s2  }
0x8d: {  	s2 =	sadd.s32 s2, s16  }
0x8e: {  	[smem:$0x3FC0] =	sst s2  }
0x8f: {  	_ = 	snop  }
0x90: {  	(tm) =	ssettm $0x1  }
0x91: {  	s17 =	sld [smem:$0x3FFB];
	_ =	sdelay $0x3  }
0x92: {  	_ =	strace s17  }
0x93: {  	s2 =	sld [smem:$0x3FFC];
	_ =	sdelay $0x3  }
0x94: {  	_ =	strace s2  }
0x95: {  	s2 =	sld [smem:$0x3FFD];
	_ =	sdelay $0x3  }
0x96: {  	_ =	strace s2  }
0x97: {  	_ =	strace $0x8FFFFFFF  }
0x98: {  	s18 =	sld [smem:$0x3FDB];
	_ =	sdelay $0x1  }
0x99: {  	s19 =	simm.s32 $_scs_section_size  }
0x9a: {  	s4 =	simm.s32 $_size__tile_overlayer_lowered;
	s5 =	simm.s32 $_tile_overlayer_lowered  }
0x9b: {  	s22 =	simm.s32 $0x1BFF;
	s21 =	sshll.u32 s5, $0x1;
	s2 =	sadd.s32 s19, s18  }
0x9c: {  	s6 =	simm.s32 $0x0;
	s20 =	sshll.u32 s4, $0x1;
	s4 =	sadd.s32 s21, s2  }
0x9d: {  	[timem:s6], [sflag:s22] =	dma.local [hbm:s4], s20  }
0x9e: {  	_ =	swait.ge [sflag:s22], s20  }
0x9f: {  	s3 =	ssub.s32 $0x0, s20;
	[sflag:s22] =	ssyncset.done $0x0  }
0xa0: {  	[sflag:s22] =	ssyncadd.s32 s3;
	_ =	sdelay $0x1  }
0xa1: {  	s23 =	simm.s32 $0x1B8B  }
0xa2: {  	_ =	swait.ge [sflag:s23], $0x1  }
0xa3: {  	[sflag:s23] =	ssyncset.done $0x0  }
0xa4: {  	s25 =	simm.s32 $0x1B8E;
	s24 =	sld [smem:$0x3FFE];
	[sflag:s23] =	ssyncadd.s32 $0xFFFFFFFF  }
0xa5: {  	s26 =	simm.s32 $execute0_lowered;
	[smem:$0x3FD2] =	sst s25  }
0xa6: {  	s4 =	sshll.u32 s26, $0x1;
	_ =	strace $0x80000049;
	[dreg:$0x1] =	wrdreg $0xFFFFFFFF  }
0xa7: {  	s28 =	simm.s32 $_size_execute0_lowered;
	s2 =	sadd.s32 s2, s4;
	[dreg:$0x0] =	wrdreg $0x0  }
0xa8: {  	s4 =	sshll.u32 s28, $0x1;
	[dreg:$0x2] =	wrdreg s2  }
0xa9: {  	[dreg:$0x3] =	wrdreg s4  }
0xaa: {  	[dreg:$0x4] =	wrdreg $0xC0  }
0xab: {  	_ =	task [dreg:s6], $0x5FFFF  }
0xac: {  	[dreg:$0x1] =	wrdreg $0xFFFFFFFF  }
0xad: {  	[dreg:$0x0] =	wrdreg $0x60  }
0xae: {  	[dreg:$0x2] =	wrdreg s24  }
0xaf: {  	[dreg:$0x3] =	wrdreg $0xA0000  }
0xb0: {  	[dreg:$0x4] =	wrdreg $0x9  }
0xb1: {  	_ =	task.clear_ibuf [dreg:s6], $0x5FFFF;
	_ =	strace $0x90000049  }
0xb2: {  	s29 =	simm.s32 $0x9;
	_ =	strace $0x8000004B  }
0xb3: {  	_ =	swait.ge [sflag:s29], $0x1  }
0xb4: {  	[sflag:s29] =	ssyncadd.s32 $0xFFFFFFFF  }
0xb5: {  	_ =	strace $0x9000004B  }
0xb6: {  	_ =	sfence  }
0xb7: {  	s30 =	sld [smem:$0x0];
	_ =	sdelay $0x2  }
0xb8: {  	s31 =	sshll.u32 s1, $0xD;
	s1 =	sshrl.u32 s1, $0x2  }
0xb9: {  	s3 =	sand.u32 $0x4000, s31;
	s1 =	sadd.s32 s1, s30  }
0xba: {  	s0 =	sor.u32 s3, s0;
	s1 =	sshll.u32 s1, $0x11  }
0xbb: {  	s0 =	sor.u32 s1, s0  }
0xbc: {  	s0 =	sadd.s32 $0x8F2B, s0  }
0xbd: {  	[sflag:s0] =	ssyncadd.remote.s32 $0x1  }
0xbe: {  	_ =	sfence.sel $0xFFFF  }
0xbf: {  	[dreg:$0x0] =	wrdreg $0xFFFFFFFF;
	(pc) =	sbr.abs _section_cstart, $3  }
0xc0: {  	[dreg:$0x1] =	wrdreg $0xFFFFFFFF  }
0xc1: {  	_ =	task.clear_ibuf [dreg:s6], $0x2FFFF;
	_ =	strace $0x9FFFFFFF  }
0xc2: {  	(tm) =	ssettm $0x7FFFFFFF  }
0xc3: {  	_ =	shalt  }
tec
execute0_lowered:
.L_overlay_start_1:
0x0: {  	(tag) =	ssettag $0x1  }
0x1: {  	s0 =	rddreg [dreg:$0x0]  }
0x2: {  	s2 =	rddreg [dreg:$0x1];
	s3 =	simm.s32 $0x0;
	s7 =	stileid.u32  }
0x3: {  	s1 =	srdreg.scid;
	s13 =	simm.s32 $0x6;
	s29 =	simm.s32 $0x18000  }
0x4: {  	s31 =	simm.s32 $0x1A000;
	s28 =	simm.s32 $0x1;
	s17 =	smul.u32 $0xA00, s7  }
0x5: {  	s30 =	simm.s32 $0x2;
	[smem:$0x7FF] =	sst s3;
	s6 =	smul.u32 $0x28000, s7  }
0x6: {  	s1 =	sand.u32 $0x1, s1;
	s20 =	smul.u32 $0xA000, s7;
	_ =	strace $0x8000004A  }
0x7: {  	s4 =	smul.u32 $0x14000, s1;
	s1 =	ssub.s32 $0x2, s1;
	s3 =	sadd.s32 s17, s0  }
0x8: {  	s5 =	sshrl.u32 s1, $0x1;
	s19 =	sshrl.u32 s6, $0x2;
	s21 =	sshrl.u32 s20, $0x3  }
0x9: {  	s22 =	sadd.s32 s20, s2;
	s8 =	sadd.s32 $0x2000, s20;
	s10 =	sadd.s32 $0x4000, s20  }
0xa: {  	s24 =	sadd.s32 $0x6000, s20;
	s0 =	sadd.s32 s4, s0;
	s1 =	ssub.s32 s1, s5  }
0xb: {  	s18 =	sadd.s32 $0x2A00, s3;
	s3 =	sadd.s32 $0xCA00, s3;
	s7 =	sadd.s32 s19, s2  }
0xc: {  	s9 =	sshrl.u32 s8, $0x3;
	s8 =	sadd.s32 s8, s2;
	s14 =	sshrl.u32 s10, $0x3  }
0xd: {  	s23 =	sadd.s32 s10, s2;
	s4 =	sadd.s32 $0x8000, s20;
	[dreg:$0x3] =	wrdreg s18  }
0xe: {  	s20 =	simm.s32 $0x80;
	s5 =	simm.s32 $0x0;
	[dreg:$0x4] =	wrdreg s3  }
0xf: {  	s6 =	sadd.s32 $0x3EA00, s0;
	s0 =	sadd.s32 $0x66A00, s0;
	s18 =	sshrl.u32 s24, $0x3  }
0x10: {  	s24 =	sadd.s32 s24, s2;
	s19 =	sshrl.u32 s4, $0x3;
	s4 =	sadd.s32 s4, s2  }
0x11: {  	s1 =	smax.u32 s1, $0x1;
	s25 =	sadd.s32 $0x2000, s7;
	s26 =	sadd.s32 $0x4000, s7  }
0x12: {  	s11 =	sadd.s32 $0x6000, s7;
	s12 =	sadd.s32 $0x8000, s7;
	[dreg:$0x5] =	wrdreg s1  }
0x13: {  	s23 =	sshrl.u32 s23, $0x3;
	s3 =	simm.s32 $0x4;
	[dreg:$0x6] =	wrdreg s25  }
0x14: {  	[dreg:$0x7] =	wrdreg s26;
	s15 =	sadd.s32 s21, s0;
	s16 =	sadd.s32 s9, s0  }
0x15: {  	s17 =	sadd.s32 s14, s0;
	s18 =	sadd.s32 s18, s0;
	s19 =	sadd.s32 s19, s0  }
0x16: {  	s21 =	sshrl.u32 s22, $0x3;
	s22 =	sshrl.u32 s8, $0x3;
	s24 =	sshrl.u32 s24, $0x3  }
0x17: {  	s25 =	sshrl.u32 s4, $0x3;
	s26 =	simm.s32 $0x16000;
	s1 =	simm.s32 $0x1C000  }
0x18: {  	v0 =	vimm.f32 $0.0e+00;
	s14 =	simm.s32 $0x14000;
	s0 =	simm.s32 $0x3;
	s4 =	simm.s32 $0x5  }
.LBB2_1:
0x19: {  	s8 =	simm.s32 $0x0;
	s9 =	rddreg [dreg:$0x3]  }
0x1a: {  	[tilespmem:s8], [sflag:$0x6] =	stream.linear.gather [hbm4b:s9+s8], $0x5000, $0x38;
	[tilespmem:$0x1E000] =	vst v63  }
0x1b: {  	_ =	swait.ge [sflag:s13], $0x5000  }
0x1c: {  	[sflag:s13] =	ssyncset.done $0x0  }
0x1d: {  	s10 =	simm.s32 $0x5000;
	s9 =	rddreg [dreg:$0x4];
	[sflag:s13] =	ssyncadd.s32 $0xFFFFB000  }
0x1e: {  	[tilespmem:s10], [sflag:$0x6] =	stream.linear.gather [hbm4b:s9+s8], $0x5000, $0x38;
	[tilespmem:$0x1E000] =	vst v63  }
0x1f: {  	_ =	swait.ge [sflag:s13], $0x5000  }
0x20: {  	[sflag:s13] =	ssyncset.done $0x0  }
0x21: {  	[sflag:s13] =	ssyncadd.s32 $0xFFFFB000  }
0x22: {  	[tilespmem:s26], [sflag:$0x2] =	stream.indirect.gather [hbm4b:s6+s20], $0x40, s20, s20, $0xb8;
	[tilespmem:$0x1E000] =	vst v63  }
0x23: {  	s10 =	simm.s32 $0x100  }
0x24: {  	[tilespmem:s29], [sflag:$0x3] =	stream.indirect.gather [hbm4b:s6+s20], $0x40, s10, s20, $0xb8;
	[tilespmem:$0x1E000] =	vst v63  }
0x25: {  	s9 =	simm.s32 $0x180  }
0x26: {  	[tilespmem:s31], [sflag:$0x4] =	stream.indirect.gather [hbm4b:s6+s20], $0x40, s9, s20, $0xb8;
	[tilespmem:$0x1E000] =	vst v63  }
0x27: {  	s8 =	simm.s32 $0x0;
	s10 =	simm.s32 $0x200;
	s9 =	simm.s32 $0x100  }
0x28: {  	[tilespmem:s1], [sflag:$0x5] =	stream.indirect.gather [hbm4b:s6+s20], $0x40, s10, s20, $0xb8;
	[tilespmem:$0x1E000] =	vst v63  }
.LBB2_2:
0x29: {  	p0 =	sne.s32 s9, $0x7F00;
	[tilespmem:s8+$0x14030] =	vst v0;
	s10 =	smov.u32 s9;
	s9 =	sadd.s32 $0x100, s9  }
.Ltmp0:
0x2a: {  	[tilespmem:s8+$0x14020] =	vst v0;
	(pc) =	sbr.rel @p0 .LBB2_2-.Ltmp0, $3  }
0x2b: {  	[tilespmem:s8+$0x14000] =	vst v0  }
0x2c: {  	[tilespmem:s8+$0x14010] =	vst v0;
	_ =	sdelay $0x1  }
0x2d: {  	s8 =	sshra.s32 s10, $0x2  }
0x2e: {  	[tilespmem:s8+$0x14030] =	vst v0  }
0x2f: {  	[tilespmem:s8+$0x14020] =	vst v0  }
0x30: {  	[tilespmem:s8+$0x14000] =	vst v0  }
0x31: {  	[tilespmem:s8+$0x14010] =	vst v0  }
0x32: {  	[spmem:s7] =	stream.linear.scatter [tilespmem:s14], [sflag:$0x6], $0x2000, $0x38;
	[tilespmem:$0x1E000] =	vst v63  }
0x33: {  	_ =	swait.ge [sflag:s13], $0x2000  }
0x34: {  	[sflag:s13] =	ssyncset.done $0x0  }
0x35: {  	s9 =	rddreg [dreg:$0x6];
	[sflag:s13] =	ssyncadd.s32 $0xFFFFE000  }
0x36: {  	[spmem:s9] =	stream.linear.scatter [tilespmem:s14], [sflag:$0x6], $0x2000, $0x38;
	[tilespmem:$0x1E000] =	vst v63  }
0x37: {  	_ =	swait.ge [sflag:s13], $0x2000  }
0x38: {  	[sflag:s13] =	ssyncset.done $0x0  }
0x39: {  	s10 =	rddreg [dreg:$0x7];
	[sflag:s13] =	ssyncadd.s32 $0xFFFFE000  }
0x3a: {  	[spmem:s10] =	stream.linear.scatter [tilespmem:s14], [sflag:$0x6], $0x2000, $0x38;
	[tilespmem:$0x1E000] =	vst v63  }
0x3b: {  	_ =	swait.ge [sflag:s13], $0x2000  }
0x3c: {  	[sflag:s13] =	ssyncset.done $0x0  }
0x3d: {  	[sflag:s13] =	ssyncadd.s32 $0xFFFFE000  }
0x3e: {  	[spmem:s11] =	stream.linear.scatter [tilespmem:s14], [sflag:$0x6], $0x2000, $0x38;
	[tilespmem:$0x1E000] =	vst v63  }
0x3f: {  	_ =	swait.ge [sflag:s13], $0x2000  }
0x40: {  	[sflag:s13] =	ssyncset.done $0x0  }
0x41: {  	[sflag:s13] =	ssyncadd.s32 $0xFFFFE000  }
0x42: {  	[spmem:s12] =	stream.linear.scatter [tilespmem:s14], [sflag:$0x6], $0x2000, $0x38;
	[tilespmem:$0x1E000] =	vst v63  }
0x43: {  	_ =	swait.ge [sflag:s13], $0x2000  }
0x44: {  	[sflag:s13] =	ssyncset.done $0x0  }
0x45: {  	[sflag:s13] =	ssyncadd.s32 $0xFFFFE000  }
0x46: {  	s9 =	simm.s32 $0x0;
	[bflag:$0x0] =	sbarrier.arrive $0xFFFF  }
0x47: {  	[tilespmem:s14], [sflag:$0x1] =	stream.indirect.gather [hbm4b:s6+s20], $0x40, s9, s20, $0xb8;
	[tilespmem:$0x1E000] =	vst v63  }
0x48: {  	_ =	swait.ge [sflag:s28], $0x2000  }
0x49: {  	[sflag:s28] =	ssyncset.done $0x0  }
0x4a: {  	s10 =	simm.s32 $0x5000;
	[sflag:s28] =	ssyncadd.s32 $0xFFFFE000  }
0x4b: {  	[spmem:s2] =	stream.indirect.scatter.add.f32 [tilespmem:s14], [sflag:$0x6], $0x40, s10, s20, $0xb8;
	[tilespmem:$0x1E000] =	vst v63  }
0x4c: {  	_ =	swait.ge [sflag:s13], $0x2000  }
0x4d: {  	[sflag:s13] =	ssyncset.done $0x0  }
0x4e: {  	s9 =	simm.s32 $0x280;
	[sflag:s13] =	ssyncadd.s32 $0xFFFFE000  }
0x4f: {  	[tilespmem:s14], [sflag:$0x1] =	stream.indirect.gather [hbm4b:s6+s20], $0x40, s9, s20, $0xb8;
	[tilespmem:$0x1E000] =	vst v63  }
0x50: {  	_ =	swait.ge [sflag:s30], $0x2000  }
0x51: {  	[sflag:s30] =	ssyncset.done $0x0  }
0x52: {  	s10 =	simm.s32 $0x5080;
	[sflag:s30] =	ssyncadd.s32 $0xFFFFE000  }
0x53: {  	[spmem:s2] =	stream.indirect.scatter.add.f32 [tilespmem:s26], [sflag:$0x6], $0x40, s10, s20, $0xb8;
	[tilespmem:$0x1E000] =	vst v63  }
0x54: {  	_ =	swait.ge [sflag:s13], $0x2000  }
0x55: {  	[sflag:s13] =	ssyncset.done $0x0  }
0x56: {  	s9 =	simm.s32 $0x300;
	[sflag:s13] =	ssyncadd.s32 $0xFFFFE000  }
0x57: {  	[tilespmem:s26], [sflag:$0x2] =	stream.indirect.gather [hbm4b:s6+s20], $0x40, s9, s20, $0xb8;
	[tilespmem:$0x1E000] =	vst v63  }
0x58: {  	_ =	swait.ge [sflag:s0], $0x2000  }
0x59: {  	[sflag:s0] =	ssyncset.done $0x0  }
0x5a: {  	s10 =	simm.s32 $0x5100;
	[sflag:s0] =	ssyncadd.s32 $0xFFFFE000  }
0x5b: {  	[spmem:s2] =	stream.indirect.scatter.add.f32 [tilespmem:s29], [sflag:$0x6], $0x40, s10, s20, $0xb8;
	[tilespmem:$0x1E000] =	vst v63  }
0x5c: {  	_ =	swait.ge [sflag:s13], $0x2000  }
0x5d: {  	[sflag:s13] =	ssyncset.done $0x0  }
0x5e: {  	s9 =	simm.s32 $0x380;
	[sflag:s13] =	ssyncadd.s32 $0xFFFFE000  }
0x5f: {  	[tilespmem:s29], [sflag:$0x3] =	stream.indirect.gather [hbm4b:s6+s20], $0x40, s9, s20, $0xb8;
	[tilespmem:$0x1E000] =	vst v63  }
0x60: {  	_ =	swait.ge [sflag:s3], $0x2000  }
0x61: {  	[sflag:s3] =	ssyncset.done $0x0  }
0x62: {  	s10 =	simm.s32 $0x5180;
	[sflag:s3] =	ssyncadd.s32 $0xFFFFE000  }
0x63: {  	[spmem:s2] =	stream.indirect.scatter.add.f32 [tilespmem:s31], [sflag:$0x6], $0x40, s10, s20, $0xb8;
	[tilespmem:$0x1E000] =	vst v63  }
0x64: {  	_ =	swait.ge [sflag:s13], $0x2000  }
0x65: {  	[sflag:s13] =	ssyncset.done $0x0  }
0x66: {  	s9 =	simm.s32 $0x400;
	[sflag:s13] =	ssyncadd.s32 $0xFFFFE000  }
0x67: {  	[tilespmem:s31], [sflag:$0x4] =	stream.indirect.gather [hbm4b:s6+s20], $0x40, s9, s20, $0xb8;
	[tilespmem:$0x1E000] =	vst v63  }
0x68: {  	_ =	swait.ge [sflag:s4], $0x2000  }
0x69: {  	[sflag:s4] =	ssyncset.done $0x0  }
0x6a: {  	s10 =	simm.s32 $0x5200;
	[sflag:s4] =	ssyncadd.s32 $0xFFFFE000  }
0x6b: {  	[spmem:s2] =	stream.indirect.scatter.add.f32 [tilespmem:s1], [sflag:$0x6], $0x40, s10, s20, $0xb8;
	[tilespmem:$0x1E000] =	vst v63  }
0x6c: {  	_ =	swait.ge [sflag:s13], $0x2000  }
0x6d: {  	[sflag:s13] =	ssyncset.done $0x0  }
0x6e: {  	s8 =	simm.s32 $0xA00;
	s9 =	simm.s32 $0x480;
	[sflag:s13] =	ssyncadd.s32 $0xFFFFE000  }
.LBB2_4:
0x6f: {  	[tilespmem:s1], [sflag:$0x5] =	stream.indirect.gather [hbm4b:s6+s20], $0x40, s9, s20, $0xb8;
	[tilespmem:$0x1E000] =	vst v63  }
0x70: {  	s9 =	smov.u32 s8  }
0x71: {  	p0 =	sne.s32 s8, $0x12C00;
	s8 =	sadd.s32 $0xA00, s8;
	_ =	swait.ge [sflag:s28], $0x2000  }
0x72: {  	s9 =	sshra.s32 s9, $0x2;
	[sflag:s28] =	ssyncset.done $0x0  }
0x73: {  	s10 =	sadd.s32 $0x5000, s9;
	[sflag:s28] =	ssyncadd.s32 $0xFFFFE000  }
0x74: {  	[spmem:s2] =	stream.indirect.scatter.add.f32 [tilespmem:s14], [sflag:$0x6], $0x40, s10, s20, $0xb8;
	[tilespmem:$0x1E000] =	vst v63  }
0x75: {  	_ =	swait.ge [sflag:s13], $0x2000  }
0x76: {  	[sflag:s13] =	ssyncset.done $0x0  }
0x77: {  	s10 =	sadd.s32 $0x280, s9;
	[sflag:s13] =	ssyncadd.s32 $0xFFFFE000  }
0x78: {  	[tilespmem:s14], [sflag:$0x1] =	stream.indirect.gather [hbm4b:s6+s20], $0x40, s10, s20, $0xb8;
	[tilespmem:$0x1E000] =	vst v63  }
0x79: {  	_ =	swait.ge [sflag:s30], $0x2000  }
0x7a: {  	[sflag:s30] =	ssyncset.done $0x0  }
0x7b: {  	s10 =	sadd.s32 $0x5080, s9;
	[sflag:s30] =	ssyncadd.s32 $0xFFFFE000  }
0x7c: {  	[spmem:s2] =	stream.indirect.scatter.add.f32 [tilespmem:s26], [sflag:$0x6], $0x40, s10, s20, $0xb8;
	[tilespmem:$0x1E000] =	vst v63  }
0x7d: {  	_ =	swait.ge [sflag:s13], $0x2000  }
0x7e: {  	[sflag:s13] =	ssyncset.done $0x0  }
0x7f: {  	s10 =	sadd.s32 $0x300, s9;
	[sflag:s13] =	ssyncadd.s32 $0xFFFFE000  }
0x80: {  	[tilespmem:s26], [sflag:$0x2] =	stream.indirect.gather [hbm4b:s6+s20], $0x40, s10, s20, $0xb8;
	[tilespmem:$0x1E000] =	vst v63  }
0x81: {  	_ =	swait.ge [sflag:s0], $0x2000  }
0x82: {  	[sflag:s0] =	ssyncset.done $0x0  }
0x83: {  	s10 =	sadd.s32 $0x5100, s9;
	[sflag:s0] =	ssyncadd.s32 $0xFFFFE000  }
0x84: {  	[spmem:s2] =	stream.indirect.scatter.add.f32 [tilespmem:s29], [sflag:$0x6], $0x40, s10, s20, $0xb8;
	[tilespmem:$0x1E000] =	vst v63  }
0x85: {  	_ =	swait.ge [sflag:s13], $0x2000  }
0x86: {  	[sflag:s13] =	ssyncset.done $0x0  }
0x87: {  	s10 =	sadd.s32 $0x380, s9;
	[sflag:s13] =	ssyncadd.s32 $0xFFFFE000  }
0x88: {  	[tilespmem:s29], [sflag:$0x3] =	stream.indirect.gather [hbm4b:s6+s20], $0x40, s10, s20, $0xb8;
	[tilespmem:$0x1E000] =	vst v63  }
0x89: {  	_ =	swait.ge [sflag:s3], $0x2000  }
0x8a: {  	[sflag:s3] =	ssyncset.done $0x0  }
0x8b: {  	s10 =	sadd.s32 $0x5180, s9;
	[sflag:s3] =	ssyncadd.s32 $0xFFFFE000  }
0x8c: {  	[spmem:s2] =	stream.indirect.scatter.add.f32 [tilespmem:s31], [sflag:$0x6], $0x40, s10, s20, $0xb8;
	[tilespmem:$0x1E000] =	vst v63  }
0x8d: {  	_ =	swait.ge [sflag:s13], $0x2000  }
0x8e: {  	[sflag:s13] =	ssyncset.done $0x0  }
0x8f: {  	s10 =	sadd.s32 $0x400, s9;
	[sflag:s13] =	ssyncadd.s32 $0xFFFFE000  }
0x90: {  	[tilespmem:s31], [sflag:$0x4] =	stream.indirect.gather [hbm4b:s6+s20], $0x40, s10, s20, $0xb8;
	[tilespmem:$0x1E000] =	vst v63  }
0x91: {  	_ =	swait.ge [sflag:s4], $0x2000  }
0x92: {  	[sflag:s4] =	ssyncset.done $0x0  }
.Ltmp1:
0x93: {  	s10 =	sadd.s32 $0x5200, s9;
	[sflag:s4] =	ssyncadd.s32 $0xFFFFE000;
	(pc) =	sbr.rel @p0 .LBB2_4-.Ltmp1, $4  }
0x94: {  	[spmem:s2] =	stream.indirect.scatter.add.f32 [tilespmem:s1], [sflag:$0x6], $0x40, s10, s20, $0xb8;
	[tilespmem:$0x1E000] =	vst v63  }
0x95: {  	_ =	swait.ge [sflag:s13], $0x2000  }
0x96: {  	[sflag:s13] =	ssyncset.done $0x0  }
0x97: {  	s9 =	sadd.s32 $0x480, s9;
	[sflag:s13] =	ssyncadd.s32 $0xFFFFE000  }
0x98: {  	[tilespmem:s1], [sflag:$0x5] =	stream.indirect.gather [hbm4b:s6+s20], $0x40, s9, s20, $0xb8;
	[tilespmem:$0x1E000] =	vst v63  }
0x99: {  	_ =	swait.ge [sflag:s28], $0x2000  }
0x9a: {  	[sflag:s28] =	ssyncset.done $0x0  }
0x9b: {  	s8 =	simm.s32 $0x9D80;
	[sflag:s28] =	ssyncadd.s32 $0xFFFFE000  }
0x9c: {  	[spmem:s2] =	stream.indirect.scatter.add.f32 [tilespmem:s14], [sflag:$0x6], $0x40, s8, s20, $0xb8;
	[tilespmem:$0x1E000] =	vst v63  }
0x9d: {  	_ =	swait.ge [sflag:s13], $0x2000  }
0x9e: {  	[sflag:s13] =	ssyncset.done $0x0  }
0x9f: {  	[sflag:s13] =	ssyncadd.s32 $0xFFFFE000  }
0xa0: {  	_ =	swait.ge [sflag:s30], $0x2000  }
0xa1: {  	[sflag:s30] =	ssyncset.done $0x0  }
0xa2: {  	s9 =	simm.s32 $0x9E00;
	[sflag:s30] =	ssyncadd.s32 $0xFFFFE000  }
0xa3: {  	[spmem:s2] =	stream.indirect.scatter.add.f32 [tilespmem:s26], [sflag:$0x6], $0x40, s9, s20, $0xb8;
	[tilespmem:$0x1E000] =	vst v63  }
0xa4: {  	_ =	swait.ge [sflag:s13], $0x2000  }
0xa5: {  	[sflag:s13] =	ssyncset.done $0x0  }
0xa6: {  	[sflag:s13] =	ssyncadd.s32 $0xFFFFE000  }
0xa7: {  	_ =	swait.ge [sflag:s0], $0x2000  }
0xa8: {  	[sflag:s0] =	ssyncset.done $0x0  }
0xa9: {  	s10 =	simm.s32 $0x9E80;
	[sflag:s0] =	ssyncadd.s32 $0xFFFFE000  }
0xaa: {  	[spmem:s2] =	stream.indirect.scatter.add.f32 [tilespmem:s29], [sflag:$0x6], $0x40, s10, s20, $0xb8;
	[tilespmem:$0x1E000] =	vst v63  }
0xab: {  	_ =	swait.ge [sflag:s13], $0x2000  }
0xac: {  	[sflag:s13] =	ssyncset.done $0x0  }
0xad: {  	[sflag:s13] =	ssyncadd.s32 $0xFFFFE000  }
0xae: {  	_ =	swait.ge [sflag:s3], $0x2000  }
0xaf: {  	[sflag:s3] =	ssyncset.done $0x0  }
0xb0: {  	s9 =	simm.s32 $0x9F00;
	[sflag:s3] =	ssyncadd.s32 $0xFFFFE000  }
0xb1: {  	[spmem:s2] =	stream.indirect.scatter.add.f32 [tilespmem:s31], [sflag:$0x6], $0x40, s9, s20, $0xb8;
	[tilespmem:$0x1E000] =	vst v63  }
0xb2: {  	_ =	swait.ge [sflag:s13], $0x2000  }
0xb3: {  	[sflag:s13] =	ssyncset.done $0x0  }
0xb4: {  	[sflag:s13] =	ssyncadd.s32 $0xFFFFE000  }
0xb5: {  	_ =	swait.ge [sflag:s4], $0x2000  }
0xb6: {  	[sflag:s4] =	ssyncset.done $0x0  }
0xb7: {  	s10 =	simm.s32 $0x9F80;
	[sflag:s4] =	ssyncadd.s32 $0xFFFFE000  }
0xb8: {  	[spmem:s2] =	stream.indirect.scatter.add.f32 [tilespmem:s1], [sflag:$0x6], $0x40, s10, s20, $0xb8;
	[tilespmem:$0x1E000] =	vst v63  }
0xb9: {  	_ =	swait.ge [sflag:s13], $0x2000  }
0xba: {  	s9 =	stileid.u32;
	[sflag:s13] =	ssyncset.done $0x0  }
0xbb: {  	s8 =	sshll.u32 s9, $0x6;
	[sflag:s13] =	ssyncadd.s32 $0xFFFFE000  }
0xbc: {  	s10 =	sor.u32 $0x1C01, s8;
	[bflag:$0x0] =	sbarrier.arrive $0xFFFF  }
0xbd: {  	[hbm:s15], [sflag:s10] =	dma.local [spmem:s21], $0x400  }
0xbe: {  	s10 =	sor.u32 $0x1C02, s8  }
0xbf: {  	[hbm:s16], [sflag:s10] =	dma.local [spmem:s22], $0x400  }
0xc0: {  	s10 =	sor.u32 $0x1C03, s8  }
0xc1: {  	[hbm:s17], [sflag:s10] =	dma.local [spmem:s23], $0x400  }
0xc2: {  	s10 =	sor.u32 $0x1C04, s8;
	s8 =	sor.u32 $0x1C05, s8  }
0xc3: {  	[hbm:s18], [sflag:s10] =	dma.local [spmem:s24], $0x400  }
0xc4: {  	[hbm:s19], [sflag:s8] =	dma.local [spmem:s25], $0x400  }
0xc5: {  	_ =	swait.ge [sflag:s28], $0x400  }
0xc6: {  	[sflag:s28] =	ssyncset.done $0x0  }
0xc7: {  	[sflag:s28] =	ssyncadd.s32 $0xFFFFFC00  }
0xc8: {  	_ =	swait.ge [sflag:s30], $0x400  }
0xc9: {  	[sflag:s30] =	ssyncset.done $0x0  }
0xca: {  	[sflag:s30] =	ssyncadd.s32 $0xFFFFFC00  }
0xcb: {  	_ =	swait.ge [sflag:s0], $0x400  }
0xcc: {  	[sflag:s0] =	ssyncset.done $0x0  }
0xcd: {  	[sflag:s0] =	ssyncadd.s32 $0xFFFFFC00  }
0xce: {  	_ =	swait.ge [sflag:s3], $0x400  }
0xcf: {  	[sflag:s3] =	ssyncset.done $0x0  }
0xd0: {  	[sflag:s3] =	ssyncadd.s32 $0xFFFFFC00  }
0xd1: {  	_ =	swait.ge [sflag:s4], $0x400  }
0xd2: {  	s5 =	sadd.s32 $0x1, s5;
	s10 =	rddreg [dreg:$0x5]  }
0xd3: {  	p0 =	sne.s32 s5, s10  }
.Ltmp2:
0xd4: {  	_ = 	snop;
	(pc) =	sbr.rel @p0 .LBB2_1-.Ltmp2, $3  }
0xd5: {  	_ =	sdelay $0x1  }
0xd6: {  	[sflag:s4] =	ssyncset.done $0x0  }
0xd7: {  	[sflag:s4] =	ssyncadd.s32 $0xFFFFFC00  }
0xd8: {  	_ =	sfence.sel $0x180000  }
0xd9: {  	[bflag:$0x0] =	sbarrier.arrive $0xFFFF  }
0xda: {  	_ =	strace $0x9000004A  }
0xdb: {  	s0 =	stileid.u32;
	[bflag:$0x2] =	sbarrier.arrive $0xFFFF  }
0xdc: {  	p0 =	sne.s32 s0, $0x0;
	s0 =	rddreg [dreg:$0x2]  }
0xdd: {  	s0 =	sadd.s32 @!p0 $0x100000, s0  }
0xde: {  	[sflag:s0] =	ssyncadd.tile.s32 @!p0 $0x1;
	_ =	shalt  }
.Lfunc_end2:
_tile_overlayer_lowered:
.L_overlay_start_2:
0xdf: {  	(tag) =	ssettag $0x2  }
0xe0: {  	s0 =	rddreg [dreg:$0x0];
	s2 =	stileid.u32  }
0xe1: {  	s1 =	rddreg [dreg:$0x1];
	p0 =	sne.s32 s2, $0x0  }
0xe2: {  	s3 =	rddreg [dreg:$0x2];
	[bflag:$0x3] =	sbarrier.arrive $0xFFFF;
	s2 =	simm.s32 @!p0 $0x1C06  }
0xe3: {  	[timem:s3], [sflag:s2] =	dma.local @!p0 [hbm:s0], s1  }
0xe4: {  	s0 =	simm.s32 @!p0 $0x6  }
0xe5: {  	_ =	swait.ge @!p0 [sflag:s0], s1  }
0xe6: {  	s1 =	ssub.s32 @!p0 $0x0, s1;
	[sflag:s0] =	ssyncset.done @!p0 $0x0  }
0xe7: {  	[sflag:s0] =	ssyncadd.s32 @!p0 s1  }
0xe8: {  	[bflag:$0x3] =	sbarrier.arrive $0xFFFF  }
0xe9: {  	_ =	shalt  }

// kernel: kernel.7.cloned.1.call-start
scs
__scs_entry_jumppad:
0x0: {  	(pc) =	sbr.rel $0x88, $3  }
0x1: {  	(tag) =	ssettag $0x0;
	lr =	simm.s32 $0x1  }
0x2: {  	[smem:$0x3F99] =	sst lr;
	_ =	strace $0xD0000000  }
0x3: {  	_ = 	snop  }
0x4: {  	_ = 	snop  }
0x5: {  	_ = 	snop  }
0x6: {  	_ = 	snop  }
0x7: {  	_ = 	snop  }
__scs_overlays_trampoline_lowered:
0x8: {  	[smem:$0x3FA8] =	sst s0  }
0x9: {  	[smem:$0x3FA9] =	sst s1  }
0xa: {  	[smem:$0x3FAA] =	sst s2  }
0xb: {  	[smem:$0x3FAB] =	sst s3  }
0xc: {  	[smem:$0x3FAC] =	sst s4  }
0xd: {  	[smem:$0x3FAD] =	sst s5  }
0xe: {  	[smem:$0x3FAE] =	sst s6  }
0xf: {  	[smem:$0x3FAF] =	sst s7  }
0x10: {  	[smem:$0x3FB0] =	sst s8  }
0x11: {  	[smem:$0x3FB1] =	sst s9;
	s0 =	simm.s32 @!p0 $0x0  }
0x12: {  	s1 =	sld [smem:$0x3F97];
	s0 =	simm.s32 @p0 $0x1  }
0x13: {  	[smem:$0x3FB2] =	sst s0;
	s0 =	simm.s32 @!p1 $0x0  }
0x14: {  	s2 =	sld [smem:$0x3F96];
	s0 =	simm.s32 @p1 $0x1  }
0x15: {  	[smem:$0x3FB3] =	sst s0;
	s0 =	simm.s32 @!p2 $0x0  }
0x16: {  	s3 =	sld [smem:$0x3FDB];
	s0 =	simm.s32 @p2 $0x1  }
0x17: {  	s4 =	simm.s32 $0x1BF5;
	[smem:$0x3FB5] =	sst s0  }
0x18: {  	s0 =	sld [smem:$0x3F98];
	_ =	swait.ge [sflag:s4], $0x0  }
0x19: {  	s7 =	sld [smem:$0x3F99]  }
0x1a: {  	s8 =	sadd.s32 $0xFFFFE003, lr  }
0x1b: {  	s9 =	sadd.s32 $0xFFFFFEF7, lr;
	s5 =	simm.s32 $0xFFFFFFFF;
	p2 =	slt.u32 s8, $0xFFFFF086  }
0x1c: {  	p1 =	slt.u32 s9, $0xF7A;
	s5 =	simm.s32 @!p2 $0x0  }
0x1d: {  	s5 =	simm.s32 @p1 $0x1;
	p0 =	seq.s32 s7, s2  }
0x1e: {  	s7 =	smul.u32 @!p0 $0xF7A, s2;
	p2 =	seq.s32 @!p0 s5, $0x0  }
0x1f: {  	s9 =	smul.u32 $0xF7A, s1;
	s8 =	simm.s32 @!p0 $0x1BF5;
	p2 =	por !p2, p0  }
0x20: {  	[sflag:s8] =	ssyncset.s32 @!p0 $0xFFFFF086;
	s6 =	sadd.s32 @!p0 s3, s7;
	s7 =	simm.s32 @!p0 $0x108  }
0x21: {  	s3 =	sadd.s32 s3, s9;
	s6 =	sadd.s32 @!p0 $0x88, s6;
	s7 =	simm.s32 @p2 $0x1082  }
0x22: {  	[simem:s7], [sflag:s8] =	dma.local @!p0 [hbm:s6], $0xF7A  }
0x23: {  	s9 =	sor.u32 $0xD0000000, s2;
	s6 =	simm.s32 $0x108;
	_ =	swait.ge @!p0 [sflag:s8], $0x0  }
0x24: {  	s3 =	sadd.s32 $0x88, s3;
	s6 =	simm.s32 @!p1 $0x1082;
	[sflag:s4] =	ssyncset.s32 $0xFFFFF086  }
0x25: {  	[simem:s6], [sflag:s4] =	dma.local [hbm:s3], $0xF7A  }
0x26: {  	[smem:$0x3F99] =	sst s1;
	(tag) =	ssettag s2;
	_ =	strace s9  }
0x27: {  	s1 =	sld [smem:$0x3FA9]  }
0x28: {  	s2 =	sld [smem:$0x3FAA]  }
0x29: {  	s4 =	sld [smem:$0x3FAC]  }
0x2a: {  	p0 =	seq.s32 s5, $0x0;
	s5 =	sld [smem:$0x3FAD]  }
0x2b: {  	s6 =	sld [smem:$0x3FAE]  }
0x2c: {  	s7 =	sld [smem:$0x3FAF]  }
0x2d: {  	s3 =	simm.s32 $0x108;
	s8 =	sld [smem:$0x3FB0]  }
0x2e: {  	s3 =	simm.s32 @!p0 $0x1082;
	s9 =	sld [smem:$0x3FB1]  }
0x2f: {  	lr =	sadd.s32 s0, s3;
	s0 =	sld [smem:$0x3FA8]  }
0x30: {  	s3 =	sld [smem:$0x3FAB]  }
0x31: {  	[smem:$0x3FB4] =	sst s10  }
0x32: {  	s10 =	sld [smem:$0x3FB2];
	_ =	sdelay $0x3  }
0x33: {  	p0 =	seq.s32 s10, $0x1;
	s10 =	sld [smem:$0x3FB4];
	_ =	sdelay $0x3  }
0x34: {  	[smem:$0x3FB4] =	sst s10  }
0x35: {  	s10 =	sld [smem:$0x3FB3];
	_ =	sdelay $0x3  }
0x36: {  	p1 =	seq.s32 s10, $0x1;
	s10 =	sld [smem:$0x3FB4];
	_ =	sdelay $0x3  }
0x37: {  	[smem:$0x3FB4] =	sst s10  }
0x38: {  	s10 =	sld [smem:$0x3FB5]  }
0x39: {  	_ = 	snop;
	(pc) =	sbr.ind lr, $3  }
0x3a: {  	_ = 	snop  }
0x3b: {  	_ = 	snop  }
0x3c: {  	p2 =	seq.s32 s10, $0x1;
	s10 =	sld [smem:$0x3FB4]  }
0x3d: {  	_ =	shalt  }
0x3e: {  	_ =	shalt  }
0x3f: {  	_ =	shalt  }
0x40: {  	_ =	shalt  }
0x41: {  	_ =	shalt  }
0x42: {  	_ =	shalt  }
0x43: {  	_ =	shalt  }
0x44: {  	_ =	shalt  }
0x45: {  	_ =	shalt  }
0x46: {  	_ =	shalt  }
0x47: {  	_ =	shalt  }
0x48: {  	_ =	shalt  }
0x49: {  	_ =	shalt  }
0x4a: {  	_ =	shalt  }
0x4b: {  	_ =	shalt  }
0x4c: {  	_ =	shalt  }
0x4d: {  	_ =	shalt  }
0x4e: {  	_ =	shalt  }
0x4f: {  	_ =	shalt  }
0x50: {  	_ =	shalt  }
0x51: {  	_ =	shalt  }
0x52: {  	_ =	shalt  }
0x53: {  	_ =	shalt  }
0x54: {  	_ =	shalt  }
0x55: {  	_ =	shalt  }
0x56: {  	_ =	shalt  }
0x57: {  	_ =	shalt  }
0x58: {  	_ =	shalt  }
0x59: {  	_ =	shalt  }
0x5a: {  	_ =	shalt  }
0x5b: {  	_ =	shalt  }
0x5c: {  	_ =	shalt  }
0x5d: {  	_ =	shalt  }
0x5e: {  	_ =	shalt  }
0x5f: {  	_ =	shalt  }
0x60: {  	_ =	shalt  }
0x61: {  	_ =	shalt  }
0x62: {  	_ =	shalt  }
0x63: {  	_ =	shalt  }
0x64: {  	_ =	shalt  }
0x65: {  	_ =	shalt  }
0x66: {  	_ =	shalt  }
0x67: {  	_ =	shalt  }
0x68: {  	_ =	shalt  }
0x69: {  	_ =	shalt  }
0x6a: {  	_ =	shalt  }
0x6b: {  	_ =	shalt  }
0x6c: {  	_ =	shalt  }
0x6d: {  	_ =	shalt  }
0x6e: {  	_ =	shalt  }
0x6f: {  	_ =	shalt  }
0x70: {  	_ =	shalt  }
0x71: {  	_ =	shalt  }
0x72: {  	_ =	shalt  }
0x73: {  	_ =	shalt  }
0x74: {  	_ =	shalt  }
0x75: {  	_ =	shalt  }
0x76: {  	_ =	shalt  }
0x77: {  	_ =	shalt  }
0x78: {  	_ =	shalt  }
0x79: {  	_ =	shalt  }
0x7a: {  	_ =	shalt  }
0x7b: {  	_ =	shalt  }
0x7c: {  	_ =	shalt  }
0x7d: {  	_ =	shalt  }
0x7e: {  	_ =	shalt  }
0x7f: {  	_ =	shalt  }
0x80: {  	_ =	shalt  }
0x81: {  	_ =	shalt  }
0x82: {  	_ =	shalt  }
0x83: {  	_ =	shalt  }
0x84: {  	_ =	shalt  }
0x85: {  	_ =	shalt  }
0x86: {  	_ =	shalt  }
0x87: {  	_ =	shalt  }
.Lfunc_end0:
.L_simem_size_0:
called_computation_lowered:
.L_overlay_start_0:
0x88: {  	s2 =	sld [smem:$0x3FD9]  }
0x89: {  	s3 =	sld [smem:$0x3FFE];
	_ =	sdelay $0x1  }
0x8a: {  	s1 =	srdreg.scid  }
0x8b: {  	s0 =	sand.u32 $0x1, s1  }
0x8c: {  	s16 =	sshll.u32 s0, $0xA;
	s2 =	sadd.s32 s3, s2  }
0x8d: {  	s2 =	sadd.s32 s2, s16  }
0x8e: {  	[smem:$0x3FC0] =	sst s2  }
0x8f: {  	_ = 	snop  }
0x90: {  	(tm) =	ssettm $0x1  }
0x91: {  	s17 =	sld [smem:$0x3FFB];
	_ =	sdelay $0x3  }
0x92: {  	_ =	strace s17  }
0x93: {  	s2 =	sld [smem:$0x3FFC];
	_ =	sdelay $0x3  }
0x94: {  	_ =	strace s2  }
0x95: {  	s2 =	sld [smem:$0x3FFD];
	_ =	sdelay $0x3  }
0x96: {  	_ =	strace s2  }
0x97: {  	_ =	strace $0x8FFFFFFF  }
0x98: {  	s18 =	sld [smem:$0x3FDB];
	_ =	sdelay $0x1  }
0x99: {  	s19 =	simm.s32 $_scs_section_size  }
0x9a: {  	s4 =	simm.s32 $_size__tile_overlayer_lowered;
	s5 =	simm.s32 $_tile_overlayer_lowered  }
0x9b: {  	s22 =	simm.s32 $0x1BFF;
	s21 =	sshll.u32 s5, $0x1;
	s2 =	sadd.s32 s19, s18  }
0x9c: {  	s6 =	simm.s32 $0x0;
	s20 =	sshll.u32 s4, $0x1;
	s4 =	sadd.s32 s21, s2  }
0x9d: {  	[timem:s6], [sflag:s22] =	dma.local [hbm:s4], s20  }
0x9e: {  	_ =	swait.ge [sflag:s22], s20  }
0x9f: {  	s3 =	ssub.s32 $0x0, s20;
	[sflag:s22] =	ssyncset.done $0x0  }
0xa0: {  	[sflag:s22] =	ssyncadd.s32 s3;
	_ =	sdelay $0x1  }
0xa1: {  	s23 =	simm.s32 $0x1B8B  }
0xa2: {  	_ =	swait.ge [sflag:s23], $0x1  }
0xa3: {  	[sflag:s23] =	ssyncset.done $0x0  }
0xa4: {  	s25 =	simm.s32 $0x1B8E;
	s24 =	sld [smem:$0x3FFE];
	[sflag:s23] =	ssyncadd.s32 $0xFFFFFFFF  }
0xa5: {  	s26 =	simm.s32 $execute0_lowered;
	[smem:$0x3FD2] =	sst s25  }
0xa6: {  	s4 =	sshll.u32 s26, $0x1;
	_ =	strace $0x80000046;
	[dreg:$0x1] =	wrdreg $0xFFFFFFFF  }
0xa7: {  	s28 =	simm.s32 $_size_execute0_lowered;
	s2 =	sadd.s32 s2, s4;
	[dreg:$0x0] =	wrdreg $0x0  }
0xa8: {  	s4 =	sshll.u32 s28, $0x1;
	[dreg:$0x2] =	wrdreg s2  }
0xa9: {  	[dreg:$0x3] =	wrdreg s4  }
0xaa: {  	[dreg:$0x4] =	wrdreg $0xC0  }
0xab: {  	_ =	task [dreg:s6], $0x5FFFF  }
0xac: {  	[dreg:$0x1] =	wrdreg $0xFFFFFFFF  }
0xad: {  	[dreg:$0x0] =	wrdreg $0x60  }
0xae: {  	[dreg:$0x2] =	wrdreg s24  }
0xaf: {  	[dreg:$0x3] =	wrdreg $0xA3000  }
0xb0: {  	[dreg:$0x4] =	wrdreg $0x143000  }
0xb1: {  	[dreg:$0x5] =	wrdreg $0x9  }
0xb2: {  	_ =	task.clear_ibuf [dreg:s6], $0x6FFFF;
	_ =	strace $0x90000046  }
0xb3: {  	s29 =	simm.s32 $0x9;
	_ =	strace $0x80000048  }
0xb4: {  	_ =	swait.ge [sflag:s29], $0x1  }
0xb5: {  	[sflag:s29] =	ssyncadd.s32 $0xFFFFFFFF  }
0xb6: {  	_ =	strace $0x90000048  }
0xb7: {  	_ =	sfence  }
0xb8: {  	s30 =	sld [smem:$0x0];
	_ =	sdelay $0x2  }
0xb9: {  	s31 =	sshll.u32 s1, $0xD;
	s1 =	sshrl.u32 s1, $0x2  }
0xba: {  	s3 =	sand.u32 $0x4000, s31;
	s1 =	sadd.s32 s1, s30  }
0xbb: {  	s0 =	sor.u32 s3, s0;
	s1 =	sshll.u32 s1, $0x11  }
0xbc: {  	s0 =	sor.u32 s1, s0  }
0xbd: {  	s0 =	sadd.s32 $0x8F2B, s0  }
0xbe: {  	[sflag:s0] =	ssyncadd.remote.s32 $0x1  }
0xbf: {  	_ =	sfence.sel $0xFFFF  }
0xc0: {  	[dreg:$0x0] =	wrdreg $0xFFFFFFFF;
	(pc) =	sbr.abs _section_cstart, $3  }
0xc1: {  	[dreg:$0x1] =	wrdreg $0xFFFFFFFF  }
0xc2: {  	_ =	task.clear_ibuf [dreg:s6], $0x2FFFF;
	_ =	strace $0x9FFFFFFF  }
0xc3: {  	(tm) =	ssettm $0x7FFFFFFF  }
tec
execute0_lowered:
.L_overlay_start_1:
0x0: {  	(tag) =	ssettag $0x1  }
0x1: {  	s0 =	rddreg [dreg:$0x0];
	s11 =	stileid.u32  }
0x2: {  	s2 =	rddreg [dreg:$0x1];
	s4 =	smul.u32 $0xA00, s11  }
0x3: {  	s1 =	srdreg.scid;
	s19 =	smul.u32 $0x280, s11  }
0x4: {  	s3 =	rddreg [dreg:$0x2];
	s9 =	smul.u32 $0x28000, s11  }
0x5: {  	s6 =	simm.s32 $0x0;
	s1 =	sand.u32 $0x1, s1;
	s11 =	smul.u32 $0xA000, s11  }
0x6: {  	[smem:$0x7FF] =	sst s6;
	s6 =	simm.s32 $0x7;
	s5 =	smul.u32 $0x14000, s1  }
0x7: {  	_ =	strace $0x80000047;
	s8 =	ssub.s32 $0x2, s1;
	p0 =	sne.s32 s1, $0x0  }
0x8: {  	s4 =	sadd.s32 s4, s0;
	s7 =	sshrl.u32 s19, $0x3;
	s20 =	sshrl.u32 s8, $0x1  }
0x9: {  	s22 =	sshrl.u32 s9, $0x2;
	s9 =	sadd.s32 s19, s3;
	s24 =	sshrl.u32 s11, $0x3  }
0xa: {  	s25 =	sadd.s32 $0x2000, s11;
	s26 =	sadd.s32 s11, s2;
	s13 =	sadd.s32 $0x4000, s11  }
0xb: {  	s15 =	sadd.s32 $0x6000, s11;
	s11 =	sadd.s32 $0x8000, s11;
	s5 =	sadd.s32 s5, s0  }
0xc: {  	s0 =	sadd.s32 s7, s0;
	s10 =	ssub.s32 s8, s20;
	s21 =	sadd.s32 $0x2A00, s4  }
0xd: {  	s4 =	sadd.s32 $0xCA00, s4;
	s8 =	sadd.s32 s22, s2;
	[dreg:$0x4] =	wrdreg s21  }
0xe: {  	s12 =	sshrl.u32 s25, $0x3;
	[dreg:$0x5] =	wrdreg s4;
	s0 =	sadd.s32 $0x3EA00, s0  }
0xf: {  	s14 =	sshrl.u32 s13, $0x3;
	s10 =	smax.u32 s10, $0x1;
	[dreg:$0x6] =	wrdreg s0  }
0x10: {  	s13 =	sadd.s32 s13, s2;
	s28 =	sadd.s32 $0x2000, s8;
	[dreg:$0x7] =	wrdreg s10  }
0x11: {  	s17 =	sshrl.u32 s11, $0x3;
	s29 =	sadd.s32 $0x4000, s8;
	[dreg:$0x8] =	wrdreg s28  }
0x12: {  	s11 =	sadd.s32 s11, s2;
	s30 =	sadd.s32 $0x6000, s8;
	[dreg:$0x9] =	wrdreg s29  }
0x13: {  	s7 =	sadd.s32 $0x16A00, s5;
	s20 =	sadd.s32 $0x8000, s8;
	[dreg:$0xa] =	wrdreg s30  }
0x14: {  	s23 =	sadd.s32 $0x3F000, s5;
	s21 =	sshrl.u32 s26, $0x3;
	[dreg:$0x10] =	wrdreg s20  }
0x15: {  	s5 =	sadd.s32 s25, s2;
	s25 =	sshrl.u32 s11, $0x3;
	[dreg:$0x11] =	wrdreg s21  }
0x16: {  	s16 =	sshrl.u32 s15, $0x3;
	s26 =	sadd.s32 $0x40, s9;
	[dreg:$0x15] =	wrdreg s25  }
0x17: {  	s15 =	sadd.s32 s15, s2;
	s10 =	sadd.s32 s24, s23;
	[dreg:$0x16] =	wrdreg s26  }
0x18: {  	s31 =	sadd.s32 $0x140, s9;
	s12 =	sadd.s32 s12, s23;
	[dreg:$0xb] =	wrdreg s10  }
0x19: {  	s1 =	sadd.s32 $0x180, s9;
	s18 =	sadd.s32 s14, s23;
	[dreg:$0xc] =	wrdreg s12  }
0x1a: {  	s4 =	sadd.s32 $0x200, s9;
	s19 =	sadd.s32 s16, s23;
	[dreg:$0xd] =	wrdreg s18  }
0x1b: {  	s11 =	simm.s32 $0x16580;
	s0 =	sadd.s32 s17, s23;
	[dreg:$0xe] =	wrdreg s19  }
0x1c: {  	s22 =	sshrl.u32 s5, $0x3;
	s23 =	sshrl.u32 s13, $0x3;
	[dreg:$0xf] =	wrdreg s0  }
0x1d: {  	s24 =	sshrl.u32 s15, $0x3;
	s28 =	sadd.s32 $0x80, s9;
	[dreg:$0x12] =	wrdreg s22  }
0x1e: {  	s29 =	sadd.s32 $0xC0, s9;
	s30 =	sadd.s32 $0x100, s9;
	[dreg:$0x13] =	wrdreg s23  }
0x1f: {  	s5 =	sadd.s32 $0x240, s9;
	s13 =	simm.s32 $0x1A580;
	[dreg:$0x14] =	wrdreg s24  }
0x20: {  	s14 =	simm.s32 $0x1C580;
	s15 =	simm.s32 $0x14580;
	[dreg:$0x17] =	wrdreg s28  }
0x21: {  	s16 =	simm.s32 $0x1;
	s17 =	simm.s32 $0x2;
	[dreg:$0x18] =	wrdreg s29  }
0x22: {  	s20 =	simm.s32 $0x5;
	s21 =	simm.s32 $0x6;
	[dreg:$0x19] =	wrdreg s30  }
0x23: {  	s0 =	sadd.s32 $0x1C0, s9;
	s10 =	simm.s32 $0x80;
	s12 =	simm.s32 $0x18580  }
0x24: {  	v0 =	vimm.f32 $0.0e+00;
	v1 =	vimm.f32 $1.000000000e+00;
	s18 =	simm.s32 $0x3;
	s19 =	simm.s32 $0x4;
	s22 =	simm.s32 $0x0  }
.LBB2_1:
0x25: {  	s23 =	simm.s32 $0x0;
	s24 =	rddreg [dreg:$0x4]  }
0x26: {  	[tilespmem:s23], [sflag:$0x7] =	stream.linear.gather [hbm4b:s24+s23], $0x5000, $0x38;
	[tilespmem:$0x1E580] =	vst v63  }
0x27: {  	_ =	swait.ge [sflag:s6], $0x5000  }
0x28: {  	[sflag:s6] =	ssyncset.done $0x0  }
0x29: {  	s25 =	simm.s32 $0x5000;
	s26 =	rddreg [dreg:$0x5];
	[sflag:s6] =	ssyncadd.s32 $0xFFFFB000  }
0x2a: {  	[tilespmem:s25], [sflag:$0x7] =	stream.linear.gather [hbm4b:s26+s23], $0x5000, $0x38;
	[tilespmem:$0x1E580] =	vst v63  }
0x2b: {  	_ =	swait.ge [sflag:s6], $0x5000  }
0x2c: {  	[sflag:s6] =	ssyncset.done $0x0  }
0x2d: {  	[sflag:s6] =	ssyncadd.s32 $0xFFFFB000  }
0x2e: {  	[tilespmem:s11], [sflag:$0x2] =	stream.indirect.gather [hbm4b:s7+s10], $0x40, s10, s10, $0xb8;
	[tilespmem:$0x1E580] =	vst v63  }
0x2f: {  	s28 =	simm.s32 $0x100  }
0x30: {  	[tilespmem:s12], [sflag:$0x3] =	stream.indirect.gather [hbm4b:s7+s10], $0x40, s28, s10, $0xb8;
	[tilespmem:$0x1E580] =	vst v63  }
0x31: {  	s29 =	simm.s32 $0x180  }
0x32: {  	[tilespmem:s13], [sflag:$0x4] =	stream.indirect.gather [hbm4b:s7+s10], $0x40, s29, s10, $0xb8;
	[tilespmem:$0x1E580] =	vst v63  }
0x33: {  	s30 =	simm.s32 $0x200;
	s24 =	simm.s32 $0x100;
	s23 =	simm.s32 $0x0  }
0x34: {  	[tilespmem:s14], [sflag:$0x5] =	stream.indirect.gather [hbm4b:s7+s10], $0x40, s30, s10, $0xb8;
	[tilespmem:$0x1E580] =	vst v63  }
.LBB2_2:
0x35: {  	p1 =	sne.s32 s24, $0x7F00;
	[tilespmem:s23+$0x145B0] =	vst v0;
	s25 =	smov.u32 s24;
	s24 =	sadd.s32 $0x100, s24  }
.Ltmp0:
0x36: {  	[tilespmem:s23+$0x145A0] =	vst v0;
	(pc) =	sbr.rel @p1 .LBB2_2-.Ltmp0, $3  }
0x37: {  	[tilespmem:s23+$0x14580] =	vst v0  }
0x38: {  	[tilespmem:s23+$0x14590] =	vst v0;
	_ =	sdelay $0x1  }
0x39: {  	s23 =	sshra.s32 s25, $0x2  }
0x3a: {  	[tilespmem:s23+$0x145B0] =	vst v0  }
0x3b: {  	[tilespmem:s23+$0x145A0] =	vst v0  }
0x3c: {  	[tilespmem:s23+$0x14580] =	vst v0  }
0x3d: {  	[tilespmem:s23+$0x14590] =	vst v0  }
0x3e: {  	[tilespmem:$0xA000] =	vst v1  }
0x3f: {  	[tilespmem:$0xA010] =	vst v1  }
0x40: {  	[tilespmem:$0xA020] =	vst v1  }
0x41: {  	[tilespmem:$0xA030] =	vst v1  }
0x42: {  	[tilespmem:$0xA040] =	vst v1  }
0x43: {  	[tilespmem:$0xA050] =	vst v1  }
0x44: {  	[tilespmem:$0xA060] =	vst v1  }
0x45: {  	[tilespmem:$0xA070] =	vst v1  }
0x46: {  	[spmem:s8] =	stream.linear.scatter [tilespmem:s15], [sflag:$0x7], $0x2000, $0x38;
	[tilespmem:$0x1E580] =	vst v63  }
0x47: {  	_ =	swait.ge [sflag:s6], $0x2000  }
0x48: {  	[sflag:s6] =	ssyncset.done $0x0  }
0x49: {  	s30 =	rddreg [dreg:$0x8];
	[sflag:s6] =	ssyncadd.s32 $0xFFFFE000  }
0x4a: {  	[spmem:s30] =	stream.linear.scatter [tilespmem:s15], [sflag:$0x7], $0x2000, $0x38;
	[tilespmem:$0x1E580] =	vst v63  }
0x4b: {  	_ =	swait.ge [sflag:s6], $0x2000  }
0x4c: {  	[sflag:s6] =	ssyncset.done $0x0  }
0x4d: {  	s24 =	rddreg [dreg:$0x9];
	[sflag:s6] =	ssyncadd.s32 $0xFFFFE000  }
0x4e: {  	[spmem:s24] =	stream.linear.scatter [tilespmem:s15], [sflag:$0x7], $0x2000, $0x38;
	[tilespmem:$0x1E580] =	vst v63  }
0x4f: {  	_ =	swait.ge [sflag:s6], $0x2000  }
0x50: {  	[sflag:s6] =	ssyncset.done $0x0  }
0x51: {  	s25 =	rddreg [dreg:$0xa];
	[sflag:s6] =	ssyncadd.s32 $0xFFFFE000  }
0x52: {  	[spmem:s25] =	stream.linear.scatter [tilespmem:s15], [sflag:$0x7], $0x2000, $0x38;
	[tilespmem:$0x1E580] =	vst v63  }
0x53: {  	_ =	swait.ge [sflag:s6], $0x2000  }
0x54: {  	[sflag:s6] =	ssyncset.done $0x0  }
0x55: {  	s26 =	rddreg [dreg:$0x10];
	[sflag:s6] =	ssyncadd.s32 $0xFFFFE000  }
0x56: {  	[spmem:s26] =	stream.linear.scatter [tilespmem:s15], [sflag:$0x7], $0x2000, $0x38;
	[tilespmem:$0x1E580] =	vst v63  }
0x57: {  	_ =	swait.ge [sflag:s6], $0x2000  }
0x58: {  	[sflag:s6] =	ssyncset.done $0x0  }
0x59: {  	[sflag:s6] =	ssyncadd.s32 $0xFFFFE000  }
0x5a: {  	[spmem:s9] =	stream.linear.scatter [tilespmem:s15], [sflag:$0x7], $0x40, $0x38;
	[tilespmem:$0x1E580] =	vst v63  }
0x5b: {  	_ =	swait.ge [sflag:s6], $0x40  }
0x5c: {  	[sflag:s6] =	ssyncset.done $0x0  }
0x5d: {  	s28 =	rddreg [dreg:$0x16];
	[sflag:s6] =	ssyncadd.s32 $0xFFFFFFC0  }
0x5e: {  	[spmem:s28] =	stream.linear.scatter [tilespmem:s15], [sflag:$0x7], $0x40, $0x38;
	[tilespmem:$0x1E580] =	vst v63  }
0x5f: {  	_ =	swait.ge [sflag:s6], $0x40  }
0x60: {  	[sflag:s6] =	ssyncset.done $0x0  }
0x61: {  	s29 =	rddreg [dreg:$0x17];
	[sflag:s6] =	ssyncadd.s32 $0xFFFFFFC0  }
0x62: {  	[spmem:s29] =	stream.linear.scatter [tilespmem:s15], [sflag:$0x7], $0x40, $0x38;
	[tilespmem:$0x1E580] =	vst v63  }
0x63: {  	_ =	swait.ge [sflag:s6], $0x40  }
0x64: {  	[sflag:s6] =	ssyncset.done $0x0  }
0x65: {  	s30 =	rddreg [dreg:$0x18];
	[sflag:s6] =	ssyncadd.s32 $0xFFFFFFC0  }
0x66: {  	[spmem:s30] =	stream.linear.scatter [tilespmem:s15], [sflag:$0x7], $0x40, $0x38;
	[tilespmem:$0x1E580] =	vst v63  }
0x67: {  	_ =	swait.ge [sflag:s6], $0x40  }
0x68: {  	[sflag:s6] =	ssyncset.done $0x0  }
0x69: {  	s24 =	rddreg [dreg:$0x19];
	[sflag:s6] =	ssyncadd.s32 $0xFFFFFFC0  }
0x6a: {  	[spmem:s24] =	stream.linear.scatter [tilespmem:s15], [sflag:$0x7], $0x40, $0x38;
	[tilespmem:$0x1E580] =	vst v63  }
0x6b: {  	_ =	swait.ge [sflag:s6], $0x40  }
0x6c: {  	[sflag:s6] =	ssyncset.done $0x0  }
0x6d: {  	[sflag:s6] =	ssyncadd.s32 $0xFFFFFFC0  }
0x6e: {  	[spmem:s31] =	stream.linear.scatter [tilespmem:s15], [sflag:$0x7], $0x40, $0x38;
	[tilespmem:$0x1E580] =	vst v63  }
0x6f: {  	_ =	swait.ge [sflag:s6], $0x40  }
0x70: {  	[sflag:s6] =	ssyncset.done $0x0  }
0x71: {  	[sflag:s6] =	ssyncadd.s32 $0xFFFFFFC0  }
0x72: {  	[spmem:s1] =	stream.linear.scatter [tilespmem:s15], [sflag:$0x7], $0x40, $0x38;
	[tilespmem:$0x1E580] =	vst v63  }
0x73: {  	_ =	swait.ge [sflag:s6], $0x40  }
0x74: {  	[sflag:s6] =	ssyncset.done $0x0  }
0x75: {  	[sflag:s6] =	ssyncadd.s32 $0xFFFFFFC0  }
0x76: {  	[spmem:s0] =	stream.linear.scatter [tilespmem:s15], [sflag:$0x7], $0x40, $0x38;
	[tilespmem:$0x1E580] =	vst v63  }
0x77: {  	_ =	swait.ge [sflag:s6], $0x40  }
0x78: {  	[sflag:s6] =	ssyncset.done $0x0  }
0x79: {  	[sflag:s6] =	ssyncadd.s32 $0xFFFFFFC0  }
0x7a: {  	[spmem:s4] =	stream.linear.scatter [tilespmem:s15], [sflag:$0x7], $0x40, $0x38;
	[tilespmem:$0x1E580] =	vst v63  }
0x7b: {  	_ =	swait.ge [sflag:s6], $0x40  }
0x7c: {  	[sflag:s6] =	ssyncset.done $0x0  }
0x7d: {  	[sflag:s6] =	ssyncadd.s32 $0xFFFFFFC0  }
0x7e: {  	[spmem:s5] =	stream.linear.scatter [tilespmem:s15], [sflag:$0x7], $0x40, $0x38;
	[tilespmem:$0x1E580] =	vst v63  }
0x7f: {  	_ =	swait.ge [sflag:s6], $0x40  }
0x80: {  	[sflag:s6] =	ssyncset.done $0x0  }
0x81: {  	[sflag:s6] =	ssyncadd.s32 $0xFFFFFFC0  }
0x82: {  	s25 =	simm.s32 $0x0;
	[bflag:$0x0] =	sbarrier.arrive $0xFFFF  }
0x83: {  	[tilespmem:s15], [sflag:$0x1] =	stream.indirect.gather [hbm4b:s7+s10], $0x40, s25, s10, $0xb8;
	[tilespmem:$0x1E580] =	vst v63  }
0x84: {  	_ =	swait.ge [sflag:s16], $0x2000  }
0x85: {  	[sflag:s16] =	ssyncset.done $0x0  }
0x86: {  	s25 =	simm.s32 $0x5000;
	[sflag:s16] =	ssyncadd.s32 $0xFFFFE000  }
0x87: {  	[spmem:s2] =	stream.indirect.scatter.add.f32 [tilespmem:s15], [sflag:$0x7], $0x40, s25, s10, $0xb8;
	[tilespmem:$0x1E580] =	vst v63  }
0x88: {  	_ =	swait.ge [sflag:s6], $0x2000  }
0x89: {  	[sflag:s6] =	ssyncset.done $0x0  }
0x8a: {  	s23 =	simm.s32 @!p0 $0x80;
	s24 =	simm.s32 @!p0 $0xA000;
	[sflag:s6] =	ssyncadd.s32 $0xFFFFE000  }
0x8b: {  	[spmem:s3] =	stream.indirect.scatter.add.f32 @!p0 [tilespmem:s24], [sflag:$0x6], $0x1, s25, s23, $0xb8;
	[tilespmem:$0x1E580] =	vst v63  }
0x8c: {  	s26 =	simm.s32 $0x280  }
0x8d: {  	[tilespmem:s15], [sflag:$0x1] =	stream.indirect.gather [hbm4b:s7+s10], $0x40, s26, s10, $0xb8;
	[tilespmem:$0x1E580] =	vst v63  }
0x8e: {  	_ =	swait.ge [sflag:s17], $0x2000  }
0x8f: {  	[sflag:s17] =	ssyncset.done $0x0  }
0x90: {  	s25 =	simm.s32 $0x5080;
	[sflag:s17] =	ssyncadd.s32 $0xFFFFE000  }
0x91: {  	[spmem:s2] =	stream.indirect.scatter.add.f32 [tilespmem:s11], [sflag:$0x7], $0x40, s25, s10, $0xb8;
	[tilespmem:$0x1E580] =	vst v63  }
0x92: {  	_ =	swait.ge [sflag:s6], $0x2000  }
0x93: {  	[sflag:s6] =	ssyncset.done $0x0  }
0x94: {  	[sflag:s6] =	ssyncadd.s32 $0xFFFFE000  }
0x95: {  	[spmem:s3] =	stream.indirect.scatter.add.f32 @!p0 [tilespmem:s24], [sflag:$0x6], $0x1, s25, s23, $0xb8;
	[tilespmem:$0x1E580] =	vst v63  }
0x96: {  	s28 =	simm.s32 $0x300  }
0x97: {  	[tilespmem:s11], [sflag:$0x2] =	stream.indirect.gather [hbm4b:s7+s10], $0x40, s28, s10, $0xb8;
	[tilespmem:$0x1E580] =	vst v63  }
0x98: {  	_ =	swait.ge [sflag:s18], $0x2000  }
0x99: {  	[sflag:s18] =	ssyncset.done $0x0  }
0x9a: {  	s25 =	simm.s32 $0x5100;
	[sflag:s18] =	ssyncadd.s32 $0xFFFFE000  }
0x9b: {  	[spmem:s2] =	stream.indirect.scatter.add.f32 [tilespmem:s12], [sflag:$0x7], $0x40, s25, s10, $0xb8;
	[tilespmem:$0x1E580] =	vst v63  }
0x9c: {  	_ =	swait.ge [sflag:s6], $0x2000  }
0x9d: {  	[sflag:s6] =	ssyncset.done $0x0  }
0x9e: {  	[sflag:s6] =	ssyncadd.s32 $0xFFFFE000  }
0x9f: {  	[spmem:s3] =	stream.indirect.scatter.add.f32 @!p0 [tilespmem:s24], [sflag:$0x6], $0x1, s25, s23, $0xb8;
	[tilespmem:$0x1E580] =	vst v63  }
0xa0: {  	s29 =	simm.s32 $0x380  }
0xa1: {  	[tilespmem:s12], [sflag:$0x3] =	stream.indirect.gather [hbm4b:s7+s10], $0x40, s29, s10, $0xb8;
	[tilespmem:$0x1E580] =	vst v63  }
0xa2: {  	_ =	swait.ge [sflag:s19], $0x2000  }
0xa3: {  	[sflag:s19] =	ssyncset.done $0x0  }
0xa4: {  	s25 =	simm.s32 $0x5180;
	[sflag:s19] =	ssyncadd.s32 $0xFFFFE000  }
0xa5: {  	[spmem:s2] =	stream.indirect.scatter.add.f32 [tilespmem:s13], [sflag:$0x7], $0x40, s25, s10, $0xb8;
	[tilespmem:$0x1E580] =	vst v63  }
0xa6: {  	_ =	swait.ge [sflag:s6], $0x2000  }
0xa7: {  	[sflag:s6] =	ssyncset.done $0x0  }
0xa8: {  	[sflag:s6] =	ssyncadd.s32 $0xFFFFE000  }
0xa9: {  	[spmem:s3] =	stream.indirect.scatter.add.f32 @!p0 [tilespmem:s24], [sflag:$0x6], $0x1, s25, s23, $0xb8;
	[tilespmem:$0x1E580] =	vst v63  }
0xaa: {  	s30 =	simm.s32 $0x400  }
0xab: {  	[tilespmem:s13], [sflag:$0x4] =	stream.indirect.gather [hbm4b:s7+s10], $0x40, s30, s10, $0xb8;
	[tilespmem:$0x1E580] =	vst v63  }
0xac: {  	_ =	swait.ge [sflag:s20], $0x2000  }
0xad: {  	[sflag:s20] =	ssyncset.done $0x0  }
0xae: {  	s25 =	simm.s32 $0x5200;
	[sflag:s20] =	ssyncadd.s32 $0xFFFFE000  }
0xaf: {  	[spmem:s2] =	stream.indirect.scatter.add.f32 [tilespmem:s14], [sflag:$0x7], $0x40, s25, s10, $0xb8;
	[tilespmem:$0x1E580] =	vst v63  }
0xb0: {  	_ =	swait.ge [sflag:s6], $0x2000  }
0xb1: {  	[sflag:s6] =	ssyncset.done $0x0  }
0xb2: {  	[sflag:s6] =	ssyncadd.s32 $0xFFFFE000  }
0xb3: {  	[spmem:s3] =	stream.indirect.scatter.add.f32 @!p0 [tilespmem:s24], [sflag:$0x6], $0x1, s25, s23, $0xb8;
	[tilespmem:$0x1E580] =	vst v63  }
0xb4: {  	s26 =	simm.s32 $0x480;
	s25 =	simm.s32 $0xA00  }
.LBB2_4:
0xb5: {  	[tilespmem:s14], [sflag:$0x5] =	stream.indirect.gather [hbm4b:s7+s10], $0x40, s26, s10, $0xb8;
	[tilespmem:$0x1E580] =	vst v63  }
0xb6: {  	s26 =	smov.u32 s25;
	s25 =	sadd.s32 $0xA00, s25;
	_ =	swait.ge [sflag:s16], $0x2000  }
0xb7: {  	s26 =	sshra.s32 s26, $0x2;
	p1 =	sne.s32 s25, $0x13600;
	[sflag:s16] =	ssyncset.done $0x0  }
0xb8: {  	s28 =	sadd.s32 $0x5000, s26;
	[sflag:s16] =	ssyncadd.s32 $0xFFFFE000  }
0xb9: {  	[spmem:s2] =	stream.indirect.scatter.add.f32 [tilespmem:s15], [sflag:$0x7], $0x40, s28, s10, $0xb8;
	[tilespmem:$0x1E580] =	vst v63  }
0xba: {  	_ =	swait.ge [sflag:s6], $0x2000  }
0xbb: {  	[sflag:s6] =	ssyncset.done $0x0  }
0xbc: {  	[sflag:s6] =	ssyncadd.s32 $0xFFFFE000  }
0xbd: {  	[spmem:s3] =	stream.indirect.scatter.add.f32 @!p0 [tilespmem:s24], [sflag:$0x6], $0x1, s28, s23, $0xb8;
	[tilespmem:$0x1E580] =	vst v63  }
0xbe: {  	s28 =	sadd.s32 $0x280, s26  }
0xbf: {  	[tilespmem:s15], [sflag:$0x1] =	stream.indirect.gather [hbm4b:s7+s10], $0x40, s28, s10, $0xb8;
	[tilespmem:$0x1E580] =	vst v63  }
0xc0: {  	_ =	swait.ge [sflag:s17], $0x2000  }
0xc1: {  	[sflag:s17] =	ssyncset.done $0x0  }
0xc2: {  	s28 =	sadd.s32 $0x5080, s26;
	[sflag:s17] =	ssyncadd.s32 $0xFFFFE000  }
0xc3: {  	[spmem:s2] =	stream.indirect.scatter.add.f32 [tilespmem:s11], [sflag:$0x7], $0x40, s28, s10, $0xb8;
	[tilespmem:$0x1E580] =	vst v63  }
0xc4: {  	_ =	swait.ge [sflag:s6], $0x2000  }
0xc5: {  	[sflag:s6] =	ssyncset.done $0x0  }
0xc6: {  	[sflag:s6] =	ssyncadd.s32 $0xFFFFE000  }
0xc7: {  	[spmem:s3] =	stream.indirect.scatter.add.f32 @!p0 [tilespmem:s24], [sflag:$0x6], $0x1, s28, s23, $0xb8;
	[tilespmem:$0x1E580] =	vst v63  }
0xc8: {  	s28 =	sadd.s32 $0x300, s26  }
0xc9: {  	[tilespmem:s11], [sflag:$0x2] =	stream.indirect.gather [hbm4b:s7+s10], $0x40, s28, s10, $0xb8;
	[tilespmem:$0x1E580] =	vst v63  }
0xca: {  	_ =	swait.ge [sflag:s18], $0x2000  }
0xcb: {  	[sflag:s18] =	ssyncset.done $0x0  }
0xcc: {  	s28 =	sadd.s32 $0x5100, s26;
	[sflag:s18] =	ssyncadd.s32 $0xFFFFE000  }
0xcd: {  	[spmem:s2] =	stream.indirect.scatter.add.f32 [tilespmem:s12], [sflag:$0x7], $0x40, s28, s10, $0xb8;
	[tilespmem:$0x1E580] =	vst v63  }
0xce: {  	_ =	swait.ge [sflag:s6], $0x2000  }
0xcf: {  	[sflag:s6] =	ssyncset.done $0x0  }
0xd0: {  	[sflag:s6] =	ssyncadd.s32 $0xFFFFE000  }
0xd1: {  	[spmem:s3] =	stream.indirect.scatter.add.f32 @!p0 [tilespmem:s24], [sflag:$0x6], $0x1, s28, s23, $0xb8;
	[tilespmem:$0x1E580] =	vst v63  }
0xd2: {  	s28 =	sadd.s32 $0x380, s26  }
0xd3: {  	[tilespmem:s12], [sflag:$0x3] =	stream.indirect.gather [hbm4b:s7+s10], $0x40, s28, s10, $0xb8;
	[tilespmem:$0x1E580] =	vst v63  }
0xd4: {  	_ =	swait.ge [sflag:s19], $0x2000  }
0xd5: {  	[sflag:s19] =	ssyncset.done $0x0  }
0xd6: {  	s28 =	sadd.s32 $0x5180, s26;
	[sflag:s19] =	ssyncadd.s32 $0xFFFFE000  }
0xd7: {  	[spmem:s2] =	stream.indirect.scatter.add.f32 [tilespmem:s13], [sflag:$0x7], $0x40, s28, s10, $0xb8;
	[tilespmem:$0x1E580] =	vst v63  }
0xd8: {  	_ =	swait.ge [sflag:s6], $0x2000  }
0xd9: {  	[sflag:s6] =	ssyncset.done $0x0  }
0xda: {  	[sflag:s6] =	ssyncadd.s32 $0xFFFFE000  }
0xdb: {  	[spmem:s3] =	stream.indirect.scatter.add.f32 @!p0 [tilespmem:s24], [sflag:$0x6], $0x1, s28, s23, $0xb8;
	[tilespmem:$0x1E580] =	vst v63  }
0xdc: {  	s28 =	sadd.s32 $0x400, s26  }
0xdd: {  	[tilespmem:s13], [sflag:$0x4] =	stream.indirect.gather [hbm4b:s7+s10], $0x40, s28, s10, $0xb8;
	[tilespmem:$0x1E580] =	vst v63  }
0xde: {  	_ =	swait.ge [sflag:s20], $0x2000  }
0xdf: {  	[sflag:s20] =	ssyncset.done $0x0  }
0xe0: {  	s28 =	sadd.s32 $0x5200, s26;
	[sflag:s20] =	ssyncadd.s32 $0xFFFFE000  }
0xe1: {  	[spmem:s2] =	stream.indirect.scatter.add.f32 [tilespmem:s14], [sflag:$0x7], $0x40, s28, s10, $0xb8;
	[tilespmem:$0x1E580] =	vst v63  }
.Ltmp1:
0xe2: {  	_ =	swait.ge [sflag:s6], $0x2000;
	(pc) =	sbr.rel @p1 .LBB2_4-.Ltmp1, $4  }
0xe3: {  	[sflag:s6] =	ssyncset.done $0x0  }
0xe4: {  	[sflag:s6] =	ssyncadd.s32 $0xFFFFE000  }
0xe5: {  	[spmem:s3] =	stream.indirect.scatter.add.f32 @!p0 [tilespmem:s24], [sflag:$0x6], $0x1, s28, s23, $0xb8;
	[tilespmem:$0x1E580] =	vst v63  }
0xe6: {  	s26 =	sadd.s32 $0x480, s26  }
0xe7: {  	[tilespmem:s14], [sflag:$0x5] =	stream.indirect.gather [hbm4b:s7+s10], $0x40, s26, s10, $0xb8;
	[tilespmem:$0x1E580] =	vst v63  }
0xe8: {  	_ =	swait.ge [sflag:s16], $0x2000  }
0xe9: {  	[sflag:s16] =	ssyncset.done $0x0  }
0xea: {  	s25 =	simm.s32 $0x9D80;
	[sflag:s16] =	ssyncadd.s32 $0xFFFFE000  }
0xeb: {  	[spmem:s2] =	stream.indirect.scatter.add.f32 [tilespmem:s15], [sflag:$0x7], $0x40, s25, s10, $0xb8;
	[tilespmem:$0x1E580] =	vst v63  }
0xec: {  	_ =	swait.ge [sflag:s6], $0x2000  }
0xed: {  	[sflag:s6] =	ssyncset.done $0x0  }
0xee: {  	s25 =	simm.s32 @p0 $0x2;
	[sflag:s6] =	ssyncadd.s32 $0xFFFFE000  }
0xef: {  	_ =	swait.ge @p0 [sflag:s25], $0x2000  }
0xf0: {  	s26 =	simm.s32 @p0 $0x9E00;
	[sflag:s25] =	ssyncset.done @p0 $0x0  }
0xf1: {  	s28 =	simm.s32 @p0 $0x16580;
	[sflag:s25] =	ssyncadd.s32 @p0 $0xFFFFE000;
	s25 =	simm.s32 @p0 $0x80  }
0xf2: {  	[spmem:s2] =	stream.indirect.scatter.add.f32 @p0 [tilespmem:s28], [sflag:$0x7], $0x40, s26, s25, $0xb8;
	[tilespmem:$0x1E580] =	vst v63  }
0xf3: {  	s26 =	simm.s32 @p0 $0x7  }
0xf4: {  	_ =	swait.ge @p0 [sflag:s26], $0x2000  }
0xf5: {  	[sflag:s26] =	ssyncset.done @p0 $0x0  }
0xf6: {  	s28 =	simm.s32 @!p0 $0x9D80;
	[sflag:s26] =	ssyncadd.s32 @p0 $0xFFFFE000  }
0xf7: {  	[spmem:s3] =	stream.indirect.scatter.add.f32 @!p0 [tilespmem:s24], [sflag:$0x6], $0x1, s28, s23, $0xb8;
	[tilespmem:$0x1E580] =	vst v63  }
0xf8: {  	s28 =	simm.s32 @!p0 $0x2  }
0xf9: {  	_ =	swait.ge @!p0 [sflag:s28], $0x2000  }
0xfa: {  	[sflag:s28] =	ssyncset.done @!p0 $0x0  }
0xfb: {  	s29 =	simm.s32 @!p0 $0x16580;
	[sflag:s28] =	ssyncadd.s32 @!p0 $0xFFFFE000;
	s28 =	simm.s32 @!p0 $0x9E00  }
0xfc: {  	[spmem:s2] =	stream.indirect.scatter.add.f32 @!p0 [tilespmem:s29], [sflag:$0x7], $0x40, s28, s23, $0xb8;
	[tilespmem:$0x1E580] =	vst v63  }
0xfd: {  	s29 =	simm.s32 @!p0 $0x7  }
0xfe: {  	_ =	swait.ge @!p0 [sflag:s29], $0x2000  }
0xff: {  	[sflag:s29] =	ssyncset.done @!p0 $0x0  }
0x100: {  	[sflag:s29] =	ssyncadd.s32 @!p0 $0xFFFFE000  }
0x101: {  	[spmem:s3] =	stream.indirect.scatter.add.f32 @!p0 [tilespmem:s24], [sflag:$0x6], $0x1, s28, s23, $0xb8;
	[tilespmem:$0x1E580] =	vst v63  }
0x102: {  	_ =	swait.ge [sflag:s18], $0x2000  }
0x103: {  	[sflag:s18] =	ssyncset.done $0x0  }
0x104: {  	s30 =	simm.s32 $0x9E80;
	[sflag:s18] =	ssyncadd.s32 $0xFFFFE000  }
0x105: {  	[spmem:s2] =	stream.indirect.scatter.add.f32 [tilespmem:s12], [sflag:$0x7], $0x40, s30, s10, $0xb8;
	[tilespmem:$0x1E580] =	vst v63  }
0x106: {  	_ =	swait.ge [sflag:s6], $0x2000  }
0x107: {  	[sflag:s6] =	ssyncset.done $0x0  }
0x108: {  	s28 =	simm.s32 @p0 $0x4;
	[sflag:s6] =	ssyncadd.s32 $0xFFFFE000  }
0x109: {  	_ =	swait.ge @p0 [sflag:s28], $0x2000  }
0x10a: {  	[sflag:s28] =	ssyncset.done @p0 $0x0  }
0x10b: {  	s30 =	simm.s32 @p0 $0x1A580;
	[sflag:s28] =	ssyncadd.s32 @p0 $0xFFFFE000;
	s28 =	simm.s32 @p0 $0x9F00  }
0x10c: {  	[spmem:s2] =	stream.indirect.scatter.add.f32 @p0 [tilespmem:s30], [sflag:$0x7], $0x40, s28, s25, $0xb8;
	[tilespmem:$0x1E580] =	vst v63  }
0x10d: {  	_ =	swait.ge @p0 [sflag:s26], $0x2000  }
0x10e: {  	[sflag:s26] =	ssyncset.done @p0 $0x0  }
0x10f: {  	s25 =	simm.s32 @!p0 $0x9E80;
	[sflag:s26] =	ssyncadd.s32 @p0 $0xFFFFE000  }
0x110: {  	[spmem:s3] =	stream.indirect.scatter.add.f32 @!p0 [tilespmem:s24], [sflag:$0x6], $0x1, s25, s23, $0xb8;
	[tilespmem:$0x1E580] =	vst v63  }
0x111: {  	s25 =	simm.s32 @!p0 $0x4  }
0x112: {  	_ =	swait.ge @!p0 [sflag:s25], $0x2000  }
0x113: {  	[sflag:s25] =	ssyncset.done @!p0 $0x0  }
0x114: {  	s26 =	simm.s32 @!p0 $0x1A580;
	[sflag:s25] =	ssyncadd.s32 @!p0 $0xFFFFE000;
	s25 =	simm.s32 @!p0 $0x9F00  }
0x115: {  	[spmem:s2] =	stream.indirect.scatter.add.f32 @!p0 [tilespmem:s26], [sflag:$0x7], $0x40, s25, s23, $0xb8;
	[tilespmem:$0x1E580] =	vst v63  }
0x116: {  	_ =	swait.ge @!p0 [sflag:s29], $0x2000  }
0x117: {  	[sflag:s29] =	ssyncset.done @!p0 $0x0  }
0x118: {  	[sflag:s29] =	ssyncadd.s32 @!p0 $0xFFFFE000  }
0x119: {  	[spmem:s3] =	stream.indirect.scatter.add.f32 @!p0 [tilespmem:s24], [sflag:$0x6], $0x1, s25, s23, $0xb8;
	[tilespmem:$0x1E580] =	vst v63  }
0x11a: {  	_ =	swait.ge [sflag:s20], $0x2000  }
0x11b: {  	[sflag:s20] =	ssyncset.done $0x0  }
.Ltmp2:
0x11c: {  	s30 =	simm.s32 $0x9F80;
	[sflag:s20] =	ssyncadd.s32 $0xFFFFE000;
	(pc) =	sbr.rel @p0 .LBB2_9-.Ltmp2, $4  }
0x11d: {  	[spmem:s2] =	stream.indirect.scatter.add.f32 [tilespmem:s14], [sflag:$0x7], $0x40, s30, s10, $0xb8;
	[tilespmem:$0x1E580] =	vst v63  }
0x11e: {  	_ =	swait.ge [sflag:s6], $0x2000  }
0x11f: {  	[sflag:s6] =	ssyncset.done $0x0  }
0x120: {  	[sflag:s6] =	ssyncadd.s32 $0xFFFFE000  }
0x121: {  	s23 =	simm.s32 $0x9F80;
	s24 =	simm.s32 $0xA000  }
0x122: {  	[spmem:s3] =	stream.indirect.scatter.add.f32 [tilespmem:s24], [sflag:$0x6], $0x1, s23, s10, $0xb8;
	[tilespmem:$0x1E580] =	vst v63  }
0x123: {  	_ =	swait.ge [sflag:s21], $0x80  }
0x124: {  	s23 =	simm.s32 $0x9F;
	[sflag:s21] =	ssyncset.done $0x0  }
.LBB2_7:
0x125: {  	p1 =	sne.s32 s23, $0x1;
	s23 =	sadd.s32 $0xFFFFFFFF, s23;
	[sflag:s21] =	ssyncadd.s32 $0xFFFFFF80  }
.Ltmp3:
0x126: {  	(pc) =	sbr.rel @p1 .LBB2_7-.Ltmp3, $3  }
0x127: {  	_ =	sdelay $0x1  }
0x128: {  	_ =	swait.ge [sflag:s21], $0x80  }
0x129: {  	[sflag:s21] =	ssyncset.done $0x0  }
0x12a: {  	[sflag:s21] =	ssyncadd.s32 $0xFFFFFF80  }
.LBB2_9:
0x12b: {  	[bflag:$0x0] =	sbarrier.arrive $0xFFFF;
	s23 =	simm.s32 $0xA080  }
0x12c: {  	[tilespmem:s23], [sflag:$0x7] =	stream.linear.gather [spmem:s9], $0x280, $0x38;
	[tilespmem:$0x1E580] =	vst v63  }
0x12d: {  	_ =	swait.ge [sflag:s6], $0x280  }
0x12e: {  	[sflag:s6] =	ssyncset.done $0x0  }
0x12f: {  	s24 =	simm.s32 $0x40;
	s23 =	simm.s32 $0x0;
	[sflag:s6] =	ssyncadd.s32 $0xFFFFFD80  }
.LBB2_10:
0x130: {  	p1 =	sne.s32 s24, $0x9C0;
	v2 =	vld [tilespmem:s23+$0xA080];
	_ =	sdelay $0x4  }
0x131: {  	v2 =	vmax.f32 v2, $1.000000000e+00  }
0x132: {  	(erf) = vrcp.f32 v2;
	_ =	sdelay $0x5  }
.Ltmp4:
0x133: {  	(pc) =	sbr.rel @p1 .LBB2_10-.Ltmp4, $3  }
0x134: {  	_ =	sdelay $0x1  }
0x135: {  	v2 =	vpop (erf)  }
0x136: {  	[tilespmem:s23+$0xA080] =	vst v2;
	s23 =	sshra.s32 s24, $0x2;
	s24 =	sadd.s32 $0x40, s24  }
0x137: {  	v2 =	vld [tilespmem:s23+$0xA080];
	_ =	sdelay $0x4  }
0x138: {  	v2 =	vmax.f32 v2, $1.000000000e+00  }
0x139: {  	(erf) = vrcp.f32 v2;
	_ =	sdelay $0x8  }
0x13a: {  	v2 =	vpop (erf)  }
0x13b: {  	s24 =	simm.s32 @!p0 $0xA080;
	s25 =	rddreg [dreg:$0x6];
	[tilespmem:s23+$0xA080] =	vst v2;
	s23 =	simm.s32 @!p0 $0x0  }
0x13c: {  	[hbm4b:s25+s23] =	stream.linear.scatter @!p0 [tilespmem:s24], [sflag:$0x7], $0x280, $0x38;
	[tilespmem:$0x1E580] =	vst v63  }
0x13d: {  	s23 =	simm.s32 @!p0 $0x7  }
0x13e: {  	s28 =	stileid.u32;
	_ =	swait.ge @!p0 [sflag:s23], $0x280  }
0x13f: {  	s24 =	sshll.u32 s28, $0x6;
	[sflag:s23] =	ssyncset.done @!p0 $0x0;
	s30 =	rddreg [dreg:$0xb]  }
0x140: {  	s29 =	sor.u32 $0x1C01, s24;
	s26 =	rddreg [dreg:$0x11];
	[sflag:s23] =	ssyncadd.s32 @!p0 $0xFFFFFD80  }
0x141: {  	[hbm:s30], [sflag:s29] =	dma.local [spmem:s26], $0x400  }
0x142: {  	s25 =	rddreg [dreg:$0xc]  }
0x143: {  	s28 =	sor.u32 $0x1C02, s24;
	s26 =	rddreg [dreg:$0x12]  }
0x144: {  	[hbm:s25], [sflag:s28] =	dma.local [spmem:s26], $0x400  }
0x145: {  	s25 =	rddreg [dreg:$0xd]  }
0x146: {  	s29 =	sor.u32 $0x1C03, s24;
	s26 =	rddreg [dreg:$0x13]  }
0x147: {  	[hbm:s25], [sflag:s29] =	dma.local [spmem:s26], $0x400  }
0x148: {  	s25 =	rddreg [dreg:$0xe]  }
0x149: {  	s30 =	sor.u32 $0x1C04, s24;
	s26 =	rddreg [dreg:$0x14]  }
0x14a: {  	[hbm:s25], [sflag:s30] =	dma.local [spmem:s26], $0x400  }
0x14b: {  	s29 =	rddreg [dreg:$0xf]  }
0x14c: {  	s28 =	sor.u32 $0x1C05, s24;
	s25 =	rddreg [dreg:$0x15]  }
0x14d: {  	[hbm:s29], [sflag:s28] =	dma.local [spmem:s25], $0x400  }
0x14e: {  	_ =	swait.ge [sflag:s16], $0x400  }
0x14f: {  	[sflag:s16] =	ssyncset.done $0x0  }
0x150: {  	[sflag:s16] =	ssyncadd.s32 $0xFFFFFC00  }
0x151: {  	_ =	swait.ge [sflag:s17], $0x400  }
0x152: {  	[sflag:s17] =	ssyncset.done $0x0  }
0x153: {  	[sflag:s17] =	ssyncadd.s32 $0xFFFFFC00  }
0x154: {  	_ =	swait.ge [sflag:s18], $0x400  }
0x155: {  	[sflag:s18] =	ssyncset.done $0x0  }
0x156: {  	[sflag:s18] =	ssyncadd.s32 $0xFFFFFC00  }
0x157: {  	_ =	swait.ge [sflag:s19], $0x400  }
0x158: {  	[sflag:s19] =	ssyncset.done $0x0  }
0x159: {  	[sflag:s19] =	ssyncadd.s32 $0xFFFFFC00  }
0x15a: {  	_ =	swait.ge [sflag:s20], $0x400  }
0x15b: {  	s22 =	sadd.s32 $0x1, s22;
	s30 =	rddreg [dreg:$0x7]  }
0x15c: {  	p1 =	sne.s32 s22, s30  }
.Ltmp5:
0x15d: {  	_ = 	snop;
	(pc) =	sbr.rel @p1 .LBB2_1-.Ltmp5, $3  }
0x15e: {  	_ =	sdelay $0x1  }
0x15f: {  	[sflag:s20] =	ssyncset.done $0x0  }
0x160: {  	[sflag:s20] =	ssyncadd.s32 $0xFFFFFC00  }
0x161: {  	_ =	sfence.sel $0x180000  }
0x162: {  	[bflag:$0x0] =	sbarrier.arrive $0xFFFF  }
0x163: {  	_ =	strace $0x90000047  }
0x164: {  	s0 =	stileid.u32;
	[bflag:$0x2] =	sbarrier.arrive $0xFFFF  }
0x165: {  	p0 =	sne.s32 s0, $0x0;
	s0 =	rddreg [dreg:$0x3]  }
0x166: {  	s0 =	sadd.s32 @!p0 $0x100000, s0  }
0x167: {  	[sflag:s0] =	ssyncadd.tile.s32 @!p0 $0x1;
	_ =	shalt  }
.Lfunc_end2:
_tile_overlayer_lowered:
.L_overlay_start_2:
0x168: {  	(tag) =	ssettag $0x2  }
0x169: {  	s0 =	rddreg [dreg:$0x0];
	s2 =	stileid.u32  }
0x16a: {  	s1 =	rddreg [dreg:$0x1];
	p0 =	sne.s32 s2, $0x0  }
0x16b: {  	s3 =	rddreg [dreg:$0x2];
	[bflag:$0x3] =	sbarrier.arrive $0xFFFF;
	s2 =	simm.s32 @!p0 $0x1C07  }
0x16c: {  	[timem:s3], [sflag:s2] =	dma.local @!p0 [hbm:s0], s1  }
0x16d: {  	s0 =	simm.s32 @!p0 $0x7  }
0x16e: {  	_ =	swait.ge @!p0 [sflag:s0], s1  }
0x16f: {  	s1 =	ssub.s32 @!p0 $0x0, s1;
	[sflag:s0] =	ssyncset.done @!p0 $0x0  }
0x170: {  	[sflag:s0] =	ssyncadd.s32 @!p0 s1  }
0x171: {  	[bflag:$0x3] =	sbarrier.arrive $0xFFFF  }
0x172: {  	_ =	shalt  }

</sc_bundles>
